<compile_context>
chip_gen: v7x
topology: tpu7x:2x2x1
jax: 0.10.2.dev20260603
libtpu: 0.0.44.dev20260713+nightly
codegen_flags: <defaults>
</compile_context>

<pallas_src>
import functools

import jax
import jax.numpy as jnp
from jax import lax
from jax.experimental import pallas as pl
from jax.experimental.pallas import tpu as pltpu
from jax.experimental.pallas import tpu_sc as plsc

_NC, _NS, _L = 2, 16, 16
_NW = _NC * _NS
_C = 128
_NB = 2
_DW = 16


def _pad_rows(N):
    per = ((N + _NS - 1) // _NS + 127) // 128 * 128
    return per * _NS, per


def _pipeline(nch, start, finish, nb):
    for j in range(min(nb - 1, nch)):
        start(j, j)

    def body(jj, _):
        for k in range(nb):
            j = jj * nb + k

            def do_start(js=j + nb - 1, bs=(k + nb - 1) % nb):
                start(js, bs)

            def do_finish(jf=j, bf=k):
                finish(jf, bf)

            pl.when(j + nb - 1 < nch)(do_start)
            pl.when(j < nch)(do_finish)
        return 0

    lax.fori_loop(0, (nch + nb - 1) // nb, body, 0)


@functools.lru_cache(maxsize=None)
def _deg_kernel(N, E):
    epw = E // _NW
    nch = epw // _C
    tail = epw - nch * _C
    npad, rps = _pad_rows(N)
    zr = 128
    assert rps % zr == 0 and tail % 8 == 0
    mesh = plsc.VectorSubcoreMesh(core_axis_name="c", subcore_axis_name="s",
                                  num_cores=_NC, num_subcores=_NS)

    nb = 4

    @functools.partial(
        pl.kernel,
        out_type=jax.ShapeDtypeStruct((_NC, npad, _DW), jnp.float32),
        mesh=mesh,
        scratch_types=[
            [pltpu.VMEM((_C,), jnp.int32) for _ in range(nb)],
            pltpu.VMEM((tail,), jnp.int32) if tail else None,
            pltpu.VMEM((_C, _DW), jnp.float32),
            pltpu.VMEM((zr, _DW), jnp.float32),
            pltpu.VMEM_SHARED((npad, _DW), jnp.float32),
            [pltpu.SemaphoreType.DMA for _ in range(nb)],
            [pltpu.SemaphoreType.DMA for _ in range(nb)],
            pltpu.SemaphoreType.DMA,
        ],
    )
    def deg_k(dst_hbm, out_hbm, didx, didx_t, ones, zbuf, acc, si, ss, si_t):
        cid = lax.axis_index("c")
        sid = lax.axis_index("s")
        wid = sid * _NC + cid
        ebase = wid * epw
        zv = jnp.zeros((_L,), jnp.float32)
        ov = jnp.ones((_L,), jnp.float32)

        if tail:
            pltpu.async_copy(dst_hbm.at[pl.ds(ebase + nch * _C, tail)],
                             didx_t, si_t)

        def fill_ones(i, _):
            ones[i, :] = ov
            return 0
        lax.fori_loop(0, _C, fill_ones, 0)

        def fill_zero(i, _):
            zbuf[i, :] = zv
            return 0
        lax.fori_loop(0, zr, fill_zero, 0)

        def zero_acc(i, _):
            pltpu.sync_copy(zbuf, acc.at[pl.ds(sid * rps + i * zr, zr)])
            return 0
        lax.fori_loop(0, rps // zr, zero_acc, 0)
        plsc.subcore_barrier()

        def wait_scatter(b):
            pltpu.make_async_copy(ones, acc.at[didx[b]], ss[b]).wait()

        def start(j, b):
            pl.when(j >= nb)(lambda: wait_scatter(b))
            pltpu.async_copy(dst_hbm.at[pl.ds(ebase + j * _C, _C)],
                             didx[b], si[b])

        def finish(j, b):
            del j
            pltpu.make_async_copy(dst_hbm.at[pl.ds(0, _C)],
                                  didx[b], si[b]).wait()
            pltpu.async_copy(ones, acc.at[didx[b]], ss[b], add=True)

        _pipeline(nch, start, finish, nb)
        for b in range(min(nb, nch)):
            wait_scatter(b)
        if tail:
            pltpu.make_async_copy(dst_hbm.at[pl.ds(0, tail)],
                                  didx_t, si_t).wait()
            pltpu.sync_copy(ones.at[pl.ds(0, tail)], acc.at[didx_t], add=True)
        plsc.subcore_barrier()

        pltpu.sync_copy(acc.at[pl.ds(sid * rps, rps)],
                        out_hbm.at[cid, pl.ds(sid * rps, rps)])

    return deg_k


@functools.lru_cache(maxsize=None)
def _agg_kernel(N, E, H):
    epw = E // _NW
    nch = epw // _C
    tail = epw - nch * _C
    npad, rps = _pad_rows(N)
    zr = 32
    assert rps % zr == 0 and tail % 8 == 0 and epw % 8 == 0
    mesh = plsc.VectorSubcoreMesh(core_axis_name="c", subcore_axis_name="s",
                                  num_cores=_NC, num_subcores=_NS)

    @functools.partial(
        pl.kernel,
        out_type=jax.ShapeDtypeStruct((_NC, npad, H), jnp.float32),
        mesh=mesh,
        scratch_types=[
            pltpu.VMEM((epw,), jnp.int32),
            [pltpu.VMEM((_C,), jnp.int32) for _ in range(_NB)],
            pltpu.VMEM((tail,), jnp.int32) if tail else None,
            [pltpu.VMEM((_C, H), jnp.float32) for _ in range(_NB)],
            pltpu.VMEM((zr, H), jnp.float32),
            pltpu.VMEM_SHARED((npad, H), jnp.float32),
            [pltpu.SemaphoreType.DMA for _ in range(_NB)],
            [pltpu.SemaphoreType.DMA for _ in range(_NB)],
            [pltpu.SemaphoreType.DMA for _ in range(_NB)],
            pltpu.SemaphoreType.DMA,
        ],
    )
    def agg_k(y_hbm, src_hbm, dst_hbm, out_hbm, sidx_all, didx, didx_t,
              rows, zbuf, acc, si, sg, ss, s_t):
        cid = lax.axis_index("c")
        sid = lax.axis_index("s")
        wid = sid * _NC + cid
        ebase = wid * epw
        zv = jnp.zeros((_L,), jnp.float32)

        pltpu.async_copy(src_hbm.at[pl.ds(ebase, epw)], sidx_all, s_t)
        if tail:
            pltpu.async_copy(dst_hbm.at[pl.ds(ebase + nch * _C, tail)],
                             didx_t, si[0])

        def fill_zero(i, _):
            for k in range(H // _L):
                zbuf[i, pl.ds(k * _L, _L)] = zv
            return 0
        lax.fori_loop(0, zr, fill_zero, 0)

        def zero_start(i, _):
            pltpu.async_copy(zbuf, acc.at[pl.ds(sid * rps + i * zr, zr)],
                             sg[0])
            return 0
        lax.fori_loop(0, rps // zr, zero_start, 0)

        def zero_wait(i, _):
            pltpu.make_async_copy(zbuf, acc.at[pl.ds(sid * rps + i * zr, zr)],
                                  sg[0]).wait()
            return 0
        lax.fori_loop(0, rps // zr, zero_wait, 0)
        pltpu.make_async_copy(src_hbm.at[pl.ds(0, epw)], sidx_all, s_t).wait()
        if tail:
            pltpu.make_async_copy(dst_hbm.at[pl.ds(0, tail)],
                                  didx_t, si[0]).wait()
        plsc.subcore_barrier()

        def wait_scatter(b):
            pltpu.make_async_copy(rows[b], acc.at[didx[b]], ss[b]).wait()

        def start(j, b):
            pl.when(j >= _NB)(lambda: wait_scatter(b))
            pltpu.async_copy(dst_hbm.at[pl.ds(ebase + j * _C, _C)],
                             didx[b], si[b])
            pltpu.async_copy(y_hbm.at[sidx_all.at[pl.ds(j * _C, _C)]],
                             rows[b], sg[b])

        def finish(j, b):
            del j
            pltpu.make_async_copy(dst_hbm.at[pl.ds(0, _C)],
                                  didx[b], si[b]).wait()
            pltpu.make_async_copy(y_hbm.at[pl.ds(0, _C)], rows[b],
                                  sg[b]).wait()
            pltpu.async_copy(rows[b], acc.at[didx[b]], ss[b], add=True)

        _pipeline(nch, start, finish, _NB)
        for b in range(min(_NB, nch)):
            wait_scatter(b)
        if tail:
            rows_t = rows[0].at[pl.ds(0, tail)]
            pltpu.async_copy(y_hbm.at[sidx_all.at[pl.ds(nch * _C, tail)]],
                             rows_t, s_t)
            pltpu.make_async_copy(y_hbm.at[pl.ds(0, tail)], rows_t,
                                  s_t).wait()
            pltpu.sync_copy(rows_t, acc.at[didx_t], add=True)
        plsc.subcore_barrier()

        pltpu.sync_copy(acc.at[pl.ds(sid * rps, rps)],
                        out_hbm.at[cid, pl.ds(sid * rps, rps)])

    return agg_k


def _dinv_block(dp_ref):
    deg = dp_ref[0, :, 0:1] + dp_ref[1, :, 0:1] + 1.0
    return lax.rsqrt(deg)


def _prep_call(deg_parts, x, W):
    N, H = x.shape
    bn = 2000

    def body(dp_ref, x_ref, w_ref, y_ref):
        z = jnp.dot(x_ref[...], w_ref[...], preferred_element_type=jnp.float32)
        y_ref[...] = z * _dinv_block(dp_ref)

    return pl.pallas_call(
        body,
        grid=(N // bn,),
        in_specs=[
            pl.BlockSpec((_NC, bn, _DW), lambda i: (0, i, 0)),
            pl.BlockSpec((bn, H), lambda i: (i, 0)),
            pl.BlockSpec((H, H), lambda i: (0, 0)),
        ],
        out_specs=pl.BlockSpec((bn, H), lambda i: (i, 0)),
        out_shape=jax.ShapeDtypeStruct((N, H), jnp.float32),
    )(deg_parts, x, W)


def _mid_call(deg_parts, agg, y, b, W):
    N, H = y.shape
    bn = 2000

    def body(dp_ref, a_ref, y_ref, b_ref, w_ref, o_ref):
        dinv = _dinv_block(dp_ref)
        h = (a_ref[0] + a_ref[1] + y_ref[...]) * dinv + b_ref[...]
        o_ref[...] = jnp.dot(h, w_ref[...],
                             preferred_element_type=jnp.float32) * dinv

    return pl.pallas_call(
        body,
        grid=(N // bn,),
        in_specs=[
            pl.BlockSpec((_NC, bn, _DW), lambda i: (0, i, 0)),
            pl.BlockSpec((_NC, bn, H), lambda i: (0, i, 0)),
            pl.BlockSpec((bn, H), lambda i: (i, 0)),
            pl.BlockSpec((1, H), lambda i: (0, 0)),
            pl.BlockSpec((H, H), lambda i: (0, 0)),
        ],
        out_specs=pl.BlockSpec((bn, H), lambda i: (i, 0)),
        out_shape=jax.ShapeDtypeStruct((N, H), jnp.float32),
    )(deg_parts, agg, y, b, W)


def _fin_call(deg_parts, agg, y, b):
    N, H = y.shape
    bn = 2000

    def body(dp_ref, a_ref, y_ref, b_ref, o_ref):
        dinv = _dinv_block(dp_ref)
        o_ref[...] = (a_ref[0] + a_ref[1] + y_ref[...]) * dinv + b_ref[...]

    return pl.pallas_call(
        body,
        grid=(N // bn,),
        in_specs=[
            pl.BlockSpec((_NC, bn, _DW), lambda i: (0, i, 0)),
            pl.BlockSpec((_NC, bn, H), lambda i: (0, i, 0)),
            pl.BlockSpec((bn, H), lambda i: (i, 0)),
            pl.BlockSpec((1, H), lambda i: (0, 0)),
        ],
        out_specs=pl.BlockSpec((bn, H), lambda i: (i, 0)),
        out_shape=jax.ShapeDtypeStruct((N, H), jnp.float32),
    )(deg_parts, agg, y, b)


def kernel(embeddings, edge_index, W1, b1, W2, b2):
    x = embeddings
    src = edge_index[0].astype(jnp.int32)
    dst = edge_index[1].astype(jnp.int32)
    N, H = x.shape
    E = src.shape[0]

    deg_parts = _deg_kernel(N, E)(dst)
    y1 = _prep_call(deg_parts, x, W1)
    agg1 = _agg_kernel(N, E, H)(y1, src, dst)
    y2 = _mid_call(deg_parts, agg1, y1, b1.reshape(1, H), W2)
    agg2 = _agg_kernel(N, E, H)(y2, src, dst)
    return _fin_call(deg_parts, agg2, y2, b2.reshape(1, H))

# --- scband reference (transcript-rebuilt; emitter-appended) ---
"""Pipeline reference for scband-gnn-68032281968803 (READ-ONLY COPY).

The authoritative reference and input builder live on the scoring server;
editing this copy changes nothing except your own understanding.
"""

import jax, jax.numpy as jnp
import numpy as np


def _gcn_layer(x, src, dst, W, b):
    # Faithful PyG GCNConv: x' = D^{-1/2} (A + I) D^{-1/2} (x W) + b
    n = x.shape[0]
    x = x @ W
    loop = jnp.arange(n, dtype=src.dtype)
    s = jnp.concatenate([src, loop])
    d = jnp.concatenate([dst, loop])
    deg = jnp.zeros((n,), dtype=x.dtype).at[d].add(1.0)
    dinv = jnp.where(deg > 0, 1.0 / jnp.sqrt(deg), 0.0)
    norm = dinv[s] * dinv[d]
    msg = norm[:, None] * x[s]
    out = jnp.zeros_like(x).at[d].add(msg)
    return out + b


def setup_inputs(seed: int = 0):
    key = jax.random.key(seed)
    k1, k2, k3, k4 = jax.random.split(key, 4)
    N, E, H = 10000, 320000, 128
    embeddings = jax.random.normal(k1, (N, H), dtype=jnp.float32)
    edge_index = jax.random.randint(k2, (2, E), 0, N)
    scale = 1.0 / np.sqrt(H)
    W1 = jax.random.normal(k3, (H, H), dtype=jnp.float32) * scale
    W2 = jax.random.normal(k4, (H, H), dtype=jnp.float32) * scale
    b1 = jnp.zeros((H,), dtype=jnp.float32)
    b2 = jnp.zeros((H,), dtype=jnp.float32)
    return {"embeddings": embeddings, "edge_index": edge_index, "W1": W1, "b1": b1, "W2": W2, "b2": b2}


def reference(embeddings, edge_index, W1, b1, W2, b2):
    src, dst = edge_index[0], edge_index[1]
    x = _gcn_layer(embeddings, src, dst, W1, b1)
    x = _gcn_layer(x, src, dst, W2, b2)
    return x

if __name__ == "__main__":
    import jax
    _d = setup_inputs()
    print(jax.jit(kernel)(*tuple(_d.values())))

</pallas_src>

<mosaic_0001>
#map = affine_map<(d0, d1) -> (0)>
#map1 = affine_map<(d0, d1) -> (0, 0, 0)>
module attributes {stable_mosaic.version = 14 : i64} {
  func.func @deg_k(%arg0: i32, %arg1: i32, %arg2: memref<320000xi32, #tpu.memory_space<hbm>>, %arg3: memref<2x10240x16xf32, #tpu.memory_space<hbm>>, %arg4: memref<128xi32, #tpu.memory_space<vmem>>, %arg5: memref<128xi32, #tpu.memory_space<vmem>>, %arg6: memref<128xi32, #tpu.memory_space<vmem>>, %arg7: memref<128xi32, #tpu.memory_space<vmem>>, %arg8: memref<16xi32, #tpu.memory_space<vmem>>, %arg9: memref<128x16xf32, #tpu.memory_space<vmem>>, %arg10: memref<128x16xf32, #tpu.memory_space<vmem>>, %arg11: memref<10240x16xf32, #tpu.memory_space<vmem_shared>>, %arg12: memref<!tpu.dma_semaphore, #tpu.memory_space<semaphore_mem>>, %arg13: memref<!tpu.dma_semaphore, #tpu.memory_space<semaphore_mem>>, %arg14: memref<!tpu.dma_semaphore, #tpu.memory_space<semaphore_mem>>, %arg15: memref<!tpu.dma_semaphore, #tpu.memory_space<semaphore_mem>>, %arg16: memref<!tpu.dma_semaphore, #tpu.memory_space<semaphore_mem>>, %arg17: memref<!tpu.dma_semaphore, #tpu.memory_space<semaphore_mem>>, %arg18: memref<!tpu.dma_semaphore, #tpu.memory_space<semaphore_mem>>, %arg19: memref<!tpu.dma_semaphore, #tpu.memory_space<semaphore_mem>>, %arg20: memref<!tpu.dma_semaphore, #tpu.memory_space<semaphore_mem>>) attributes {dimension_semantics = [#tpu.dimension_semantics<core_parallel>, #tpu.dimension_semantics<subcore_parallel>], iteration_bounds = array<i64: 2, 16>, scalar_prefetch = 0 : i64, scratch_operands = 17 : i64, tpu.core_type = #tpu.core_type<sc_vector_subcore>, window_params = [{transform_indices = #map}, {transform_indices = #map1}]} {
    %mul3A = arith.constant 2 : i32
    %mul3A_0 = arith.muli %arg1, %mul3A : i32
    %add3A = arith.addi %mul3A_0, %arg0 : i32
    %mul3A_1 = arith.constant 10000 : i32
    %mul3A_2 = arith.muli %add3A, %mul3A_1 : i32
    %broadcast_in_dim3A = arith.constant 0.000000e+00 : f32
    %broadcast_in_dim3A_3 = vector.broadcast %broadcast_in_dim3A : f32 to vector<16xf32>
    %broadcast_in_dim3A_4 = arith.constant 1.000000e+00 : f32
    %broadcast_in_dim3A_5 = vector.broadcast %broadcast_in_dim3A_4 : f32 to vector<16xf32>
    %add3A_6 = arith.constant 9984 : i32
    %add3A_7 = arith.addi %mul3A_2, %add3A_6 : i32
    %dma_start3A = tpu.memref_slice %arg2[%add3A_7] : memref<320000xi32, #tpu.memory_space<hbm>> -> memref<16xi32, #tpu.memory_space<hbm>>
    %dma_start3A_8 = tpu.memref_slice %arg2[%add3A_7] : memref<320000xi32, #tpu.memory_space<hbm>> -> memref<16xi32, #tpu.memory_space<hbm>>
    tpu.enqueue_dma source(%dma_start3A_8 : memref<16xi32, #tpu.memory_space<hbm>>) target(%arg8 : memref<16xi32, #tpu.memory_space<vmem>>) target_semaphore(%arg20 : memref<!tpu.dma_semaphore, #tpu.memory_space<semaphore_mem>>)
    %scan3A = arith.constant 0 : i32
    %scan3A_9 = arith.constant 0 : i32
    %scan3A_10 = arith.constant 128 : i32
    %scan3A_11 = arith.addi %scan3A_9, %scan3A_10 : i32
    %scan3A_12 = arith.constant 1 : i32
    %scan3A_13 = scf.for %scan3A_68 = %scan3A_9 to %scan3A_11 step %scan3A_12 iter_args(%scan3A_69 = %scan3A) -> (i32)  : i32 {
      %swap3A = arith.index_cast %scan3A_68 : i32 to index
      %swap3A_70 = arith.constant 0 : index
      %swap3A_71 = tpu.vector_load %arg9[%swap3A, %swap3A_70] {strides = array<i32>} : memref<128x16xf32, #tpu.memory_space<vmem>>, vector<1x16xf32>,
      %swap3A_72 = vector.shape_cast %swap3A_71 : vector<1x16xf32> to vector<16xf32>
      %swap3A_73 = vector.shape_cast %broadcast_in_dim3A_5 : vector<16xf32> to vector<1x16xf32>
      tpu.vector_store %arg9[%swap3A, %swap3A_70], %swap3A_73 {strides = array<i32>} : memref<128x16xf32, #tpu.memory_space<vmem>>, vector<1x16xf32>,
      %scan3A_74 = arith.constant 0 : i32
      scf.yield %scan3A_74 : i32
    }
    %scan3A_14 = arith.constant 128 : i32
    %scan3A_15 = arith.constant 0 : i32
    %scan3A_16 = arith.constant 0 : i32
    %scan3A_17 = arith.constant 128 : i32
    %scan3A_18 = arith.addi %scan3A_16, %scan3A_17 : i32
    %scan3A_19 = arith.constant 1 : i32
    %scan3A_20 = scf.for %scan3A_68 = %scan3A_16 to %scan3A_18 step %scan3A_19 iter_args(%scan3A_69 = %scan3A_15) -> (i32)  : i32 {
      %swap3A = arith.index_cast %scan3A_68 : i32 to index
      %swap3A_70 = arith.constant 0 : index
      %swap3A_71 = tpu.vector_load %arg10[%swap3A, %swap3A_70] {strides = array<i32>} : memref<128x16xf32, #tpu.memory_space<vmem>>, vector<1x16xf32>,
      %swap3A_72 = vector.shape_cast %swap3A_71 : vector<1x16xf32> to vector<16xf32>
      %swap3A_73 = vector.shape_cast %broadcast_in_dim3A_3 : vector<16xf32> to vector<1x16xf32>
      tpu.vector_store %arg10[%swap3A, %swap3A_70], %swap3A_73 {strides = array<i32>} : memref<128x16xf32, #tpu.memory_space<vmem>>, vector<1x16xf32>,
      %scan3A_74 = arith.constant 0 : i32
      scf.yield %scan3A_74 : i32
    }
    %scan3A_21 = arith.constant 128 : i32
    %scan3A_22 = arith.constant 0 : i32
    %scan3A_23 = arith.constant 0 : i32
    %scan3A_24 = arith.constant 5 : i32
    %scan3A_25 = arith.addi %scan3A_23, %scan3A_24 : i32
    %scan3A_26 = arith.constant 1 : i32
    %scan3A_27 = scf.for %scan3A_68 = %scan3A_23 to %scan3A_25 step %scan3A_26 iter_args(%scan3A_69 = %scan3A_22) -> (i32)  : i32 {
      %mul3A_70 = arith.constant 640 : i32
      %mul3A_71 = arith.muli %arg1, %mul3A_70 : i32
      %mul3A_72 = arith.constant 128 : i32
      %mul3A_73 = arith.muli %scan3A_68, %mul3A_72 : i32
      %add3A_74 = arith.addi %mul3A_71, %mul3A_73 : i32
      "tpu.region"() ({
        %run_scoped3A = tpu.sem_alloc : memref<!tpu.dma_semaphore, #tpu.memory_space<semaphore_mem>>
        %dma_start3A_76 = arith.constant 0 : i32
        %dma_start3A_77 = tpu.memref_slice %arg11[%add3A_74, %dma_start3A_76] : memref<10240x16xf32, #tpu.memory_space<vmem_shared>> -> memref<128x16xf32, #tpu.memory_space<vmem_shared>>
        %dma_start3A_78 = arith.constant 0 : i32
        %dma_start3A_79 = tpu.memref_slice %arg11[%add3A_74, %dma_start3A_78] : memref<10240x16xf32, #tpu.memory_space<vmem_shared>> -> memref<128x16xf32, #tpu.memory_space<vmem_shared>>
        tpu.enqueue_dma source(%arg10 : memref<128x16xf32, #tpu.memory_space<vmem>>) target(%dma_start3A_79 : memref<128x16xf32, #tpu.memory_space<vmem_shared>>) target_semaphore(%run_scoped3A : memref<!tpu.dma_semaphore, #tpu.memory_space<semaphore_mem>>)
        %dma_wait3A_80 = arith.constant 0 : i32
        %dma_wait3A_81 = tpu.memref_slice %arg11[%add3A_74, %dma_wait3A_80] : memref<10240x16xf32, #tpu.memory_space<vmem_shared>> -> memref<128x16xf32, #tpu.memory_space<vmem_shared>>
        %dma_wait3A_82 = arith.constant 0 : i32
        %dma_wait3A_83 = tpu.memref_slice %arg11[%add3A_74, %dma_wait3A_82] : memref<10240x16xf32, #tpu.memory_space<vmem_shared>> -> memref<128x16xf32, #tpu.memory_space<vmem_shared>>
        tpu.wait_dma2 semaphore(%run_scoped3A : memref<!tpu.dma_semaphore, #tpu.memory_space<semaphore_mem>>) src(%arg10 : memref<128x16xf32, #tpu.memory_space<vmem>>) dst(%dma_wait3A_83 : memref<128x16xf32, #tpu.memory_space<vmem_shared>>)
        tpu.yield
      }) : () -> ()
      %scan3A_75 = arith.constant 0 : i32
      scf.yield %scan3A_75 : i32
    }
    %scan3A_28 = arith.constant 5 : i32
    %barrier3A = arith.constant 0 : index
    tpu.barrier barrier_id(%barrier3A)
    %add3A_29 = arith.constant 0 : i32
    %add3A_30 = arith.addi %mul3A_2, %add3A_29 : i32
    %dma_start3A_31 = tpu.memref_slice %arg2[%add3A_30] : memref<320000xi32, #tpu.memory_space<hbm>> -> memref<128xi32, #tpu.memory_space<hbm>>
    %dma_start3A_32 = tpu.memref_slice %arg2[%add3A_30] : memref<320000xi32, #tpu.memory_space<hbm>> -> memref<128xi32, #tpu.memory_space<hbm>>
    tpu.enqueue_dma source(%dma_start3A_32 : memref<128xi32, #tpu.memory_space<hbm>>) target(%arg4 : memref<128xi32, #tpu.memory_space<vmem>>) target_semaphore(%arg12 : memref<!tpu.dma_semaphore, #tpu.memory_space<semaphore_mem>>)
    %add3A_33 = arith.constant 128 : i32
    %add3A_34 = arith.addi %mul3A_2, %add3A_33 : i32
    %dma_start3A_35 = tpu.memref_slice %arg2[%add3A_34] : memref<320000xi32, #tpu.memory_space<hbm>> -> memref<128xi32, #tpu.memory_space<hbm>>
    %dma_start3A_36 = tpu.memref_slice %arg2[%add3A_34] : memref<320000xi32, #tpu.memory_space<hbm>> -> memref<128xi32, #tpu.memory_space<hbm>>
    tpu.enqueue_dma source(%dma_start3A_36 : memref<128xi32, #tpu.memory_space<hbm>>) target(%arg5 : memref<128xi32, #tpu.memory_space<vmem>>) target_semaphore(%arg13 : memref<!tpu.dma_semaphore, #tpu.memory_space<semaphore_mem>>)
    %add3A_37 = arith.constant 256 : i32
    %add3A_38 = arith.addi %mul3A_2, %add3A_37 : i32
    %dma_start3A_39 = tpu.memref_slice %arg2[%add3A_38] : memref<320000xi32, #tpu.memory_space<hbm>> -> memref<128xi32, #tpu.memory_space<hbm>>
    %dma_start3A_40 = tpu.memref_slice %arg2[%add3A_38] : memref<320000xi32, #tpu.memory_space<hbm>> -> memref<128xi32, #tpu.memory_space<hbm>>
    tpu.enqueue_dma source(%dma_start3A_40 : memref<128xi32, #tpu.memory_space<hbm>>) target(%arg6 : memref<128xi32, #tpu.memory_space<vmem>>) target_semaphore(%arg14 : memref<!tpu.dma_semaphore, #tpu.memory_space<semaphore_mem>>)
    %scan3A_41 = arith.constant 0 : i32
    %scan3A_42 = arith.constant 0 : i32
    %scan3A_43 = arith.constant 20 : i32
    %scan3A_44 = arith.addi %scan3A_42, %scan3A_43 : i32
    %scan3A_45 = arith.constant 1 : i32
    %scan3A_46 = scf.for %scan3A_68 = %scan3A_42 to %scan3A_44 step %scan3A_45 iter_args(%scan3A_69 = %scan3A_41) -> (i32)  : i32 {
      %mul3A_70 = arith.constant 4 : i32
      %mul3A_71 = arith.muli %scan3A_68, %mul3A_70 : i32
      %add3A_72 = arith.constant 0 : i32
      %add3A_73 = arith.addi %mul3A_71, %add3A_72 : i32
      %add3A_74 = arith.constant 4 : i32
      %add3A_75 = arith.addi %add3A_73, %add3A_74 : i32
      %sub3A = arith.constant 1 : i32
      %sub3A_76 = arith.subi %add3A_75, %sub3A : i32
      %add3A_77 = arith.constant 4 : i32
      %add3A_78 = arith.addi %add3A_73, %add3A_77 : i32
      %sub3A_79 = arith.constant 1 : i32
      %sub3A_80 = arith.subi %add3A_78, %sub3A_79 : i32
      %lt3A = arith.constant 78 : i32
      %lt3A_81 = arith.cmpi slt, %sub3A_80, %lt3A : i32
      %convert_element_type3A = arith.extui %lt3A_81 : i1 to i32
      %cond3A = arith.constant 0 : i32
      %cond3A_82 = arith.cmpi ne, %convert_element_type3A, %cond3A : i32
      scf.if %cond3A_82 {
        %ge3A = arith.constant 4 : i32
        %ge3A_155 = arith.cmpi sge, %sub3A_76, %ge3A : i32
        %convert_element_type3A_156 = arith.extui %ge3A_155 : i1 to i32
        %cond3A_157 = arith.constant 0 : i32
        %cond3A_158 = arith.cmpi ne, %convert_element_type3A_156, %cond3A_157 : i32
        scf.if %cond3A_158 {
          %dma_wait3A_164 = arith.constant 0 : i32
          %dma_wait3A_165 = arith.constant 0 : i32
          %dma_wait3A_166 = tpu.memref_slice %arg11[%dma_wait3A_164, %dma_wait3A_165] : memref<10240x16xf32, #tpu.memory_space<vmem_shared>> -> memref<10240x16xf32, #tpu.memory_space<vmem_shared>>
          tpu.wait_indirect_dma semaphore(%arg19 : memref<!tpu.dma_semaphore, #tpu.memory_space<semaphore_mem>>) src(%arg9 : memref<128x16xf32, #tpu.memory_space<vmem>>) dst(%dma_wait3A_166 : memref<10240x16xf32, #tpu.memory_space<vmem_shared>>)
        } else {
        }
        %mul3A_159 = arith.constant 128 : i32
        %mul3A_160 = arith.muli %sub3A_76, %mul3A_159 : i32
        %add3A_161 = arith.addi %mul3A_2, %mul3A_160 : i32
        %dma_start3A_162 = tpu.memref_slice %arg2[%add3A_161] : memref<320000xi32, #tpu.memory_space<hbm>> -> memref<128xi32, #tpu.memory_space<hbm>>
        %dma_start3A_163 = tpu.memref_slice %arg2[%add3A_161] : memref<320000xi32, #tpu.memory_space<hbm>> -> memref<128xi32, #tpu.memory_space<hbm>>
        tpu.enqueue_dma source(%dma_start3A_163 : memref<128xi32, #tpu.memory_space<hbm>>) target(%arg7 : memref<128xi32, #tpu.memory_space<vmem>>) target_semaphore(%arg15 : memref<!tpu.dma_semaphore, #tpu.memory_space<semaphore_mem>>)
      } else {
      }
      %lt3A_83 = arith.constant 78 : i32
      %lt3A_84 = arith.cmpi slt, %add3A_73, %lt3A_83 : i32
      %convert_element_type3A_85 = arith.extui %lt3A_84 : i1 to i32
      %cond3A_86 = arith.constant 0 : i32
      %cond3A_87 = arith.cmpi ne, %convert_element_type3A_85, %cond3A_86 : i32
      scf.if %cond3A_87 {
        %dma_wait3A_155 = arith.constant 0 : i32
        %dma_wait3A_156 = tpu.memref_slice %arg2[%dma_wait3A_155] : memref<320000xi32, #tpu.memory_space<hbm>> -> memref<128xi32, #tpu.memory_space<hbm>>
        %dma_wait3A_157 = arith.constant 0 : i32
        %dma_wait3A_158 = tpu.memref_slice %arg2[%dma_wait3A_157] : memref<320000xi32, #tpu.memory_space<hbm>> -> memref<128xi32, #tpu.memory_space<hbm>>
        tpu.wait_dma2 semaphore(%arg12 : memref<!tpu.dma_semaphore, #tpu.memory_space<semaphore_mem>>) src(%dma_wait3A_158 : memref<128xi32, #tpu.memory_space<hbm>>) dst(%arg4 : memref<128xi32, #tpu.memory_space<vmem>>)
        %dma_start3A_159 = arith.constant 0 : i32
        %dma_start3A_160 = arith.constant 0 : i32
        %dma_start3A_161 = tpu.memref_slice %arg11[%dma_start3A_159, %dma_start3A_160] : memref<10240x16xf32, #tpu.memory_space<vmem_shared>> -> memref<10240x16xf32, #tpu.memory_space<vmem_shared>>
        tpu.enqueue_indirect_dma source(%arg9 : memref<128x16xf32, #tpu.memory_space<vmem>>) target(%dma_start3A_161 : memref<10240x16xf32, #tpu.memory_space<vmem_shared>>) offsets(%arg4 : memref<128xi32, #tpu.memory_space<vmem>>) semaphore(%arg16 : memref<!tpu.dma_semaphore, #tpu.memory_space<semaphore_mem>>) {add = true}
      } else {
      }
      %mul3A_88 = arith.constant 4 : i32
      %mul3A_89 = arith.muli %scan3A_68, %mul3A_88 : i32
      %add3A_90 = arith.constant 1 : i32
      %add3A_91 = arith.addi %mul3A_89, %add3A_90 : i32
      %add3A_92 = arith.constant 4 : i32
      %add3A_93 = arith.addi %add3A_91, %add3A_92 : i32
      %sub3A_94 = arith.constant 1 : i32
      %sub3A_95 = arith.subi %add3A_93, %sub3A_94 : i32
      %add3A_96 = arith.constant 4 : i32
      %add3A_97 = arith.addi %add3A_91, %add3A_96 : i32
      %sub3A_98 = arith.constant 1 : i32
      %sub3A_99 = arith.subi %add3A_97, %sub3A_98 : i32
      %lt3A_100 = arith.constant 78 : i32
      %lt3A_101 = arith.cmpi slt, %sub3A_99, %lt3A_100 : i32
      %convert_element_type3A_102 = arith.extui %lt3A_101 : i1 to i32
      %cond3A_103 = arith.constant 0 : i32
      %cond3A_104 = arith.cmpi ne, %convert_element_type3A_102, %cond3A_103 : i32
      scf.if %cond3A_104 {
        %ge3A = arith.constant 4 : i32
        %ge3A_155 = arith.cmpi sge, %sub3A_95, %ge3A : i32
        %convert_element_type3A_156 = arith.extui %ge3A_155 : i1 to i32
        %cond3A_157 = arith.constant 0 : i32
        %cond3A_158 = arith.cmpi ne, %convert_element_type3A_156, %cond3A_157 : i32
        scf.if %cond3A_158 {
          %dma_wait3A_164 = arith.constant 0 : i32
          %dma_wait3A_165 = arith.constant 0 : i32
          %dma_wait3A_166 = tpu.memref_slice %arg11[%dma_wait3A_164, %dma_wait3A_165] : memref<10240x16xf32, #tpu.memory_space<vmem_shared>> -> memref<10240x16xf32, #tpu.memory_space<vmem_shared>>
          tpu.wait_indirect_dma semaphore(%arg16 : memref<!tpu.dma_semaphore, #tpu.memory_space<semaphore_mem>>) src(%arg9 : memref<128x16xf32, #tpu.memory_space<vmem>>) dst(%dma_wait3A_166 : memref<10240x16xf32, #tpu.memory_space<vmem_shared>>)
        } else {
        }
        %mul3A_159 = arith.constant 128 : i32
        %mul3A_160 = arith.muli %sub3A_95, %mul3A_159 : i32
        %add3A_161 = arith.addi %mul3A_2, %mul3A_160 : i32
        %dma_start3A_162 = tpu.memref_slice %arg2[%add3A_161] : memref<320000xi32, #tpu.memory_space<hbm>> -> memref<128xi32, #tpu.memory_space<hbm>>
        %dma_start3A_163 = tpu.memref_slice %arg2[%add3A_161] : memref<320000xi32, #tpu.memory_space<hbm>> -> memref<128xi32, #tpu.memory_space<hbm>>
        tpu.enqueue_dma source(%dma_start3A_163 : memref<128xi32, #tpu.memory_space<hbm>>) target(%arg4 : memref<128xi32, #tpu.memory_space<vmem>>) target_semaphore(%arg12 : memref<!tpu.dma_semaphore, #tpu.memory_space<semaphore_mem>>)
      } else {
      }
      %lt3A_105 = arith.constant 78 : i32
      %lt3A_106 = arith.cmpi slt, %add3A_91, %lt3A_105 : i32
      %convert_element_type3A_107 = arith.extui %lt3A_106 : i1 to i32
      %cond3A_108 = arith.constant 0 : i32
      %cond3A_109 = arith.cmpi ne, %convert_element_type3A_107, %cond3A_108 : i32
      scf.if %cond3A_109 {
        %dma_wait3A_155 = arith.constant 0 : i32
        %dma_wait3A_156 = tpu.memref_slice %arg2[%dma_wait3A_155] : memref<320000xi32, #tpu.memory_space<hbm>> -> memref<128xi32, #tpu.memory_space<hbm>>
        %dma_wait3A_157 = arith.constant 0 : i32
        %dma_wait3A_158 = tpu.memref_slice %arg2[%dma_wait3A_157] : memref<320000xi32, #tpu.memory_space<hbm>> -> memref<128xi32, #tpu.memory_space<hbm>>
        tpu.wait_dma2 semaphore(%arg13 : memref<!tpu.dma_semaphore, #tpu.memory_space<semaphore_mem>>) src(%dma_wait3A_158 : memref<128xi32, #tpu.memory_space<hbm>>) dst(%arg5 : memref<128xi32, #tpu.memory_space<vmem>>)
        %dma_start3A_159 = arith.constant 0 : i32
        %dma_start3A_160 = arith.constant 0 : i32
        %dma_start3A_161 = tpu.memref_slice %arg11[%dma_start3A_159, %dma_start3A_160] : memref<10240x16xf32, #tpu.memory_space<vmem_shared>> -> memref<10240x16xf32, #tpu.memory_space<vmem_shared>>
        tpu.enqueue_indirect_dma source(%arg9 : memref<128x16xf32, #tpu.memory_space<vmem>>) target(%dma_start3A_161 : memref<10240x16xf32, #tpu.memory_space<vmem_shared>>) offsets(%arg5 : memref<128xi32, #tpu.memory_space<vmem>>) semaphore(%arg17 : memref<!tpu.dma_semaphore, #tpu.memory_space<semaphore_mem>>) {add = true}
      } else {
      }
      %mul3A_110 = arith.constant 4 : i32
      %mul3A_111 = arith.muli %scan3A_68, %mul3A_110 : i32
      %add3A_112 = arith.constant 2 : i32
      %add3A_113 = arith.addi %mul3A_111, %add3A_112 : i32
      %add3A_114 = arith.constant 4 : i32
      %add3A_115 = arith.addi %add3A_113, %add3A_114 : i32
      %sub3A_116 = arith.constant 1 : i32
      %sub3A_117 = arith.subi %add3A_115, %sub3A_116 : i32
      %add3A_118 = arith.constant 4 : i32
      %add3A_119 = arith.addi %add3A_113, %add3A_118 : i32
      %sub3A_120 = arith.constant 1 : i32
      %sub3A_121 = arith.subi %add3A_119, %sub3A_120 : i32
      %lt3A_122 = arith.constant 78 : i32
      %lt3A_123 = arith.cmpi slt, %sub3A_121, %lt3A_122 : i32
      %convert_element_type3A_124 = arith.extui %lt3A_123 : i1 to i32
      %cond3A_125 = arith.constant 0 : i32
      %cond3A_126 = arith.cmpi ne, %convert_element_type3A_124, %cond3A_125 : i32
      scf.if %cond3A_126 {
        %ge3A = arith.constant 4 : i32
        %ge3A_155 = arith.cmpi sge, %sub3A_117, %ge3A : i32
        %convert_element_type3A_156 = arith.extui %ge3A_155 : i1 to i32
        %cond3A_157 = arith.constant 0 : i32
        %cond3A_158 = arith.cmpi ne, %convert_element_type3A_156, %cond3A_157 : i32
        scf.if %cond3A_158 {
          %dma_wait3A_164 = arith.constant 0 : i32
          %dma_wait3A_165 = arith.constant 0 : i32
          %dma_wait3A_166 = tpu.memref_slice %arg11[%dma_wait3A_164, %dma_wait3A_165] : memref<10240x16xf32, #tpu.memory_space<vmem_shared>> -> memref<10240x16xf32, #tpu.memory_space<vmem_shared>>
          tpu.wait_indirect_dma semaphore(%arg17 : memref<!tpu.dma_semaphore, #tpu.memory_space<semaphore_mem>>) src(%arg9 : memref<128x16xf32, #tpu.memory_space<vmem>>) dst(%dma_wait3A_166 : memref<10240x16xf32, #tpu.memory_space<vmem_shared>>)
        } else {
        }
        %mul3A_159 = arith.constant 128 : i32
        %mul3A_160 = arith.muli %sub3A_117, %mul3A_159 : i32
        %add3A_161 = arith.addi %mul3A_2, %mul3A_160 : i32
        %dma_start3A_162 = tpu.memref_slice %arg2[%add3A_161] : memref<320000xi32, #tpu.memory_space<hbm>> -> memref<128xi32, #tpu.memory_space<hbm>>
        %dma_start3A_163 = tpu.memref_slice %arg2[%add3A_161] : memref<320000xi32, #tpu.memory_space<hbm>> -> memref<128xi32, #tpu.memory_space<hbm>>
        tpu.enqueue_dma source(%dma_start3A_163 : memref<128xi32, #tpu.memory_space<hbm>>) target(%arg5 : memref<128xi32, #tpu.memory_space<vmem>>) target_semaphore(%arg13 : memref<!tpu.dma_semaphore, #tpu.memory_space<semaphore_mem>>)
      } else {
      }
      %lt3A_127 = arith.constant 78 : i32
      %lt3A_128 = arith.cmpi slt, %add3A_113, %lt3A_127 : i32
      %convert_element_type3A_129 = arith.extui %lt3A_128 : i1 to i32
      %cond3A_130 = arith.constant 0 : i32
      %cond3A_131 = arith.cmpi ne, %convert_element_type3A_129, %cond3A_130 : i32
      scf.if %cond3A_131 {
        %dma_wait3A_155 = arith.constant 0 : i32
        %dma_wait3A_156 = tpu.memref_slice %arg2[%dma_wait3A_155] : memref<320000xi32, #tpu.memory_space<hbm>> -> memref<128xi32, #tpu.memory_space<hbm>>
        %dma_wait3A_157 = arith.constant 0 : i32
        %dma_wait3A_158 = tpu.memref_slice %arg2[%dma_wait3A_157] : memref<320000xi32, #tpu.memory_space<hbm>> -> memref<128xi32, #tpu.memory_space<hbm>>
        tpu.wait_dma2 semaphore(%arg14 : memref<!tpu.dma_semaphore, #tpu.memory_space<semaphore_mem>>) src(%dma_wait3A_158 : memref<128xi32, #tpu.memory_space<hbm>>) dst(%arg6 : memref<128xi32, #tpu.memory_space<vmem>>)
        %dma_start3A_159 = arith.constant 0 : i32
        %dma_start3A_160 = arith.constant 0 : i32
        %dma_start3A_161 = tpu.memref_slice %arg11[%dma_start3A_159, %dma_start3A_160] : memref<10240x16xf32, #tpu.memory_space<vmem_shared>> -> memref<10240x16xf32, #tpu.memory_space<vmem_shared>>
        tpu.enqueue_indirect_dma source(%arg9 : memref<128x16xf32, #tpu.memory_space<vmem>>) target(%dma_start3A_161 : memref<10240x16xf32, #tpu.memory_space<vmem_shared>>) offsets(%arg6 : memref<128xi32, #tpu.memory_space<vmem>>) semaphore(%arg18 : memref<!tpu.dma_semaphore, #tpu.memory_space<semaphore_mem>>) {add = true}
      } else {
      }
      %mul3A_132 = arith.constant 4 : i32
      %mul3A_133 = arith.muli %scan3A_68, %mul3A_132 : i32
      %add3A_134 = arith.constant 3 : i32
      %add3A_135 = arith.addi %mul3A_133, %add3A_134 : i32
      %add3A_136 = arith.constant 4 : i32
      %add3A_137 = arith.addi %add3A_135, %add3A_136 : i32
      %sub3A_138 = arith.constant 1 : i32
      %sub3A_139 = arith.subi %add3A_137, %sub3A_138 : i32
      %add3A_140 = arith.constant 4 : i32
      %add3A_141 = arith.addi %add3A_135, %add3A_140 : i32
      %sub3A_142 = arith.constant 1 : i32
      %sub3A_143 = arith.subi %add3A_141, %sub3A_142 : i32
      %lt3A_144 = arith.constant 78 : i32
      %lt3A_145 = arith.cmpi slt, %sub3A_143, %lt3A_144 : i32
      %convert_element_type3A_146 = arith.extui %lt3A_145 : i1 to i32
      %cond3A_147 = arith.constant 0 : i32
      %cond3A_148 = arith.cmpi ne, %convert_element_type3A_146, %cond3A_147 : i32
      scf.if %cond3A_148 {
        %ge3A = arith.constant 4 : i32
        %ge3A_155 = arith.cmpi sge, %sub3A_139, %ge3A : i32
        %convert_element_type3A_156 = arith.extui %ge3A_155 : i1 to i32
        %cond3A_157 = arith.constant 0 : i32
        %cond3A_158 = arith.cmpi ne, %convert_element_type3A_156, %cond3A_157 : i32
        scf.if %cond3A_158 {
          %dma_wait3A_164 = arith.constant 0 : i32
          %dma_wait3A_165 = arith.constant 0 : i32
          %dma_wait3A_166 = tpu.memref_slice %arg11[%dma_wait3A_164, %dma_wait3A_165] : memref<10240x16xf32, #tpu.memory_space<vmem_shared>> -> memref<10240x16xf32, #tpu.memory_space<vmem_shared>>
          tpu.wait_indirect_dma semaphore(%arg18 : memref<!tpu.dma_semaphore, #tpu.memory_space<semaphore_mem>>) src(%arg9 : memref<128x16xf32, #tpu.memory_space<vmem>>) dst(%dma_wait3A_166 : memref<10240x16xf32, #tpu.memory_space<vmem_shared>>)
        } else {
        }
        %mul3A_159 = arith.constant 128 : i32
        %mul3A_160 = arith.muli %sub3A_139, %mul3A_159 : i32
        %add3A_161 = arith.addi %mul3A_2, %mul3A_160 : i32
        %dma_start3A_162 = tpu.memref_slice %arg2[%add3A_161] : memref<320000xi32, #tpu.memory_space<hbm>> -> memref<128xi32, #tpu.memory_space<hbm>>
        %dma_start3A_163 = tpu.memref_slice %arg2[%add3A_161] : memref<320000xi32, #tpu.memory_space<hbm>> -> memref<128xi32, #tpu.memory_space<hbm>>
        tpu.enqueue_dma source(%dma_start3A_163 : memref<128xi32, #tpu.memory_space<hbm>>) target(%arg6 : memref<128xi32, #tpu.memory_space<vmem>>) target_semaphore(%arg14 : memref<!tpu.dma_semaphore, #tpu.memory_space<semaphore_mem>>)
      } else {
      }
      %lt3A_149 = arith.constant 78 : i32
      %lt3A_150 = arith.cmpi slt, %add3A_135, %lt3A_149 : i32
      %convert_element_type3A_151 = arith.extui %lt3A_150 : i1 to i32
      %cond3A_152 = arith.constant 0 : i32
      %cond3A_153 = arith.cmpi ne, %convert_element_type3A_151, %cond3A_152 : i32
      scf.if %cond3A_153 {
        %dma_wait3A_155 = arith.constant 0 : i32
        %dma_wait3A_156 = tpu.memref_slice %arg2[%dma_wait3A_155] : memref<320000xi32, #tpu.memory_space<hbm>> -> memref<128xi32, #tpu.memory_space<hbm>>
        %dma_wait3A_157 = arith.constant 0 : i32
        %dma_wait3A_158 = tpu.memref_slice %arg2[%dma_wait3A_157] : memref<320000xi32, #tpu.memory_space<hbm>> -> memref<128xi32, #tpu.memory_space<hbm>>
        tpu.wait_dma2 semaphore(%arg15 : memref<!tpu.dma_semaphore, #tpu.memory_space<semaphore_mem>>) src(%dma_wait3A_158 : memref<128xi32, #tpu.memory_space<hbm>>) dst(%arg7 : memref<128xi32, #tpu.memory_space<vmem>>)
        %dma_start3A_159 = arith.constant 0 : i32
        %dma_start3A_160 = arith.constant 0 : i32
        %dma_start3A_161 = tpu.memref_slice %arg11[%dma_start3A_159, %dma_start3A_160] : memref<10240x16xf32, #tpu.memory_space<vmem_shared>> -> memref<10240x16xf32, #tpu.memory_space<vmem_shared>>
        tpu.enqueue_indirect_dma source(%arg9 : memref<128x16xf32, #tpu.memory_space<vmem>>) target(%dma_start3A_161 : memref<10240x16xf32, #tpu.memory_space<vmem_shared>>) offsets(%arg7 : memref<128xi32, #tpu.memory_space<vmem>>) semaphore(%arg19 : memref<!tpu.dma_semaphore, #tpu.memory_space<semaphore_mem>>) {add = true}
      } else {
      }
      %scan3A_154 = arith.constant 0 : i32
      scf.yield %scan3A_154 : i32
    }
    %scan3A_47 = arith.constant 20 : i32
    %dma_wait3A = arith.constant 0 : i32
    %dma_wait3A_48 = arith.constant 0 : i32
    %dma_wait3A_49 = tpu.memref_slice %arg11[%dma_wait3A, %dma_wait3A_48] : memref<10240x16xf32, #tpu.memory_space<vmem_shared>> -> memref<10240x16xf32, #tpu.memory_space<vmem_shared>>
    tpu.wait_indirect_dma semaphore(%arg16 : memref<!tpu.dma_semaphore, #tpu.memory_space<semaphore_mem>>) src(%arg9 : memref<128x16xf32, #tpu.memory_space<vmem>>) dst(%dma_wait3A_49 : memref<10240x16xf32, #tpu.memory_space<vmem_shared>>)
    %dma_wait3A_50 = arith.constant 0 : i32
    %dma_wait3A_51 = arith.constant 0 : i32
    %dma_wait3A_52 = tpu.memref_slice %arg11[%dma_wait3A_50, %dma_wait3A_51] : memref<10240x16xf32, #tpu.memory_space<vmem_shared>> -> memref<10240x16xf32, #tpu.memory_space<vmem_shared>>
    tpu.wait_indirect_dma semaphore(%arg17 : memref<!tpu.dma_semaphore, #tpu.memory_space<semaphore_mem>>) src(%arg9 : memref<128x16xf32, #tpu.memory_space<vmem>>) dst(%dma_wait3A_52 : memref<10240x16xf32, #tpu.memory_space<vmem_shared>>)
    %dma_wait3A_53 = arith.constant 0 : i32
    %dma_wait3A_54 = arith.constant 0 : i32
    %dma_wait3A_55 = tpu.memref_slice %arg11[%dma_wait3A_53, %dma_wait3A_54] : memref<10240x16xf32, #tpu.memory_space<vmem_shared>> -> memref<10240x16xf32, #tpu.memory_space<vmem_shared>>
    tpu.wait_indirect_dma semaphore(%arg18 : memref<!tpu.dma_semaphore, #tpu.memory_space<semaphore_mem>>) src(%arg9 : memref<128x16xf32, #tpu.memory_space<vmem>>) dst(%dma_wait3A_55 : memref<10240x16xf32, #tpu.memory_space<vmem_shared>>)
    %dma_wait3A_56 = arith.constant 0 : i32
    %dma_wait3A_57 = arith.constant 0 : i32
    %dma_wait3A_58 = tpu.memref_slice %arg11[%dma_wait3A_56, %dma_wait3A_57] : memref<10240x16xf32, #tpu.memory_space<vmem_shared>> -> memref<10240x16xf32, #tpu.memory_space<vmem_shared>>
    tpu.wait_indirect_dma semaphore(%arg19 : memref<!tpu.dma_semaphore, #tpu.memory_space<semaphore_mem>>) src(%arg9 : memref<128x16xf32, #tpu.memory_space<vmem>>) dst(%dma_wait3A_58 : memref<10240x16xf32, #tpu.memory_space<vmem_shared>>)
    %dma_wait3A_59 = arith.constant 0 : i32
    %dma_wait3A_60 = tpu.memref_slice %arg2[%dma_wait3A_59] : memref<320000xi32, #tpu.memory_space<hbm>> -> memref<16xi32, #tpu.memory_space<hbm>>
    %dma_wait3A_61 = arith.constant 0 : i32
    %dma_wait3A_62 = tpu.memref_slice %arg2[%dma_wait3A_61] : memref<320000xi32, #tpu.memory_space<hbm>> -> memref<16xi32, #tpu.memory_space<hbm>>
    tpu.wait_dma2 semaphore(%arg20 : memref<!tpu.dma_semaphore, #tpu.memory_space<semaphore_mem>>) src(%dma_wait3A_62 : memref<16xi32, #tpu.memory_space<hbm>>) dst(%arg8 : memref<16xi32, #tpu.memory_space<vmem>>)
    "tpu.region"() ({
      %run_scoped3A = tpu.sem_alloc : memref<!tpu.dma_semaphore, #tpu.memory_space<semaphore_mem>>
      %dma_start3A_68 = arith.constant 0 : i32
      %dma_start3A_69 = arith.constant 0 : i32
      %dma_start3A_70 = tpu.memref_slice %arg9[%dma_start3A_68, %dma_start3A_69] : memref<128x16xf32, #tpu.memory_space<vmem>> -> memref<16x16xf32, #tpu.memory_space<vmem>>
      %dma_start3A_71 = arith.constant 0 : i32
      %dma_start3A_72 = arith.constant 0 : i32
      %dma_start3A_73 = tpu.memref_slice %arg11[%dma_start3A_71, %dma_start3A_72] : memref<10240x16xf32, #tpu.memory_space<vmem_shared>> -> memref<10240x16xf32, #tpu.memory_space<vmem_shared>>
      tpu.enqueue_indirect_dma source(%dma_start3A_70 : memref<16x16xf32, #tpu.memory_space<vmem>>) target(%dma_start3A_73 : memref<10240x16xf32, #tpu.memory_space<vmem_shared>>) offsets(%arg8 : memref<16xi32, #tpu.memory_space<vmem>>) semaphore(%run_scoped3A : memref<!tpu.dma_semaphore, #tpu.memory_space<semaphore_mem>>) {add = true}
      %dma_wait3A_74 = arith.constant 0 : i32
      %dma_wait3A_75 = arith.constant 0 : i32
      %dma_wait3A_76 = tpu.memref_slice %arg9[%dma_wait3A_74, %dma_wait3A_75] : memref<128x16xf32, #tpu.memory_space<vmem>> -> memref<16x16xf32, #tpu.memory_space<vmem>>
      %dma_wait3A_77 = arith.constant 0 : i32
      %dma_wait3A_78 = arith.constant 0 : i32
      %dma_wait3A_79 = tpu.memref_slice %arg11[%dma_wait3A_77, %dma_wait3A_78] : memref<10240x16xf32, #tpu.memory_space<vmem_shared>> -> memref<10240x16xf32, #tpu.memory_space<vmem_shared>>
      tpu.wait_indirect_dma semaphore(%run_scoped3A : memref<!tpu.dma_semaphore, #tpu.memory_space<semaphore_mem>>) src(%dma_wait3A_76 : memref<16x16xf32, #tpu.memory_space<vmem>>) dst(%dma_wait3A_79 : memref<10240x16xf32, #tpu.memory_space<vmem_shared>>)
      tpu.yield
    }) : () -> ()
    %barrier3A_63 = arith.constant 0 : index
    tpu.barrier barrier_id(%barrier3A_63)
    %mul3A_64 = arith.constant 640 : i32
    %mul3A_65 = arith.muli %arg1, %mul3A_64 : i32
    %mul3A_66 = arith.constant 640 : i32
    %mul3A_67 = arith.muli %arg1, %mul3A_66 : i32
    "tpu.region"() ({
      %run_scoped3A = tpu.sem_alloc : memref<!tpu.dma_semaphore, #tpu.memory_space<semaphore_mem>>
      %dma_start3A_68 = arith.constant 0 : i32
      %dma_start3A_69 = tpu.memref_slice %arg3[%arg0, %mul3A_67, %dma_start3A_68] : memref<2x10240x16xf32, #tpu.memory_space<hbm>> -> memref<1x640x16xf32, #tpu.memory_space<hbm>>
      %dma_start3A_70 = tpu.memref_squeeze %dma_start3A_69 : memref<1x640x16xf32, #tpu.memory_space<hbm>> -> memref<640x16xf32, #tpu.memory_space<hbm>>
      %dma_start3A_71 = arith.constant 0 : i32
      %dma_start3A_72 = tpu.memref_slice %arg11[%mul3A_65, %dma_start3A_71] : memref<10240x16xf32, #tpu.memory_space<vmem_shared>> -> memref<640x16xf32, #tpu.memory_space<vmem_shared>>
      tpu.enqueue_dma source(%dma_start3A_72 : memref<640x16xf32, #tpu.memory_space<vmem_shared>>) target(%dma_start3A_70 : memref<640x16xf32, #tpu.memory_space<hbm>>) target_semaphore(%run_scoped3A : memref<!tpu.dma_semaphore, #tpu.memory_space<semaphore_mem>>)
      %dma_wait3A_73 = arith.constant 0 : i32
      %dma_wait3A_74 = tpu.memref_slice %arg3[%arg0, %mul3A_67, %dma_wait3A_73] : memref<2x10240x16xf32, #tpu.memory_space<hbm>> -> memref<1x640x16xf32, #tpu.memory_space<hbm>>
      %dma_wait3A_75 = tpu.memref_squeeze %dma_wait3A_74 : memref<1x640x16xf32, #tpu.memory_space<hbm>> -> memref<640x16xf32, #tpu.memory_space<hbm>>
      %dma_wait3A_76 = arith.constant 0 : i32
      %dma_wait3A_77 = tpu.memref_slice %arg11[%mul3A_65, %dma_wait3A_76] : memref<10240x16xf32, #tpu.memory_space<vmem_shared>> -> memref<640x16xf32, #tpu.memory_space<vmem_shared>>
      tpu.wait_dma2 semaphore(%run_scoped3A : memref<!tpu.dma_semaphore, #tpu.memory_space<semaphore_mem>>) src(%dma_wait3A_77 : memref<640x16xf32, #tpu.memory_space<vmem_shared>>) dst(%dma_wait3A_75 : memref<640x16xf32, #tpu.memory_space<hbm>>)
      tpu.yield
    }) : () -> ()
    return
  }
}

#map = affine_map<(d0, d1) -> (0, 0)>
#map1 = affine_map<(d0, d1) -> (0)>
#map2 = affine_map<(d0, d1) -> (0, 0, 0)>
module attributes {stable_mosaic.version = 14 : i64} {
  func.func @agg_k(%arg0: i32, %arg1: i32, %arg2: memref<10000x128xf32, #tpu.memory_space<hbm>>, %arg3: memref<320000xi32, #tpu.memory_space<hbm>>, %arg4: memref<320000xi32, #tpu.memory_space<hbm>>, %arg5: memref<2x10240x128xf32, #tpu.memory_space<hbm>>, %arg6: memref<10000xi32, #tpu.memory_space<vmem>>, %arg7: memref<128xi32, #tpu.memory_space<vmem>>, %arg8: memref<128xi32, #tpu.memory_space<vmem>>, %arg9: memref<16xi32, #tpu.memory_space<vmem>>, %arg10: memref<128x128xf32, #tpu.memory_space<vmem>>, %arg11: memref<128x128xf32, #tpu.memory_space<vmem>>, %arg12: memref<32x128xf32, #tpu.memory_space<vmem>>, %arg13: memref<10240x128xf32, #tpu.memory_space<vmem_shared>>, %arg14: memref<!tpu.dma_semaphore, #tpu.memory_space<semaphore_mem>>, %arg15: memref<!tpu.dma_semaphore, #tpu.memory_space<semaphore_mem>>, %arg16: memref<!tpu.dma_semaphore, #tpu.memory_space<semaphore_mem>>, %arg17: memref<!tpu.dma_semaphore, #tpu.memory_space<semaphore_mem>>, %arg18: memref<!tpu.dma_semaphore, #tpu.memory_space<semaphore_mem>>, %arg19: memref<!tpu.dma_semaphore, #tpu.memory_space<semaphore_mem>>, %arg20: memref<!tpu.dma_semaphore, #tpu.memory_space<semaphore_mem>>) attributes {dimension_semantics = [#tpu.dimension_semantics<core_parallel>, #tpu.dimension_semantics<subcore_parallel>], iteration_bounds = array<i64: 2, 16>, scalar_prefetch = 0 : i64, scratch_operands = 15 : i64, tpu.core_type = #tpu.core_type<sc_vector_subcore>, window_params = [{transform_indices = #map}, {transform_indices = #map1}, {transform_indices = #map1}, {transform_indices = #map2}]} {
    %mul3A = arith.constant 2 : i32
    %mul3A_0 = arith.muli %arg1, %mul3A : i32
    %add3A = arith.addi %mul3A_0, %arg0 : i32
    %mul3A_1 = arith.constant 10000 : i32
    %mul3A_2 = arith.muli %add3A, %mul3A_1 : i32
    %broadcast_in_dim3A = arith.constant 0.000000e+00 : f32
    %broadcast_in_dim3A_3 = vector.broadcast %broadcast_in_dim3A : f32 to vector<16xf32>
    %dma_start3A = tpu.memref_slice %arg3[%mul3A_2] : memref<320000xi32, #tpu.memory_space<hbm>> -> memref<10000xi32, #tpu.memory_space<hbm>>
    %dma_start3A_4 = tpu.memref_slice %arg3[%mul3A_2] : memref<320000xi32, #tpu.memory_space<hbm>> -> memref<10000xi32, #tpu.memory_space<hbm>>
    tpu.enqueue_dma source(%dma_start3A_4 : memref<10000xi32, #tpu.memory_space<hbm>>) target(%arg6 : memref<10000xi32, #tpu.memory_space<vmem>>) target_semaphore(%arg20 : memref<!tpu.dma_semaphore, #tpu.memory_space<semaphore_mem>>)
    %add3A_5 = arith.constant 9984 : i32
    %add3A_6 = arith.addi %mul3A_2, %add3A_5 : i32
    %dma_start3A_7 = tpu.memref_slice %arg4[%add3A_6] : memref<320000xi32, #tpu.memory_space<hbm>> -> memref<16xi32, #tpu.memory_space<hbm>>
    %dma_start3A_8 = tpu.memref_slice %arg4[%add3A_6] : memref<320000xi32, #tpu.memory_space<hbm>> -> memref<16xi32, #tpu.memory_space<hbm>>
    tpu.enqueue_dma source(%dma_start3A_8 : memref<16xi32, #tpu.memory_space<hbm>>) target(%arg9 : memref<16xi32, #tpu.memory_space<vmem>>) target_semaphore(%arg14 : memref<!tpu.dma_semaphore, #tpu.memory_space<semaphore_mem>>)
    %scan3A = arith.constant 0 : i32
    %scan3A_9 = arith.constant 0 : i32
    %scan3A_10 = arith.constant 32 : i32
    %scan3A_11 = arith.addi %scan3A_9, %scan3A_10 : i32
    %scan3A_12 = arith.constant 1 : i32
    %scan3A_13 = scf.for %scan3A_83 = %scan3A_9 to %scan3A_11 step %scan3A_12 iter_args(%scan3A_84 = %scan3A) -> (i32)  : i32 {
      %swap3A = arith.index_cast %scan3A_83 : i32 to index
      %swap3A_85 = arith.constant 0 : index
      %swap3A_86 = tpu.vector_load %arg12[%swap3A, %swap3A_85] {strides = array<i32>} : memref<32x128xf32, #tpu.memory_space<vmem>>, vector<1x16xf32>,
      %swap3A_87 = vector.shape_cast %swap3A_86 : vector<1x16xf32> to vector<16xf32>
      %swap3A_88 = vector.shape_cast %broadcast_in_dim3A_3 : vector<16xf32> to vector<1x16xf32>
      tpu.vector_store %arg12[%swap3A, %swap3A_85], %swap3A_88 {strides = array<i32>} : memref<32x128xf32, #tpu.memory_space<vmem>>, vector<1x16xf32>,
      %swap3A_89 = arith.index_cast %scan3A_83 : i32 to index
      %swap3A_90 = arith.constant 16 : index
      %swap3A_91 = tpu.vector_load %arg12[%swap3A_89, %swap3A_90] {strides = array<i32>} : memref<32x128xf32, #tpu.memory_space<vmem>>, vector<1x16xf32>,
      %swap3A_92 = vector.shape_cast %swap3A_91 : vector<1x16xf32> to vector<16xf32>
      %swap3A_93 = vector.shape_cast %broadcast_in_dim3A_3 : vector<16xf32> to vector<1x16xf32>
      tpu.vector_store %arg12[%swap3A_89, %swap3A_90], %swap3A_93 {strides = array<i32>} : memref<32x128xf32, #tpu.memory_space<vmem>>, vector<1x16xf32>,
      %swap3A_94 = arith.index_cast %scan3A_83 : i32 to index
      %swap3A_95 = arith.constant 32 : index
      %swap3A_96 = tpu.vector_load %arg12[%swap3A_94, %swap3A_95] {strides = array<i32>} : memref<32x128xf32, #tpu.memory_space<vmem>>, vector<1x16xf32>,
      %swap3A_97 = vector.shape_cast %swap3A_96 : vector<1x16xf32> to vector<16xf32>
      %swap3A_98 = vector.shape_cast %broadcast_in_dim3A_3 : vector<16xf32> to vector<1x16xf32>
      tpu.vector_store %arg12[%swap3A_94, %swap3A_95], %swap3A_98 {strides = array<i32>} : memref<32x128xf32, #tpu.memory_space<vmem>>, vector<1x16xf32>,
      %swap3A_99 = arith.index_cast %scan3A_83 : i32 to index
      %swap3A_100 = arith.constant 48 : index
      %swap3A_101 = tpu.vector_load %arg12[%swap3A_99, %swap3A_100] {strides = array<i32>} : memref<32x128xf32, #tpu.memory_space<vmem>>, vector<1x16xf32>,
      %swap3A_102 = vector.shape_cast %swap3A_101 : vector<1x16xf32> to vector<16xf32>
      %swap3A_103 = vector.shape_cast %broadcast_in_dim3A_3 : vector<16xf32> to vector<1x16xf32>
      tpu.vector_store %arg12[%swap3A_99, %swap3A_100], %swap3A_103 {strides = array<i32>} : memref<32x128xf32, #tpu.memory_space<vmem>>, vector<1x16xf32>,
      %swap3A_104 = arith.index_cast %scan3A_83 : i32 to index
      %swap3A_105 = arith.constant 64 : index
      %swap3A_106 = tpu.vector_load %arg12[%swap3A_104, %swap3A_105] {strides = array<i32>} : memref<32x128xf32, #tpu.memory_space<vmem>>, vector<1x16xf32>,
      %swap3A_107 = vector.shape_cast %swap3A_106 : vector<1x16xf32> to vector<16xf32>
      %swap3A_108 = vector.shape_cast %broadcast_in_dim3A_3 : vector<16xf32> to vector<1x16xf32>
      tpu.vector_store %arg12[%swap3A_104, %swap3A_105], %swap3A_108 {strides = array<i32>} : memref<32x128xf32, #tpu.memory_space<vmem>>, vector<1x16xf32>,
      %swap3A_109 = arith.index_cast %scan3A_83 : i32 to index
      %swap3A_110 = arith.constant 80 : index
      %swap3A_111 = tpu.vector_load %arg12[%swap3A_109, %swap3A_110] {strides = array<i32>} : memref<32x128xf32, #tpu.memory_space<vmem>>, vector<1x16xf32>,
      %swap3A_112 = vector.shape_cast %swap3A_111 : vector<1x16xf32> to vector<16xf32>
      %swap3A_113 = vector.shape_cast %broadcast_in_dim3A_3 : vector<16xf32> to vector<1x16xf32>
      tpu.vector_store %arg12[%swap3A_109, %swap3A_110], %swap3A_113 {strides = array<i32>} : memref<32x128xf32, #tpu.memory_space<vmem>>, vector<1x16xf32>,
      %swap3A_114 = arith.index_cast %scan3A_83 : i32 to index
      %swap3A_115 = arith.constant 96 : index
      %swap3A_116 = tpu.vector_load %arg12[%swap3A_114, %swap3A_115] {strides = array<i32>} : memref<32x128xf32, #tpu.memory_space<vmem>>, vector<1x16xf32>,
      %swap3A_117 = vector.shape_cast %swap3A_116 : vector<1x16xf32> to vector<16xf32>
      %swap3A_118 = vector.shape_cast %broadcast_in_dim3A_3 : vector<16xf32> to vector<1x16xf32>
      tpu.vector_store %arg12[%swap3A_114, %swap3A_115], %swap3A_118 {strides = array<i32>} : memref<32x128xf32, #tpu.memory_space<vmem>>, vector<1x16xf32>,
      %swap3A_119 = arith.index_cast %scan3A_83 : i32 to index
      %swap3A_120 = arith.constant 112 : index
      %swap3A_121 = tpu.vector_load %arg12[%swap3A_119, %swap3A_120] {strides = array<i32>} : memref<32x128xf32, #tpu.memory_space<vmem>>, vector<1x16xf32>,
      %swap3A_122 = vector.shape_cast %swap3A_121 : vector<1x16xf32> to vector<16xf32>
      %swap3A_123 = vector.shape_cast %broadcast_in_dim3A_3 : vector<16xf32> to vector<1x16xf32>
      tpu.vector_store %arg12[%swap3A_119, %swap3A_120], %swap3A_123 {strides = array<i32>} : memref<32x128xf32, #tpu.memory_space<vmem>>, vector<1x16xf32>,
      %scan3A_124 = arith.constant 0 : i32
      scf.yield %scan3A_124 : i32
    }
    %scan3A_14 = arith.constant 32 : i32
    %scan3A_15 = arith.constant 0 : i32
    %scan3A_16 = arith.constant 0 : i32
    %scan3A_17 = arith.constant 20 : i32
    %scan3A_18 = arith.addi %scan3A_16, %scan3A_17 : i32
    %scan3A_19 = arith.constant 1 : i32
    %scan3A_20 = scf.for %scan3A_83 = %scan3A_16 to %scan3A_18 step %scan3A_19 iter_args(%scan3A_84 = %scan3A_15) -> (i32)  : i32 {
      %mul3A_85 = arith.constant 640 : i32
      %mul3A_86 = arith.muli %arg1, %mul3A_85 : i32
      %mul3A_87 = arith.constant 32 : i32
      %mul3A_88 = arith.muli %scan3A_83, %mul3A_87 : i32
      %add3A_89 = arith.addi %mul3A_86, %mul3A_88 : i32
      %dma_start3A_90 = arith.constant 0 : i32
      %dma_start3A_91 = tpu.memref_slice %arg13[%add3A_89, %dma_start3A_90] : memref<10240x128xf32, #tpu.memory_space<vmem_shared>> -> memref<32x128xf32, #tpu.memory_space<vmem_shared>>
      %dma_start3A_92 = arith.constant 0 : i32
      %dma_start3A_93 = tpu.memref_slice %arg13[%add3A_89, %dma_start3A_92] : memref<10240x128xf32, #tpu.memory_space<vmem_shared>> -> memref<32x128xf32, #tpu.memory_space<vmem_shared>>
      tpu.enqueue_dma source(%arg12 : memref<32x128xf32, #tpu.memory_space<vmem>>) target(%dma_start3A_93 : memref<32x128xf32, #tpu.memory_space<vmem_shared>>) target_semaphore(%arg16 : memref<!tpu.dma_semaphore, #tpu.memory_space<semaphore_mem>>)
      %scan3A_94 = arith.constant 0 : i32
      scf.yield %scan3A_94 : i32
    }
    %scan3A_21 = arith.constant 20 : i32
    %scan3A_22 = arith.constant 0 : i32
    %scan3A_23 = arith.constant 0 : i32
    %scan3A_24 = arith.constant 20 : i32
    %scan3A_25 = arith.addi %scan3A_23, %scan3A_24 : i32
    %scan3A_26 = arith.constant 1 : i32
    %scan3A_27 = scf.for %scan3A_83 = %scan3A_23 to %scan3A_25 step %scan3A_26 iter_args(%scan3A_84 = %scan3A_22) -> (i32)  : i32 {
      %mul3A_85 = arith.constant 640 : i32
      %mul3A_86 = arith.muli %arg1, %mul3A_85 : i32
      %mul3A_87 = arith.constant 32 : i32
      %mul3A_88 = arith.muli %scan3A_83, %mul3A_87 : i32
      %add3A_89 = arith.addi %mul3A_86, %mul3A_88 : i32
      %dma_wait3A_90 = arith.constant 0 : i32
      %dma_wait3A_91 = tpu.memref_slice %arg13[%add3A_89, %dma_wait3A_90] : memref<10240x128xf32, #tpu.memory_space<vmem_shared>> -> memref<32x128xf32, #tpu.memory_space<vmem_shared>>
      %dma_wait3A_92 = arith.constant 0 : i32
      %dma_wait3A_93 = tpu.memref_slice %arg13[%add3A_89, %dma_wait3A_92] : memref<10240x128xf32, #tpu.memory_space<vmem_shared>> -> memref<32x128xf32, #tpu.memory_space<vmem_shared>>
      tpu.wait_dma2 semaphore(%arg16 : memref<!tpu.dma_semaphore, #tpu.memory_space<semaphore_mem>>) src(%arg12 : memref<32x128xf32, #tpu.memory_space<vmem>>) dst(%dma_wait3A_93 : memref<32x128xf32, #tpu.memory_space<vmem_shared>>)
      %scan3A_94 = arith.constant 0 : i32
      scf.yield %scan3A_94 : i32
    }
    %scan3A_28 = arith.constant 20 : i32
    %dma_wait3A = arith.constant 0 : i32
    %dma_wait3A_29 = tpu.memref_slice %arg3[%dma_wait3A] : memref<320000xi32, #tpu.memory_space<hbm>> -> memref<10000xi32, #tpu.memory_space<hbm>>
    %dma_wait3A_30 = arith.constant 0 : i32
    %dma_wait3A_31 = tpu.memref_slice %arg3[%dma_wait3A_30] : memref<320000xi32, #tpu.memory_space<hbm>> -> memref<10000xi32, #tpu.memory_space<hbm>>
    tpu.wait_dma2 semaphore(%arg20 : memref<!tpu.dma_semaphore, #tpu.memory_space<semaphore_mem>>) src(%dma_wait3A_31 : memref<10000xi32, #tpu.memory_space<hbm>>) dst(%arg6 : memref<10000xi32, #tpu.memory_space<vmem>>)
    %dma_wait3A_32 = arith.constant 0 : i32
    %dma_wait3A_33 = tpu.memref_slice %arg4[%dma_wait3A_32] : memref<320000xi32, #tpu.memory_space<hbm>> -> memref<16xi32, #tpu.memory_space<hbm>>
    %dma_wait3A_34 = arith.constant 0 : i32
    %dma_wait3A_35 = tpu.memref_slice %arg4[%dma_wait3A_34] : memref<320000xi32, #tpu.memory_space<hbm>> -> memref<16xi32, #tpu.memory_space<hbm>>
    tpu.wait_dma2 semaphore(%arg14 : memref<!tpu.dma_semaphore, #tpu.memory_space<semaphore_mem>>) src(%dma_wait3A_35 : memref<16xi32, #tpu.memory_space<hbm>>) dst(%arg9 : memref<16xi32, #tpu.memory_space<vmem>>)
    %barrier3A = arith.constant 0 : index
    tpu.barrier barrier_id(%barrier3A)
    %add3A_36 = arith.constant 0 : i32
    %add3A_37 = arith.addi %mul3A_2, %add3A_36 : i32
    %dma_start3A_38 = tpu.memref_slice %arg4[%add3A_37] : memref<320000xi32, #tpu.memory_space<hbm>> -> memref<128xi32, #tpu.memory_space<hbm>>
    %dma_start3A_39 = tpu.memref_slice %arg4[%add3A_37] : memref<320000xi32, #tpu.memory_space<hbm>> -> memref<128xi32, #tpu.memory_space<hbm>>
    tpu.enqueue_dma source(%dma_start3A_39 : memref<128xi32, #tpu.memory_space<hbm>>) target(%arg7 : memref<128xi32, #tpu.memory_space<vmem>>) target_semaphore(%arg14 : memref<!tpu.dma_semaphore, #tpu.memory_space<semaphore_mem>>)
    %dma_start3A_40 = arith.constant 0 : i32
    %dma_start3A_41 = tpu.memref_slice %arg6[%dma_start3A_40] : memref<10000xi32, #tpu.memory_space<vmem>> -> memref<128xi32, #tpu.memory_space<vmem>>
    %dma_start3A_42 = arith.constant 0 : i32
    %dma_start3A_43 = arith.constant 0 : i32
    %dma_start3A_44 = tpu.memref_slice %arg2[%dma_start3A_42, %dma_start3A_43] : memref<10000x128xf32, #tpu.memory_space<hbm>> -> memref<10000x128xf32, #tpu.memory_space<hbm>>
    tpu.enqueue_indirect_dma source(%dma_start3A_44 : memref<10000x128xf32, #tpu.memory_space<hbm>>) target(%arg10 : memref<128x128xf32, #tpu.memory_space<vmem>>) offsets(%dma_start3A_41 : memref<128xi32, #tpu.memory_space<vmem>>) semaphore(%arg16 : memref<!tpu.dma_semaphore, #tpu.memory_space<semaphore_mem>>)
    %scan3A_45 = arith.constant 0 : i32
    %scan3A_46 = arith.constant 0 : i32
    %scan3A_47 = arith.constant 39 : i32
    %scan3A_48 = arith.addi %scan3A_46, %scan3A_47 : i32
    %scan3A_49 = arith.constant 1 : i32
    %scan3A_50 = scf.for %scan3A_83 = %scan3A_46 to %scan3A_48 step %scan3A_49 iter_args(%scan3A_84 = %scan3A_45) -> (i32)  : i32 {
      %mul3A_85 = arith.constant 2 : i32
      %mul3A_86 = arith.muli %scan3A_83, %mul3A_85 : i32
      %add3A_87 = arith.constant 0 : i32
      %add3A_88 = arith.addi %mul3A_86, %add3A_87 : i32
      %add3A_89 = arith.constant 2 : i32
      %add3A_90 = arith.addi %add3A_88, %add3A_89 : i32
      %sub3A = arith.constant 1 : i32
      %sub3A_91 = arith.subi %add3A_90, %sub3A : i32
      %add3A_92 = arith.constant 2 : i32
      %add3A_93 = arith.addi %add3A_88, %add3A_92 : i32
      %sub3A_94 = arith.constant 1 : i32
      %sub3A_95 = arith.subi %add3A_93, %sub3A_94 : i32
      %lt3A = arith.constant 78 : i32
      %lt3A_96 = arith.cmpi slt, %sub3A_95, %lt3A : i32
      %convert_element_type3A = arith.extui %lt3A_96 : i1 to i32
      %cond3A = arith.constant 0 : i32
      %cond3A_97 = arith.cmpi ne, %convert_element_type3A, %cond3A : i32
      scf.if %cond3A_97 {
        %ge3A = arith.constant 2 : i32
        %ge3A_126 = arith.cmpi sge, %sub3A_91, %ge3A : i32
        %convert_element_type3A_127 = arith.extui %ge3A_126 : i1 to i32
        %cond3A_128 = arith.constant 0 : i32
        %cond3A_129 = arith.cmpi ne, %convert_element_type3A_127, %cond3A_128 : i32
        scf.if %cond3A_129 {
          %dma_wait3A_141 = arith.constant 0 : i32
          %dma_wait3A_142 = arith.constant 0 : i32
          %dma_wait3A_143 = tpu.memref_slice %arg13[%dma_wait3A_141, %dma_wait3A_142] : memref<10240x128xf32, #tpu.memory_space<vmem_shared>> -> memref<10240x128xf32, #tpu.memory_space<vmem_shared>>
          tpu.wait_indirect_dma semaphore(%arg19 : memref<!tpu.dma_semaphore, #tpu.memory_space<semaphore_mem>>) src(%arg11 : memref<128x128xf32, #tpu.memory_space<vmem>>) dst(%dma_wait3A_143 : memref<10240x128xf32, #tpu.memory_space<vmem_shared>>)
        } else {
        }
        %mul3A_130 = arith.constant 128 : i32
        %mul3A_131 = arith.muli %sub3A_91, %mul3A_130 : i32
        %add3A_132 = arith.addi %mul3A_2, %mul3A_131 : i32
        %dma_start3A_133 = tpu.memref_slice %arg4[%add3A_132] : memref<320000xi32, #tpu.memory_space<hbm>> -> memref<128xi32, #tpu.memory_space<hbm>>
        %dma_start3A_134 = tpu.memref_slice %arg4[%add3A_132] : memref<320000xi32, #tpu.memory_space<hbm>> -> memref<128xi32, #tpu.memory_space<hbm>>
        tpu.enqueue_dma source(%dma_start3A_134 : memref<128xi32, #tpu.memory_space<hbm>>) target(%arg8 : memref<128xi32, #tpu.memory_space<vmem>>) target_semaphore(%arg15 : memref<!tpu.dma_semaphore, #tpu.memory_space<semaphore_mem>>)
        %mul3A_135 = arith.constant 128 : i32
        %mul3A_136 = arith.muli %sub3A_91, %mul3A_135 : i32
        %dma_start3A_137 = tpu.memref_slice %arg6[%mul3A_136] : memref<10000xi32, #tpu.memory_space<vmem>> -> memref<128xi32, #tpu.memory_space<vmem>>
        %dma_start3A_138 = arith.constant 0 : i32
        %dma_start3A_139 = arith.constant 0 : i32
        %dma_start3A_140 = tpu.memref_slice %arg2[%dma_start3A_138, %dma_start3A_139] : memref<10000x128xf32, #tpu.memory_space<hbm>> -> memref<10000x128xf32, #tpu.memory_space<hbm>>
        tpu.enqueue_indirect_dma source(%dma_start3A_140 : memref<10000x128xf32, #tpu.memory_space<hbm>>) target(%arg11 : memref<128x128xf32, #tpu.memory_space<vmem>>) offsets(%dma_start3A_137 : memref<128xi32, #tpu.memory_space<vmem>>) semaphore(%arg17 : memref<!tpu.dma_semaphore, #tpu.memory_space<semaphore_mem>>)
      } else {
      }
      %lt3A_98 = arith.constant 78 : i32
      %lt3A_99 = arith.cmpi slt, %add3A_88, %lt3A_98 : i32
      %convert_element_type3A_100 = arith.extui %lt3A_99 : i1 to i32
      %cond3A_101 = arith.constant 0 : i32
      %cond3A_102 = arith.cmpi ne, %convert_element_type3A_100, %cond3A_101 : i32
      scf.if %cond3A_102 {
        %dma_wait3A_126 = arith.constant 0 : i32
        %dma_wait3A_127 = tpu.memref_slice %arg4[%dma_wait3A_126] : memref<320000xi32, #tpu.memory_space<hbm>> -> memref<128xi32, #tpu.memory_space<hbm>>
        %dma_wait3A_128 = arith.constant 0 : i32
        %dma_wait3A_129 = tpu.memref_slice %arg4[%dma_wait3A_128] : memref<320000xi32, #tpu.memory_space<hbm>> -> memref<128xi32, #tpu.memory_space<hbm>>
        tpu.wait_dma2 semaphore(%arg14 : memref<!tpu.dma_semaphore, #tpu.memory_space<semaphore_mem>>) src(%dma_wait3A_129 : memref<128xi32, #tpu.memory_space<hbm>>) dst(%arg7 : memref<128xi32, #tpu.memory_space<vmem>>)
        %dma_wait3A_130 = arith.constant 0 : i32
        %dma_wait3A_131 = arith.constant 0 : i32
        %dma_wait3A_132 = tpu.memref_slice %arg2[%dma_wait3A_130, %dma_wait3A_131] : memref<10000x128xf32, #tpu.memory_space<hbm>> -> memref<128x128xf32, #tpu.memory_space<hbm>>
        %dma_wait3A_133 = arith.constant 0 : i32
        %dma_wait3A_134 = arith.constant 0 : i32
        %dma_wait3A_135 = tpu.memref_slice %arg2[%dma_wait3A_133, %dma_wait3A_134] : memref<10000x128xf32, #tpu.memory_space<hbm>> -> memref<128x128xf32, #tpu.memory_space<hbm>>
        tpu.wait_dma2 semaphore(%arg16 : memref<!tpu.dma_semaphore, #tpu.memory_space<semaphore_mem>>) src(%dma_wait3A_135 : memref<128x128xf32, #tpu.memory_space<hbm>>) dst(%arg10 : memref<128x128xf32, #tpu.memory_space<vmem>>)
        %dma_start3A_136 = arith.constant 0 : i32
        %dma_start3A_137 = arith.constant 0 : i32
        %dma_start3A_138 = tpu.memref_slice %arg13[%dma_start3A_136, %dma_start3A_137] : memref<10240x128xf32, #tpu.memory_space<vmem_shared>> -> memref<10240x128xf32, #tpu.memory_space<vmem_shared>>
        tpu.enqueue_indirect_dma source(%arg10 : memref<128x128xf32, #tpu.memory_space<vmem>>) target(%dma_start3A_138 : memref<10240x128xf32, #tpu.memory_space<vmem_shared>>) offsets(%arg7 : memref<128xi32, #tpu.memory_space<vmem>>) semaphore(%arg18 : memref<!tpu.dma_semaphore, #tpu.memory_space<semaphore_mem>>) {add = true}
      } else {
      }
      %mul3A_103 = arith.constant 2 : i32
      %mul3A_104 = arith.muli %scan3A_83, %mul3A_103 : i32
      %add3A_105 = arith.constant 1 : i32
      %add3A_106 = arith.addi %mul3A_104, %add3A_105 : i32
      %add3A_107 = arith.constant 2 : i32
      %add3A_108 = arith.addi %add3A_106, %add3A_107 : i32
      %sub3A_109 = arith.constant 1 : i32
      %sub3A_110 = arith.subi %add3A_108, %sub3A_109 : i32
      %add3A_111 = arith.constant 2 : i32
      %add3A_112 = arith.addi %add3A_106, %add3A_111 : i32
      %sub3A_113 = arith.constant 1 : i32
      %sub3A_114 = arith.subi %add3A_112, %sub3A_113 : i32
      %lt3A_115 = arith.constant 78 : i32
      %lt3A_116 = arith.cmpi slt, %sub3A_114, %lt3A_115 : i32
      %convert_element_type3A_117 = arith.extui %lt3A_116 : i1 to i32
      %cond3A_118 = arith.constant 0 : i32
      %cond3A_119 = arith.cmpi ne, %convert_element_type3A_117, %cond3A_118 : i32
      scf.if %cond3A_119 {
        %ge3A = arith.constant 2 : i32
        %ge3A_126 = arith.cmpi sge, %sub3A_110, %ge3A : i32
        %convert_element_type3A_127 = arith.extui %ge3A_126 : i1 to i32
        %cond3A_128 = arith.constant 0 : i32
        %cond3A_129 = arith.cmpi ne, %convert_element_type3A_127, %cond3A_128 : i32
        scf.if %cond3A_129 {
          %dma_wait3A_141 = arith.constant 0 : i32
          %dma_wait3A_142 = arith.constant 0 : i32
          %dma_wait3A_143 = tpu.memref_slice %arg13[%dma_wait3A_141, %dma_wait3A_142] : memref<10240x128xf32, #tpu.memory_space<vmem_shared>> -> memref<10240x128xf32, #tpu.memory_space<vmem_shared>>
          tpu.wait_indirect_dma semaphore(%arg18 : memref<!tpu.dma_semaphore, #tpu.memory_space<semaphore_mem>>) src(%arg10 : memref<128x128xf32, #tpu.memory_space<vmem>>) dst(%dma_wait3A_143 : memref<10240x128xf32, #tpu.memory_space<vmem_shared>>)
        } else {
        }
        %mul3A_130 = arith.constant 128 : i32
        %mul3A_131 = arith.muli %sub3A_110, %mul3A_130 : i32
        %add3A_132 = arith.addi %mul3A_2, %mul3A_131 : i32
        %dma_start3A_133 = tpu.memref_slice %arg4[%add3A_132] : memref<320000xi32, #tpu.memory_space<hbm>> -> memref<128xi32, #tpu.memory_space<hbm>>
        %dma_start3A_134 = tpu.memref_slice %arg4[%add3A_132] : memref<320000xi32, #tpu.memory_space<hbm>> -> memref<128xi32, #tpu.memory_space<hbm>>
        tpu.enqueue_dma source(%dma_start3A_134 : memref<128xi32, #tpu.memory_space<hbm>>) target(%arg7 : memref<128xi32, #tpu.memory_space<vmem>>) target_semaphore(%arg14 : memref<!tpu.dma_semaphore, #tpu.memory_space<semaphore_mem>>)
        %mul3A_135 = arith.constant 128 : i32
        %mul3A_136 = arith.muli %sub3A_110, %mul3A_135 : i32
        %dma_start3A_137 = tpu.memref_slice %arg6[%mul3A_136] : memref<10000xi32, #tpu.memory_space<vmem>> -> memref<128xi32, #tpu.memory_space<vmem>>
        %dma_start3A_138 = arith.constant 0 : i32
        %dma_start3A_139 = arith.constant 0 : i32
        %dma_start3A_140 = tpu.memref_slice %arg2[%dma_start3A_138, %dma_start3A_139] : memref<10000x128xf32, #tpu.memory_space<hbm>> -> memref<10000x128xf32, #tpu.memory_space<hbm>>
        tpu.enqueue_indirect_dma source(%dma_start3A_140 : memref<10000x128xf32, #tpu.memory_space<hbm>>) target(%arg10 : memref<128x128xf32, #tpu.memory_space<vmem>>) offsets(%dma_start3A_137 : memref<128xi32, #tpu.memory_space<vmem>>) semaphore(%arg16 : memref<!tpu.dma_semaphore, #tpu.memory_space<semaphore_mem>>)
      } else {
      }
      %lt3A_120 = arith.constant 78 : i32
      %lt3A_121 = arith.cmpi slt, %add3A_106, %lt3A_120 : i32
      %convert_element_type3A_122 = arith.extui %lt3A_121 : i1 to i32
      %cond3A_123 = arith.constant 0 : i32
      %cond3A_124 = arith.cmpi ne, %convert_element_type3A_122, %cond3A_123 : i32
      scf.if %cond3A_124 {
        %dma_wait3A_126 = arith.constant 0 : i32
        %dma_wait3A_127 = tpu.memref_slice %arg4[%dma_wait3A_126] : memref<320000xi32, #tpu.memory_space<hbm>> -> memref<128xi32, #tpu.memory_space<hbm>>
        %dma_wait3A_128 = arith.constant 0 : i32
        %dma_wait3A_129 = tpu.memref_slice %arg4[%dma_wait3A_128] : memref<320000xi32, #tpu.memory_space<hbm>> -> memref<128xi32, #tpu.memory_space<hbm>>
        tpu.wait_dma2 semaphore(%arg15 : memref<!tpu.dma_semaphore, #tpu.memory_space<semaphore_mem>>) src(%dma_wait3A_129 : memref<128xi32, #tpu.memory_space<hbm>>) dst(%arg8 : memref<128xi32, #tpu.memory_space<vmem>>)
        %dma_wait3A_130 = arith.constant 0 : i32
        %dma_wait3A_131 = arith.constant 0 : i32
        %dma_wait3A_132 = tpu.memref_slice %arg2[%dma_wait3A_130, %dma_wait3A_131] : memref<10000x128xf32, #tpu.memory_space<hbm>> -> memref<128x128xf32, #tpu.memory_space<hbm>>
        %dma_wait3A_133 = arith.constant 0 : i32
        %dma_wait3A_134 = arith.constant 0 : i32
        %dma_wait3A_135 = tpu.memref_slice %arg2[%dma_wait3A_133, %dma_wait3A_134] : memref<10000x128xf32, #tpu.memory_space<hbm>> -> memref<128x128xf32, #tpu.memory_space<hbm>>
        tpu.wait_dma2 semaphore(%arg17 : memref<!tpu.dma_semaphore, #tpu.memory_space<semaphore_mem>>) src(%dma_wait3A_135 : memref<128x128xf32, #tpu.memory_space<hbm>>) dst(%arg11 : memref<128x128xf32, #tpu.memory_space<vmem>>)
        %dma_start3A_136 = arith.constant 0 : i32
        %dma_start3A_137 = arith.constant 0 : i32
        %dma_start3A_138 = tpu.memref_slice %arg13[%dma_start3A_136, %dma_start3A_137] : memref<10240x128xf32, #tpu.memory_space<vmem_shared>> -> memref<10240x128xf32, #tpu.memory_space<vmem_shared>>
        tpu.enqueue_indirect_dma source(%arg11 : memref<128x128xf32, #tpu.memory_space<vmem>>) target(%dma_start3A_138 : memref<10240x128xf32, #tpu.memory_space<vmem_shared>>) offsets(%arg8 : memref<128xi32, #tpu.memory_space<vmem>>) semaphore(%arg19 : memref<!tpu.dma_semaphore, #tpu.memory_space<semaphore_mem>>) {add = true}
      } else {
      }
      %scan3A_125 = arith.constant 0 : i32
      scf.yield %scan3A_125 : i32
    }
    %scan3A_51 = arith.constant 39 : i32
    %dma_wait3A_52 = arith.constant 0 : i32
    %dma_wait3A_53 = arith.constant 0 : i32
    %dma_wait3A_54 = tpu.memref_slice %arg13[%dma_wait3A_52, %dma_wait3A_53] : memref<10240x128xf32, #tpu.memory_space<vmem_shared>> -> memref<10240x128xf32, #tpu.memory_space<vmem_shared>>
    tpu.wait_indirect_dma semaphore(%arg18 : memref<!tpu.dma_semaphore, #tpu.memory_space<semaphore_mem>>) src(%arg10 : memref<128x128xf32, #tpu.memory_space<vmem>>) dst(%dma_wait3A_54 : memref<10240x128xf32, #tpu.memory_space<vmem_shared>>)
    %dma_wait3A_55 = arith.constant 0 : i32
    %dma_wait3A_56 = arith.constant 0 : i32
    %dma_wait3A_57 = tpu.memref_slice %arg13[%dma_wait3A_55, %dma_wait3A_56] : memref<10240x128xf32, #tpu.memory_space<vmem_shared>> -> memref<10240x128xf32, #tpu.memory_space<vmem_shared>>
    tpu.wait_indirect_dma semaphore(%arg19 : memref<!tpu.dma_semaphore, #tpu.memory_space<semaphore_mem>>) src(%arg11 : memref<128x128xf32, #tpu.memory_space<vmem>>) dst(%dma_wait3A_57 : memref<10240x128xf32, #tpu.memory_space<vmem_shared>>)
    %dma_start3A_58 = arith.constant 0 : i32
    %dma_start3A_59 = arith.constant 0 : i32
    %dma_start3A_60 = tpu.memref_slice %arg10[%dma_start3A_58, %dma_start3A_59] : memref<128x128xf32, #tpu.memory_space<vmem>> -> memref<16x128xf32, #tpu.memory_space<vmem>>
    %dma_start3A_61 = arith.constant 9984 : i32
    %dma_start3A_62 = tpu.memref_slice %arg6[%dma_start3A_61] : memref<10000xi32, #tpu.memory_space<vmem>> -> memref<16xi32, #tpu.memory_space<vmem>>
    %dma_start3A_63 = arith.constant 0 : i32
    %dma_start3A_64 = arith.constant 0 : i32
    %dma_start3A_65 = tpu.memref_slice %arg2[%dma_start3A_63, %dma_start3A_64] : memref<10000x128xf32, #tpu.memory_space<hbm>> -> memref<10000x128xf32, #tpu.memory_space<hbm>>
    tpu.enqueue_indirect_dma source(%dma_start3A_65 : memref<10000x128xf32, #tpu.memory_space<hbm>>) target(%dma_start3A_60 : memref<16x128xf32, #tpu.memory_space<vmem>>) offsets(%dma_start3A_62 : memref<16xi32, #tpu.memory_space<vmem>>) semaphore(%arg20 : memref<!tpu.dma_semaphore, #tpu.memory_space<semaphore_mem>>)
    %dma_wait3A_66 = arith.constant 0 : i32
    %dma_wait3A_67 = arith.constant 0 : i32
    %dma_wait3A_68 = tpu.memref_slice %arg10[%dma_wait3A_66, %dma_wait3A_67] : memref<128x128xf32, #tpu.memory_space<vmem>> -> memref<16x128xf32, #tpu.memory_space<vmem>>
    %dma_wait3A_69 = arith.constant 0 : i32
    %dma_wait3A_70 = arith.constant 0 : i32
    %dma_wait3A_71 = tpu.memref_slice %arg2[%dma_wait3A_69, %dma_wait3A_70] : memref<10000x128xf32, #tpu.memory_space<hbm>> -> memref<16x128xf32, #tpu.memory_space<hbm>>
    %dma_wait3A_72 = arith.constant 0 : i32
    %dma_wait3A_73 = arith.constant 0 : i32
    %dma_wait3A_74 = tpu.memref_slice %arg10[%dma_wait3A_72, %dma_wait3A_73] : memref<128x128xf32, #tpu.memory_space<vmem>> -> memref<16x128xf32, #tpu.memory_space<vmem>>
    %dma_wait3A_75 = arith.constant 0 : i32
    %dma_wait3A_76 = arith.constant 0 : i32
    %dma_wait3A_77 = tpu.memref_slice %arg2[%dma_wait3A_75, %dma_wait3A_76] : memref<10000x128xf32, #tpu.memory_space<hbm>> -> memref<16x128xf32, #tpu.memory_space<hbm>>
    tpu.wait_dma2 semaphore(%arg20 : memref<!tpu.dma_semaphore, #tpu.memory_space<semaphore_mem>>) src(%dma_wait3A_77 : memref<16x128xf32, #tpu.memory_space<hbm>>) dst(%dma_wait3A_74 : memref<16x128xf32, #tpu.memory_space<vmem>>)
    "tpu.region"() ({
      %run_scoped3A = tpu.sem_alloc : memref<!tpu.dma_semaphore, #tpu.memory_space<semaphore_mem>>
      %dma_start3A_83 = arith.constant 0 : i32
      %dma_start3A_84 = arith.constant 0 : i32
      %dma_start3A_85 = tpu.memref_slice %arg10[%dma_start3A_83, %dma_start3A_84] : memref<128x128xf32, #tpu.memory_space<vmem>> -> memref<16x128xf32, #tpu.memory_space<vmem>>
      %dma_start3A_86 = arith.constant 0 : i32
      %dma_start3A_87 = arith.constant 0 : i32
      %dma_start3A_88 = tpu.memref_slice %arg13[%dma_start3A_86, %dma_start3A_87] : memref<10240x128xf32, #tpu.memory_space<vmem_shared>> -> memref<10240x128xf32, #tpu.memory_space<vmem_shared>>
      tpu.enqueue_indirect_dma source(%dma_start3A_85 : memref<16x128xf32, #tpu.memory_space<vmem>>) target(%dma_start3A_88 : memref<10240x128xf32, #tpu.memory_space<vmem_shared>>) offsets(%arg9 : memref<16xi32, #tpu.memory_space<vmem>>) semaphore(%run_scoped3A : memref<!tpu.dma_semaphore, #tpu.memory_space<semaphore_mem>>) {add = true}
      %dma_wait3A_89 = arith.constant 0 : i32
      %dma_wait3A_90 = arith.constant 0 : i32
      %dma_wait3A_91 = tpu.memref_slice %arg10[%dma_wait3A_89, %dma_wait3A_90] : memref<128x128xf32, #tpu.memory_space<vmem>> -> memref<16x128xf32, #tpu.memory_space<vmem>>
      %dma_wait3A_92 = arith.constant 0 : i32
      %dma_wait3A_93 = arith.constant 0 : i32
      %dma_wait3A_94 = tpu.memref_slice %arg13[%dma_wait3A_92, %dma_wait3A_93] : memref<10240x128xf32, #tpu.memory_space<vmem_shared>> -> memref<10240x128xf32, #tpu.memory_space<vmem_shared>>
      tpu.wait_indirect_dma semaphore(%run_scoped3A : memref<!tpu.dma_semaphore, #tpu.memory_space<semaphore_mem>>) src(%dma_wait3A_91 : memref<16x128xf32, #tpu.memory_space<vmem>>) dst(%dma_wait3A_94 : memref<10240x128xf32, #tpu.memory_space<vmem_shared>>)
      tpu.yield
    }) : () -> ()
    %barrier3A_78 = arith.constant 0 : index
    tpu.barrier barrier_id(%barrier3A_78)
    %mul3A_79 = arith.constant 640 : i32
    %mul3A_80 = arith.muli %arg1, %mul3A_79 : i32
    %mul3A_81 = arith.constant 640 : i32
    %mul3A_82 = arith.muli %arg1, %mul3A_81 : i32
    "tpu.region"() ({
      %run_scoped3A = tpu.sem_alloc : memref<!tpu.dma_semaphore, #tpu.memory_space<semaphore_mem>>
      %dma_start3A_83 = arith.constant 0 : i32
      %dma_start3A_84 = tpu.memref_slice %arg5[%arg0, %mul3A_82, %dma_start3A_83] : memref<2x10240x128xf32, #tpu.memory_space<hbm>> -> memref<1x640x128xf32, #tpu.memory_space<hbm>>
      %dma_start3A_85 = tpu.memref_squeeze %dma_start3A_84 : memref<1x640x128xf32, #tpu.memory_space<hbm>> -> memref<640x128xf32, #tpu.memory_space<hbm>>
      %dma_start3A_86 = arith.constant 0 : i32
      %dma_start3A_87 = tpu.memref_slice %arg13[%mul3A_80, %dma_start3A_86] : memref<10240x128xf32, #tpu.memory_space<vmem_shared>> -> memref<640x128xf32, #tpu.memory_space<vmem_shared>>
      tpu.enqueue_dma source(%dma_start3A_87 : memref<640x128xf32, #tpu.memory_space<vmem_shared>>) target(%dma_start3A_85 : memref<640x128xf32, #tpu.memory_space<hbm>>) target_semaphore(%run_scoped3A : memref<!tpu.dma_semaphore, #tpu.memory_space<semaphore_mem>>)
      %dma_wait3A_88 = arith.constant 0 : i32
      %dma_wait3A_89 = tpu.memref_slice %arg5[%arg0, %mul3A_82, %dma_wait3A_88] : memref<2x10240x128xf32, #tpu.memory_space<hbm>> -> memref<1x640x128xf32, #tpu.memory_space<hbm>>
      %dma_wait3A_90 = tpu.memref_squeeze %dma_wait3A_89 : memref<1x640x128xf32, #tpu.memory_space<hbm>> -> memref<640x128xf32, #tpu.memory_space<hbm>>
      %dma_wait3A_91 = arith.constant 0 : i32
      %dma_wait3A_92 = tpu.memref_slice %arg13[%mul3A_80, %dma_wait3A_91] : memref<10240x128xf32, #tpu.memory_space<vmem_shared>> -> memref<640x128xf32, #tpu.memory_space<vmem_shared>>
      tpu.wait_dma2 semaphore(%run_scoped3A : memref<!tpu.dma_semaphore, #tpu.memory_space<semaphore_mem>>) src(%dma_wait3A_92 : memref<640x128xf32, #tpu.memory_space<vmem_shared>>) dst(%dma_wait3A_90 : memref<640x128xf32, #tpu.memory_space<hbm>>)
      tpu.yield
    }) : () -> ()
    return
  }
}

#map = affine_map<(d0, d1) -> (0, 0)>
#map1 = affine_map<(d0, d1) -> (0)>
#map2 = affine_map<(d0, d1) -> (0, 0, 0)>
module attributes {stable_mosaic.version = 14 : i64} {
  func.func @agg_k(%arg0: i32, %arg1: i32, %arg2: memref<10000x128xf32, #tpu.memory_space<hbm>>, %arg3: memref<320000xi32, #tpu.memory_space<hbm>>, %arg4: memref<320000xi32, #tpu.memory_space<hbm>>, %arg5: memref<2x10240x128xf32, #tpu.memory_space<hbm>>, %arg6: memref<10000xi32, #tpu.memory_space<vmem>>, %arg7: memref<128xi32, #tpu.memory_space<vmem>>, %arg8: memref<128xi32, #tpu.memory_space<vmem>>, %arg9: memref<16xi32, #tpu.memory_space<vmem>>, %arg10: memref<128x128xf32, #tpu.memory_space<vmem>>, %arg11: memref<128x128xf32, #tpu.memory_space<vmem>>, %arg12: memref<32x128xf32, #tpu.memory_space<vmem>>, %arg13: memref<10240x128xf32, #tpu.memory_space<vmem_shared>>, %arg14: memref<!tpu.dma_semaphore, #tpu.memory_space<semaphore_mem>>, %arg15: memref<!tpu.dma_semaphore, #tpu.memory_space<semaphore_mem>>, %arg16: memref<!tpu.dma_semaphore, #tpu.memory_space<semaphore_mem>>, %arg17: memref<!tpu.dma_semaphore, #tpu.memory_space<semaphore_mem>>, %arg18: memref<!tpu.dma_semaphore, #tpu.memory_space<semaphore_mem>>, %arg19: memref<!tpu.dma_semaphore, #tpu.memory_space<semaphore_mem>>, %arg20: memref<!tpu.dma_semaphore, #tpu.memory_space<semaphore_mem>>) attributes {dimension_semantics = [#tpu.dimension_semantics<core_parallel>, #tpu.dimension_semantics<subcore_parallel>], iteration_bounds = array<i64: 2, 16>, scalar_prefetch = 0 : i64, scratch_operands = 15 : i64, tpu.core_type = #tpu.core_type<sc_vector_subcore>, window_params = [{transform_indices = #map}, {transform_indices = #map1}, {transform_indices = #map1}, {transform_indices = #map2}]} {
    %mul3A = arith.constant 2 : i32
    %mul3A_0 = arith.muli %arg1, %mul3A : i32
    %add3A = arith.addi %mul3A_0, %arg0 : i32
    %mul3A_1 = arith.constant 10000 : i32
    %mul3A_2 = arith.muli %add3A, %mul3A_1 : i32
    %broadcast_in_dim3A = arith.constant 0.000000e+00 : f32
    %broadcast_in_dim3A_3 = vector.broadcast %broadcast_in_dim3A : f32 to vector<16xf32>
    %dma_start3A = tpu.memref_slice %arg3[%mul3A_2] : memref<320000xi32, #tpu.memory_space<hbm>> -> memref<10000xi32, #tpu.memory_space<hbm>>
    %dma_start3A_4 = tpu.memref_slice %arg3[%mul3A_2] : memref<320000xi32, #tpu.memory_space<hbm>> -> memref<10000xi32, #tpu.memory_space<hbm>>
    tpu.enqueue_dma source(%dma_start3A_4 : memref<10000xi32, #tpu.memory_space<hbm>>) target(%arg6 : memref<10000xi32, #tpu.memory_space<vmem>>) target_semaphore(%arg20 : memref<!tpu.dma_semaphore, #tpu.memory_space<semaphore_mem>>)
    %add3A_5 = arith.constant 9984 : i32
    %add3A_6 = arith.addi %mul3A_2, %add3A_5 : i32
    %dma_start3A_7 = tpu.memref_slice %arg4[%add3A_6] : memref<320000xi32, #tpu.memory_space<hbm>> -> memref<16xi32, #tpu.memory_space<hbm>>
    %dma_start3A_8 = tpu.memref_slice %arg4[%add3A_6] : memref<320000xi32, #tpu.memory_space<hbm>> -> memref<16xi32, #tpu.memory_space<hbm>>
    tpu.enqueue_dma source(%dma_start3A_8 : memref<16xi32, #tpu.memory_space<hbm>>) target(%arg9 : memref<16xi32, #tpu.memory_space<vmem>>) target_semaphore(%arg14 : memref<!tpu.dma_semaphore, #tpu.memory_space<semaphore_mem>>)
    %scan3A = arith.constant 0 : i32
    %scan3A_9 = arith.constant 0 : i32
    %scan3A_10 = arith.constant 32 : i32
    %scan3A_11 = arith.addi %scan3A_9, %scan3A_10 : i32
    %scan3A_12 = arith.constant 1 : i32
    %scan3A_13 = scf.for %scan3A_83 = %scan3A_9 to %scan3A_11 step %scan3A_12 iter_args(%scan3A_84 = %scan3A) -> (i32)  : i32 {
      %swap3A = arith.index_cast %scan3A_83 : i32 to index
      %swap3A_85 = arith.constant 0 : index
      %swap3A_86 = tpu.vector_load %arg12[%swap3A, %swap3A_85] {strides = array<i32>} : memref<32x128xf32, #tpu.memory_space<vmem>>, vector<1x16xf32>,
      %swap3A_87 = vector.shape_cast %swap3A_86 : vector<1x16xf32> to vector<16xf32>
      %swap3A_88 = vector.shape_cast %broadcast_in_dim3A_3 : vector<16xf32> to vector<1x16xf32>
      tpu.vector_store %arg12[%swap3A, %swap3A_85], %swap3A_88 {strides = array<i32>} : memref<32x128xf32, #tpu.memory_space<vmem>>, vector<1x16xf32>,
      %swap3A_89 = arith.index_cast %scan3A_83 : i32 to index
      %swap3A_90 = arith.constant 16 : index
      %swap3A_91 = tpu.vector_load %arg12[%swap3A_89, %swap3A_90] {strides = array<i32>} : memref<32x128xf32, #tpu.memory_space<vmem>>, vector<1x16xf32>,
      %swap3A_92 = vector.shape_cast %swap3A_91 : vector<1x16xf32> to vector<16xf32>
      %swap3A_93 = vector.shape_cast %broadcast_in_dim3A_3 : vector<16xf32> to vector<1x16xf32>
      tpu.vector_store %arg12[%swap3A_89, %swap3A_90], %swap3A_93 {strides = array<i32>} : memref<32x128xf32, #tpu.memory_space<vmem>>, vector<1x16xf32>,
      %swap3A_94 = arith.index_cast %scan3A_83 : i32 to index
      %swap3A_95 = arith.constant 32 : index
      %swap3A_96 = tpu.vector_load %arg12[%swap3A_94, %swap3A_95] {strides = array<i32>} : memref<32x128xf32, #tpu.memory_space<vmem>>, vector<1x16xf32>,
      %swap3A_97 = vector.shape_cast %swap3A_96 : vector<1x16xf32> to vector<16xf32>
      %swap3A_98 = vector.shape_cast %broadcast_in_dim3A_3 : vector<16xf32> to vector<1x16xf32>
      tpu.vector_store %arg12[%swap3A_94, %swap3A_95], %swap3A_98 {strides = array<i32>} : memref<32x128xf32, #tpu.memory_space<vmem>>, vector<1x16xf32>,
      %swap3A_99 = arith.index_cast %scan3A_83 : i32 to index
      %swap3A_100 = arith.constant 48 : index
      %swap3A_101 = tpu.vector_load %arg12[%swap3A_99, %swap3A_100] {strides = array<i32>} : memref<32x128xf32, #tpu.memory_space<vmem>>, vector<1x16xf32>,
      %swap3A_102 = vector.shape_cast %swap3A_101 : vector<1x16xf32> to vector<16xf32>
      %swap3A_103 = vector.shape_cast %broadcast_in_dim3A_3 : vector<16xf32> to vector<1x16xf32>
      tpu.vector_store %arg12[%swap3A_99, %swap3A_100], %swap3A_103 {strides = array<i32>} : memref<32x128xf32, #tpu.memory_space<vmem>>, vector<1x16xf32>,
      %swap3A_104 = arith.index_cast %scan3A_83 : i32 to index
      %swap3A_105 = arith.constant 64 : index
      %swap3A_106 = tpu.vector_load %arg12[%swap3A_104, %swap3A_105] {strides = array<i32>} : memref<32x128xf32, #tpu.memory_space<vmem>>, vector<1x16xf32>,
      %swap3A_107 = vector.shape_cast %swap3A_106 : vector<1x16xf32> to vector<16xf32>
      %swap3A_108 = vector.shape_cast %broadcast_in_dim3A_3 : vector<16xf32> to vector<1x16xf32>
      tpu.vector_store %arg12[%swap3A_104, %swap3A_105], %swap3A_108 {strides = array<i32>} : memref<32x128xf32, #tpu.memory_space<vmem>>, vector<1x16xf32>,
      %swap3A_109 = arith.index_cast %scan3A_83 : i32 to index
      %swap3A_110 = arith.constant 80 : index
      %swap3A_111 = tpu.vector_load %arg12[%swap3A_109, %swap3A_110] {strides = array<i32>} : memref<32x128xf32, #tpu.memory_space<vmem>>, vector<1x16xf32>,
      %swap3A_112 = vector.shape_cast %swap3A_111 : vector<1x16xf32> to vector<16xf32>
      %swap3A_113 = vector.shape_cast %broadcast_in_dim3A_3 : vector<16xf32> to vector<1x16xf32>
      tpu.vector_store %arg12[%swap3A_109, %swap3A_110], %swap3A_113 {strides = array<i32>} : memref<32x128xf32, #tpu.memory_space<vmem>>, vector<1x16xf32>,
      %swap3A_114 = arith.index_cast %scan3A_83 : i32 to index
      %swap3A_115 = arith.constant 96 : index
      %swap3A_116 = tpu.vector_load %arg12[%swap3A_114, %swap3A_115] {strides = array<i32>} : memref<32x128xf32, #tpu.memory_space<vmem>>, vector<1x16xf32>,
      %swap3A_117 = vector.shape_cast %swap3A_116 : vector<1x16xf32> to vector<16xf32>
      %swap3A_118 = vector.shape_cast %broadcast_in_dim3A_3 : vector<16xf32> to vector<1x16xf32>
      tpu.vector_store %arg12[%swap3A_114, %swap3A_115], %swap3A_118 {strides = array<i32>} : memref<32x128xf32, #tpu.memory_space<vmem>>, vector<1x16xf32>,
      %swap3A_119 = arith.index_cast %scan3A_83 : i32 to index
      %swap3A_120 = arith.constant 112 : index
      %swap3A_121 = tpu.vector_load %arg12[%swap3A_119, %swap3A_120] {strides = array<i32>} : memref<32x128xf32, #tpu.memory_space<vmem>>, vector<1x16xf32>,
      %swap3A_122 = vector.shape_cast %swap3A_121 : vector<1x16xf32> to vector<16xf32>
      %swap3A_123 = vector.shape_cast %broadcast_in_dim3A_3 : vector<16xf32> to vector<1x16xf32>
      tpu.vector_store %arg12[%swap3A_119, %swap3A_120], %swap3A_123 {strides = array<i32>} : memref<32x128xf32, #tpu.memory_space<vmem>>, vector<1x16xf32>,
      %scan3A_124 = arith.constant 0 : i32
      scf.yield %scan3A_124 : i32
    }
    %scan3A_14 = arith.constant 32 : i32
    %scan3A_15 = arith.constant 0 : i32
    %scan3A_16 = arith.constant 0 : i32
    %scan3A_17 = arith.constant 20 : i32
    %scan3A_18 = arith.addi %scan3A_16, %scan3A_17 : i32
    %scan3A_19 = arith.constant 1 : i32
    %scan3A_20 = scf.for %scan3A_83 = %scan3A_16 to %scan3A_18 step %scan3A_19 iter_args(%scan3A_84 = %scan3A_15) -> (i32)  : i32 {
      %mul3A_85 = arith.constant 640 : i32
      %mul3A_86 = arith.muli %arg1, %mul3A_85 : i32
      %mul3A_87 = arith.constant 32 : i32
      %mul3A_88 = arith.muli %scan3A_83, %mul3A_87 : i32
      %add3A_89 = arith.addi %mul3A_86, %mul3A_88 : i32
      %dma_start3A_90 = arith.constant 0 : i32
      %dma_start3A_91 = tpu.memref_slice %arg13[%add3A_89, %dma_start3A_90] : memref<10240x128xf32, #tpu.memory_space<vmem_shared>> -> memref<32x128xf32, #tpu.memory_space<vmem_shared>>
      %dma_start3A_92 = arith.constant 0 : i32
      %dma_start3A_93 = tpu.memref_slice %arg13[%add3A_89, %dma_start3A_92] : memref<10240x128xf32, #tpu.memory_space<vmem_shared>> -> memref<32x128xf32, #tpu.memory_space<vmem_shared>>
      tpu.enqueue_dma source(%arg12 : memref<32x128xf32, #tpu.memory_space<vmem>>) target(%dma_start3A_93 : memref<32x128xf32, #tpu.memory_space<vmem_shared>>) target_semaphore(%arg16 : memref<!tpu.dma_semaphore, #tpu.memory_space<semaphore_mem>>)
      %scan3A_94 = arith.constant 0 : i32
      scf.yield %scan3A_94 : i32
    }
    %scan3A_21 = arith.constant 20 : i32
    %scan3A_22 = arith.constant 0 : i32
    %scan3A_23 = arith.constant 0 : i32
    %scan3A_24 = arith.constant 20 : i32
    %scan3A_25 = arith.addi %scan3A_23, %scan3A_24 : i32
    %scan3A_26 = arith.constant 1 : i32
    %scan3A_27 = scf.for %scan3A_83 = %scan3A_23 to %scan3A_25 step %scan3A_26 iter_args(%scan3A_84 = %scan3A_22) -> (i32)  : i32 {
      %mul3A_85 = arith.constant 640 : i32
      %mul3A_86 = arith.muli %arg1, %mul3A_85 : i32
      %mul3A_87 = arith.constant 32 : i32
      %mul3A_88 = arith.muli %scan3A_83, %mul3A_87 : i32
      %add3A_89 = arith.addi %mul3A_86, %mul3A_88 : i32
      %dma_wait3A_90 = arith.constant 0 : i32
      %dma_wait3A_91 = tpu.memref_slice %arg13[%add3A_89, %dma_wait3A_90] : memref<10240x128xf32, #tpu.memory_space<vmem_shared>> -> memref<32x128xf32, #tpu.memory_space<vmem_shared>>
      %dma_wait3A_92 = arith.constant 0 : i32
      %dma_wait3A_93 = tpu.memref_slice %arg13[%add3A_89, %dma_wait3A_92] : memref<10240x128xf32, #tpu.memory_space<vmem_shared>> -> memref<32x128xf32, #tpu.memory_space<vmem_shared>>
      tpu.wait_dma2 semaphore(%arg16 : memref<!tpu.dma_semaphore, #tpu.memory_space<semaphore_mem>>) src(%arg12 : memref<32x128xf32, #tpu.memory_space<vmem>>) dst(%dma_wait3A_93 : memref<32x128xf32, #tpu.memory_space<vmem_shared>>)
      %scan3A_94 = arith.constant 0 : i32
      scf.yield %scan3A_94 : i32
    }
    %scan3A_28 = arith.constant 20 : i32
    %dma_wait3A = arith.constant 0 : i32
    %dma_wait3A_29 = tpu.memref_slice %arg3[%dma_wait3A] : memref<320000xi32, #tpu.memory_space<hbm>> -> memref<10000xi32, #tpu.memory_space<hbm>>
    %dma_wait3A_30 = arith.constant 0 : i32
    %dma_wait3A_31 = tpu.memref_slice %arg3[%dma_wait3A_30] : memref<320000xi32, #tpu.memory_space<hbm>> -> memref<10000xi32, #tpu.memory_space<hbm>>
    tpu.wait_dma2 semaphore(%arg20 : memref<!tpu.dma_semaphore, #tpu.memory_space<semaphore_mem>>) src(%dma_wait3A_31 : memref<10000xi32, #tpu.memory_space<hbm>>) dst(%arg6 : memref<10000xi32, #tpu.memory_space<vmem>>)
    %dma_wait3A_32 = arith.constant 0 : i32
    %dma_wait3A_33 = tpu.memref_slice %arg4[%dma_wait3A_32] : memref<320000xi32, #tpu.memory_space<hbm>> -> memref<16xi32, #tpu.memory_space<hbm>>
    %dma_wait3A_34 = arith.constant 0 : i32
    %dma_wait3A_35 = tpu.memref_slice %arg4[%dma_wait3A_34] : memref<320000xi32, #tpu.memory_space<hbm>> -> memref<16xi32, #tpu.memory_space<hbm>>
    tpu.wait_dma2 semaphore(%arg14 : memref<!tpu.dma_semaphore, #tpu.memory_space<semaphore_mem>>) src(%dma_wait3A_35 : memref<16xi32, #tpu.memory_space<hbm>>) dst(%arg9 : memref<16xi32, #tpu.memory_space<vmem>>)
    %barrier3A = arith.constant 0 : index
    tpu.barrier barrier_id(%barrier3A)
    %add3A_36 = arith.constant 0 : i32
    %add3A_37 = arith.addi %mul3A_2, %add3A_36 : i32
    %dma_start3A_38 = tpu.memref_slice %arg4[%add3A_37] : memref<320000xi32, #tpu.memory_space<hbm>> -> memref<128xi32, #tpu.memory_space<hbm>>
    %dma_start3A_39 = tpu.memref_slice %arg4[%add3A_37] : memref<320000xi32, #tpu.memory_space<hbm>> -> memref<128xi32, #tpu.memory_space<hbm>>
    tpu.enqueue_dma source(%dma_start3A_39 : memref<128xi32, #tpu.memory_space<hbm>>) target(%arg7 : memref<128xi32, #tpu.memory_space<vmem>>) target_semaphore(%arg14 : memref<!tpu.dma_semaphore, #tpu.memory_space<semaphore_mem>>)
    %dma_start3A_40 = arith.constant 0 : i32
    %dma_start3A_41 = tpu.memref_slice %arg6[%dma_start3A_40] : memref<10000xi32, #tpu.memory_space<vmem>> -> memref<128xi32, #tpu.memory_space<vmem>>
    %dma_start3A_42 = arith.constant 0 : i32
    %dma_start3A_43 = arith.constant 0 : i32
    %dma_start3A_44 = tpu.memref_slice %arg2[%dma_start3A_42, %dma_start3A_43] : memref<10000x128xf32, #tpu.memory_space<hbm>> -> memref<10000x128xf32, #tpu.memory_space<hbm>>
    tpu.enqueue_indirect_dma source(%dma_start3A_44 : memref<10000x128xf32, #tpu.memory_space<hbm>>) target(%arg10 : memref<128x128xf32, #tpu.memory_space<vmem>>) offsets(%dma_start3A_41 : memref<128xi32, #tpu.memory_space<vmem>>) semaphore(%arg16 : memref<!tpu.dma_semaphore, #tpu.memory_space<semaphore_mem>>)
    %scan3A_45 = arith.constant 0 : i32
    %scan3A_46 = arith.constant 0 : i32
    %scan3A_47 = arith.constant 39 : i32
    %scan3A_48 = arith.addi %scan3A_46, %scan3A_47 : i32
    %scan3A_49 = arith.constant 1 : i32
    %scan3A_50 = scf.for %scan3A_83 = %scan3A_46 to %scan3A_48 step %scan3A_49 iter_args(%scan3A_84 = %scan3A_45) -> (i32)  : i32 {
      %mul3A_85 = arith.constant 2 : i32
      %mul3A_86 = arith.muli %scan3A_83, %mul3A_85 : i32
      %add3A_87 = arith.constant 0 : i32
      %add3A_88 = arith.addi %mul3A_86, %add3A_87 : i32
      %add3A_89 = arith.constant 2 : i32
      %add3A_90 = arith.addi %add3A_88, %add3A_89 : i32
      %sub3A = arith.constant 1 : i32
      %sub3A_91 = arith.subi %add3A_90, %sub3A : i32
      %add3A_92 = arith.constant 2 : i32
      %add3A_93 = arith.addi %add3A_88, %add3A_92 : i32
      %sub3A_94 = arith.constant 1 : i32
      %sub3A_95 = arith.subi %add3A_93, %sub3A_94 : i32
      %lt3A = arith.constant 78 : i32
      %lt3A_96 = arith.cmpi slt, %sub3A_95, %lt3A : i32
      %convert_element_type3A = arith.extui %lt3A_96 : i1 to i32
      %cond3A = arith.constant 0 : i32
      %cond3A_97 = arith.cmpi ne, %convert_element_type3A, %cond3A : i32
      scf.if %cond3A_97 {
        %ge3A = arith.constant 2 : i32
        %ge3A_126 = arith.cmpi sge, %sub3A_91, %ge3A : i32
        %convert_element_type3A_127 = arith.extui %ge3A_126 : i1 to i32
        %cond3A_128 = arith.constant 0 : i32
        %cond3A_129 = arith.cmpi ne, %convert_element_type3A_127, %cond3A_128 : i32
        scf.if %cond3A_129 {
          %dma_wait3A_141 = arith.constant 0 : i32
          %dma_wait3A_142 = arith.constant 0 : i32
          %dma_wait3A_143 = tpu.memref_slice %arg13[%dma_wait3A_141, %dma_wait3A_142] : memref<10240x128xf32, #tpu.memory_space<vmem_shared>> -> memref<10240x128xf32, #tpu.memory_space<vmem_shared>>
          tpu.wait_indirect_dma semaphore(%arg19 : memref<!tpu.dma_semaphore, #tpu.memory_space<semaphore_mem>>) src(%arg11 : memref<128x128xf32, #tpu.memory_space<vmem>>) dst(%dma_wait3A_143 : memref<10240x128xf32, #tpu.memory_space<vmem_shared>>)
        } else {
        }
        %mul3A_130 = arith.constant 128 : i32
        %mul3A_131 = arith.muli %sub3A_91, %mul3A_130 : i32
        %add3A_132 = arith.addi %mul3A_2, %mul3A_131 : i32
        %dma_start3A_133 = tpu.memref_slice %arg4[%add3A_132] : memref<320000xi32, #tpu.memory_space<hbm>> -> memref<128xi32, #tpu.memory_space<hbm>>
        %dma_start3A_134 = tpu.memref_slice %arg4[%add3A_132] : memref<320000xi32, #tpu.memory_space<hbm>> -> memref<128xi32, #tpu.memory_space<hbm>>
        tpu.enqueue_dma source(%dma_start3A_134 : memref<128xi32, #tpu.memory_space<hbm>>) target(%arg8 : memref<128xi32, #tpu.memory_space<vmem>>) target_semaphore(%arg15 : memref<!tpu.dma_semaphore, #tpu.memory_space<semaphore_mem>>)
        %mul3A_135 = arith.constant 128 : i32
        %mul3A_136 = arith.muli %sub3A_91, %mul3A_135 : i32
        %dma_start3A_137 = tpu.memref_slice %arg6[%mul3A_136] : memref<10000xi32, #tpu.memory_space<vmem>> -> memref<128xi32, #tpu.memory_space<vmem>>
        %dma_start3A_138 = arith.constant 0 : i32
        %dma_start3A_139 = arith.constant 0 : i32
        %dma_start3A_140 = tpu.memref_slice %arg2[%dma_start3A_138, %dma_start3A_139] : memref<10000x128xf32, #tpu.memory_space<hbm>> -> memref<10000x128xf32, #tpu.memory_space<hbm>>
        tpu.enqueue_indirect_dma source(%dma_start3A_140 : memref<10000x128xf32, #tpu.memory_space<hbm>>) target(%arg11 : memref<128x128xf32, #tpu.memory_space<vmem>>) offsets(%dma_start3A_137 : memref<128xi32, #tpu.memory_space<vmem>>) semaphore(%arg17 : memref<!tpu.dma_semaphore, #tpu.memory_space<semaphore_mem>>)
      } else {
      }
      %lt3A_98 = arith.constant 78 : i32
      %lt3A_99 = arith.cmpi slt, %add3A_88, %lt3A_98 : i32
      %convert_element_type3A_100 = arith.extui %lt3A_99 : i1 to i32
      %cond3A_101 = arith.constant 0 : i32
      %cond3A_102 = arith.cmpi ne, %convert_element_type3A_100, %cond3A_101 : i32
      scf.if %cond3A_102 {
        %dma_wait3A_126 = arith.constant 0 : i32
        %dma_wait3A_127 = tpu.memref_slice %arg4[%dma_wait3A_126] : memref<320000xi32, #tpu.memory_space<hbm>> -> memref<128xi32, #tpu.memory_space<hbm>>
        %dma_wait3A_128 = arith.constant 0 : i32
        %dma_wait3A_129 = tpu.memref_slice %arg4[%dma_wait3A_128] : memref<320000xi32, #tpu.memory_space<hbm>> -> memref<128xi32, #tpu.memory_space<hbm>>
        tpu.wait_dma2 semaphore(%arg14 : memref<!tpu.dma_semaphore, #tpu.memory_space<semaphore_mem>>) src(%dma_wait3A_129 : memref<128xi32, #tpu.memory_space<hbm>>) dst(%arg7 : memref<128xi32, #tpu.memory_space<vmem>>)
        %dma_wait3A_130 = arith.constant 0 : i32
        %dma_wait3A_131 = arith.constant 0 : i32
        %dma_wait3A_132 = tpu.memref_slice %arg2[%dma_wait3A_130, %dma_wait3A_131] : memref<10000x128xf32, #tpu.memory_space<hbm>> -> memref<128x128xf32, #tpu.memory_space<hbm>>
        %dma_wait3A_133 = arith.constant 0 : i32
        %dma_wait3A_134 = arith.constant 0 : i32
        %dma_wait3A_135 = tpu.memref_slice %arg2[%dma_wait3A_133, %dma_wait3A_134] : memref<10000x128xf32, #tpu.memory_space<hbm>> -> memref<128x128xf32, #tpu.memory_space<hbm>>
        tpu.wait_dma2 semaphore(%arg16 : memref<!tpu.dma_semaphore, #tpu.memory_space<semaphore_mem>>) src(%dma_wait3A_135 : memref<128x128xf32, #tpu.memory_space<hbm>>) dst(%arg10 : memref<128x128xf32, #tpu.memory_space<vmem>>)
        %dma_start3A_136 = arith.constant 0 : i32
        %dma_start3A_137 = arith.constant 0 : i32
        %dma_start3A_138 = tpu.memref_slice %arg13[%dma_start3A_136, %dma_start3A_137] : memref<10240x128xf32, #tpu.memory_space<vmem_shared>> -> memref<10240x128xf32, #tpu.memory_space<vmem_shared>>
        tpu.enqueue_indirect_dma source(%arg10 : memref<128x128xf32, #tpu.memory_space<vmem>>) target(%dma_start3A_138 : memref<10240x128xf32, #tpu.memory_space<vmem_shared>>) offsets(%arg7 : memref<128xi32, #tpu.memory_space<vmem>>) semaphore(%arg18 : memref<!tpu.dma_semaphore, #tpu.memory_space<semaphore_mem>>) {add = true}
      } else {
      }
      %mul3A_103 = arith.constant 2 : i32
      %mul3A_104 = arith.muli %scan3A_83, %mul3A_103 : i32
      %add3A_105 = arith.constant 1 : i32
      %add3A_106 = arith.addi %mul3A_104, %add3A_105 : i32
      %add3A_107 = arith.constant 2 : i32
      %add3A_108 = arith.addi %add3A_106, %add3A_107 : i32
      %sub3A_109 = arith.constant 1 : i32
      %sub3A_110 = arith.subi %add3A_108, %sub3A_109 : i32
      %add3A_111 = arith.constant 2 : i32
      %add3A_112 = arith.addi %add3A_106, %add3A_111 : i32
      %sub3A_113 = arith.constant 1 : i32
      %sub3A_114 = arith.subi %add3A_112, %sub3A_113 : i32
      %lt3A_115 = arith.constant 78 : i32
      %lt3A_116 = arith.cmpi slt, %sub3A_114, %lt3A_115 : i32
      %convert_element_type3A_117 = arith.extui %lt3A_116 : i1 to i32
      %cond3A_118 = arith.constant 0 : i32
      %cond3A_119 = arith.cmpi ne, %convert_element_type3A_117, %cond3A_118 : i32
      scf.if %cond3A_119 {
        %ge3A = arith.constant 2 : i32
        %ge3A_126 = arith.cmpi sge, %sub3A_110, %ge3A : i32
        %convert_element_type3A_127 = arith.extui %ge3A_126 : i1 to i32
        %cond3A_128 = arith.constant 0 : i32
        %cond3A_129 = arith.cmpi ne, %convert_element_type3A_127, %cond3A_128 : i32
        scf.if %cond3A_129 {
          %dma_wait3A_141 = arith.constant 0 : i32
          %dma_wait3A_142 = arith.constant 0 : i32
          %dma_wait3A_143 = tpu.memref_slice %arg13[%dma_wait3A_141, %dma_wait3A_142] : memref<10240x128xf32, #tpu.memory_space<vmem_shared>> -> memref<10240x128xf32, #tpu.memory_space<vmem_shared>>
          tpu.wait_indirect_dma semaphore(%arg18 : memref<!tpu.dma_semaphore, #tpu.memory_space<semaphore_mem>>) src(%arg10 : memref<128x128xf32, #tpu.memory_space<vmem>>) dst(%dma_wait3A_143 : memref<10240x128xf32, #tpu.memory_space<vmem_shared>>)
        } else {
        }
        %mul3A_130 = arith.constant 128 : i32
        %mul3A_131 = arith.muli %sub3A_110, %mul3A_130 : i32
        %add3A_132 = arith.addi %mul3A_2, %mul3A_131 : i32
        %dma_start3A_133 = tpu.memref_slice %arg4[%add3A_132] : memref<320000xi32, #tpu.memory_space<hbm>> -> memref<128xi32, #tpu.memory_space<hbm>>
        %dma_start3A_134 = tpu.memref_slice %arg4[%add3A_132] : memref<320000xi32, #tpu.memory_space<hbm>> -> memref<128xi32, #tpu.memory_space<hbm>>
        tpu.enqueue_dma source(%dma_start3A_134 : memref<128xi32, #tpu.memory_space<hbm>>) target(%arg7 : memref<128xi32, #tpu.memory_space<vmem>>) target_semaphore(%arg14 : memref<!tpu.dma_semaphore, #tpu.memory_space<semaphore_mem>>)
        %mul3A_135 = arith.constant 128 : i32
        %mul3A_136 = arith.muli %sub3A_110, %mul3A_135 : i32
        %dma_start3A_137 = tpu.memref_slice %arg6[%mul3A_136] : memref<10000xi32, #tpu.memory_space<vmem>> -> memref<128xi32, #tpu.memory_space<vmem>>
        %dma_start3A_138 = arith.constant 0 : i32
        %dma_start3A_139 = arith.constant 0 : i32
        %dma_start3A_140 = tpu.memref_slice %arg2[%dma_start3A_138, %dma_start3A_139] : memref<10000x128xf32, #tpu.memory_space<hbm>> -> memref<10000x128xf32, #tpu.memory_space<hbm>>
        tpu.enqueue_indirect_dma source(%dma_start3A_140 : memref<10000x128xf32, #tpu.memory_space<hbm>>) target(%arg10 : memref<128x128xf32, #tpu.memory_space<vmem>>) offsets(%dma_start3A_137 : memref<128xi32, #tpu.memory_space<vmem>>) semaphore(%arg16 : memref<!tpu.dma_semaphore, #tpu.memory_space<semaphore_mem>>)
      } else {
      }
      %lt3A_120 = arith.constant 78 : i32
      %lt3A_121 = arith.cmpi slt, %add3A_106, %lt3A_120 : i32
      %convert_element_type3A_122 = arith.extui %lt3A_121 : i1 to i32
      %cond3A_123 = arith.constant 0 : i32
      %cond3A_124 = arith.cmpi ne, %convert_element_type3A_122, %cond3A_123 : i32
      scf.if %cond3A_124 {
        %dma_wait3A_126 = arith.constant 0 : i32
        %dma_wait3A_127 = tpu.memref_slice %arg4[%dma_wait3A_126] : memref<320000xi32, #tpu.memory_space<hbm>> -> memref<128xi32, #tpu.memory_space<hbm>>
        %dma_wait3A_128 = arith.constant 0 : i32
        %dma_wait3A_129 = tpu.memref_slice %arg4[%dma_wait3A_128] : memref<320000xi32, #tpu.memory_space<hbm>> -> memref<128xi32, #tpu.memory_space<hbm>>
        tpu.wait_dma2 semaphore(%arg15 : memref<!tpu.dma_semaphore, #tpu.memory_space<semaphore_mem>>) src(%dma_wait3A_129 : memref<128xi32, #tpu.memory_space<hbm>>) dst(%arg8 : memref<128xi32, #tpu.memory_space<vmem>>)
        %dma_wait3A_130 = arith.constant 0 : i32
        %dma_wait3A_131 = arith.constant 0 : i32
        %dma_wait3A_132 = tpu.memref_slice %arg2[%dma_wait3A_130, %dma_wait3A_131] : memref<10000x128xf32, #tpu.memory_space<hbm>> -> memref<128x128xf32, #tpu.memory_space<hbm>>
        %dma_wait3A_133 = arith.constant 0 : i32
        %dma_wait3A_134 = arith.constant 0 : i32
        %dma_wait3A_135 = tpu.memref_slice %arg2[%dma_wait3A_133, %dma_wait3A_134] : memref<10000x128xf32, #tpu.memory_space<hbm>> -> memref<128x128xf32, #tpu.memory_space<hbm>>
        tpu.wait_dma2 semaphore(%arg17 : memref<!tpu.dma_semaphore, #tpu.memory_space<semaphore_mem>>) src(%dma_wait3A_135 : memref<128x128xf32, #tpu.memory_space<hbm>>) dst(%arg11 : memref<128x128xf32, #tpu.memory_space<vmem>>)
        %dma_start3A_136 = arith.constant 0 : i32
        %dma_start3A_137 = arith.constant 0 : i32
        %dma_start3A_138 = tpu.memref_slice %arg13[%dma_start3A_136, %dma_start3A_137] : memref<10240x128xf32, #tpu.memory_space<vmem_shared>> -> memref<10240x128xf32, #tpu.memory_space<vmem_shared>>
        tpu.enqueue_indirect_dma source(%arg11 : memref<128x128xf32, #tpu.memory_space<vmem>>) target(%dma_start3A_138 : memref<10240x128xf32, #tpu.memory_space<vmem_shared>>) offsets(%arg8 : memref<128xi32, #tpu.memory_space<vmem>>) semaphore(%arg19 : memref<!tpu.dma_semaphore, #tpu.memory_space<semaphore_mem>>) {add = true}
      } else {
      }
      %scan3A_125 = arith.constant 0 : i32
      scf.yield %scan3A_125 : i32
    }
    %scan3A_51 = arith.constant 39 : i32
    %dma_wait3A_52 = arith.constant 0 : i32
    %dma_wait3A_53 = arith.constant 0 : i32
    %dma_wait3A_54 = tpu.memref_slice %arg13[%dma_wait3A_52, %dma_wait3A_53] : memref<10240x128xf32, #tpu.memory_space<vmem_shared>> -> memref<10240x128xf32, #tpu.memory_space<vmem_shared>>
    tpu.wait_indirect_dma semaphore(%arg18 : memref<!tpu.dma_semaphore, #tpu.memory_space<semaphore_mem>>) src(%arg10 : memref<128x128xf32, #tpu.memory_space<vmem>>) dst(%dma_wait3A_54 : memref<10240x128xf32, #tpu.memory_space<vmem_shared>>)
    %dma_wait3A_55 = arith.constant 0 : i32
    %dma_wait3A_56 = arith.constant 0 : i32
    %dma_wait3A_57 = tpu.memref_slice %arg13[%dma_wait3A_55, %dma_wait3A_56] : memref<10240x128xf32, #tpu.memory_space<vmem_shared>> -> memref<10240x128xf32, #tpu.memory_space<vmem_shared>>
    tpu.wait_indirect_dma semaphore(%arg19 : memref<!tpu.dma_semaphore, #tpu.memory_space<semaphore_mem>>) src(%arg11 : memref<128x128xf32, #tpu.memory_space<vmem>>) dst(%dma_wait3A_57 : memref<10240x128xf32, #tpu.memory_space<vmem_shared>>)
    %dma_start3A_58 = arith.constant 0 : i32
    %dma_start3A_59 = arith.constant 0 : i32
    %dma_start3A_60 = tpu.memref_slice %arg10[%dma_start3A_58, %dma_start3A_59] : memref<128x128xf32, #tpu.memory_space<vmem>> -> memref<16x128xf32, #tpu.memory_space<vmem>>
    %dma_start3A_61 = arith.constant 9984 : i32
    %dma_start3A_62 = tpu.memref_slice %arg6[%dma_start3A_61] : memref<10000xi32, #tpu.memory_space<vmem>> -> memref<16xi32, #tpu.memory_space<vmem>>
    %dma_start3A_63 = arith.constant 0 : i32
    %dma_start3A_64 = arith.constant 0 : i32
    %dma_start3A_65 = tpu.memref_slice %arg2[%dma_start3A_63, %dma_start3A_64] : memref<10000x128xf32, #tpu.memory_space<hbm>> -> memref<10000x128xf32, #tpu.memory_space<hbm>>
    tpu.enqueue_indirect_dma source(%dma_start3A_65 : memref<10000x128xf32, #tpu.memory_space<hbm>>) target(%dma_start3A_60 : memref<16x128xf32, #tpu.memory_space<vmem>>) offsets(%dma_start3A_62 : memref<16xi32, #tpu.memory_space<vmem>>) semaphore(%arg20 : memref<!tpu.dma_semaphore, #tpu.memory_space<semaphore_mem>>)
    %dma_wait3A_66 = arith.constant 0 : i32
    %dma_wait3A_67 = arith.constant 0 : i32
    %dma_wait3A_68 = tpu.memref_slice %arg10[%dma_wait3A_66, %dma_wait3A_67] : memref<128x128xf32, #tpu.memory_space<vmem>> -> memref<16x128xf32, #tpu.memory_space<vmem>>
    %dma_wait3A_69 = arith.constant 0 : i32
    %dma_wait3A_70 = arith.constant 0 : i32
    %dma_wait3A_71 = tpu.memref_slice %arg2[%dma_wait3A_69, %dma_wait3A_70] : memref<10000x128xf32, #tpu.memory_space<hbm>> -> memref<16x128xf32, #tpu.memory_space<hbm>>
    %dma_wait3A_72 = arith.constant 0 : i32
    %dma_wait3A_73 = arith.constant 0 : i32
    %dma_wait3A_74 = tpu.memref_slice %arg10[%dma_wait3A_72, %dma_wait3A_73] : memref<128x128xf32, #tpu.memory_space<vmem>> -> memref<16x128xf32, #tpu.memory_space<vmem>>
    %dma_wait3A_75 = arith.constant 0 : i32
    %dma_wait3A_76 = arith.constant 0 : i32
    %dma_wait3A_77 = tpu.memref_slice %arg2[%dma_wait3A_75, %dma_wait3A_76] : memref<10000x128xf32, #tpu.memory_space<hbm>> -> memref<16x128xf32, #tpu.memory_space<hbm>>
    tpu.wait_dma2 semaphore(%arg20 : memref<!tpu.dma_semaphore, #tpu.memory_space<semaphore_mem>>) src(%dma_wait3A_77 : memref<16x128xf32, #tpu.memory_space<hbm>>) dst(%dma_wait3A_74 : memref<16x128xf32, #tpu.memory_space<vmem>>)
    "tpu.region"() ({
      %run_scoped3A = tpu.sem_alloc : memref<!tpu.dma_semaphore, #tpu.memory_space<semaphore_mem>>
      %dma_start3A_83 = arith.constant 0 : i32
      %dma_start3A_84 = arith.constant 0 : i32
      %dma_start3A_85 = tpu.memref_slice %arg10[%dma_start3A_83, %dma_start3A_84] : memref<128x128xf32, #tpu.memory_space<vmem>> -> memref<16x128xf32, #tpu.memory_space<vmem>>
      %dma_start3A_86 = arith.constant 0 : i32
      %dma_start3A_87 = arith.constant 0 : i32
      %dma_start3A_88 = tpu.memref_slice %arg13[%dma_start3A_86, %dma_start3A_87] : memref<10240x128xf32, #tpu.memory_space<vmem_shared>> -> memref<10240x128xf32, #tpu.memory_space<vmem_shared>>
      tpu.enqueue_indirect_dma source(%dma_start3A_85 : memref<16x128xf32, #tpu.memory_space<vmem>>) target(%dma_start3A_88 : memref<10240x128xf32, #tpu.memory_space<vmem_shared>>) offsets(%arg9 : memref<16xi32, #tpu.memory_space<vmem>>) semaphore(%run_scoped3A : memref<!tpu.dma_semaphore, #tpu.memory_space<semaphore_mem>>) {add = true}
      %dma_wait3A_89 = arith.constant 0 : i32
      %dma_wait3A_90 = arith.constant 0 : i32
      %dma_wait3A_91 = tpu.memref_slice %arg10[%dma_wait3A_89, %dma_wait3A_90] : memref<128x128xf32, #tpu.memory_space<vmem>> -> memref<16x128xf32, #tpu.memory_space<vmem>>
      %dma_wait3A_92 = arith.constant 0 : i32
      %dma_wait3A_93 = arith.constant 0 : i32
      %dma_wait3A_94 = tpu.memref_slice %arg13[%dma_wait3A_92, %dma_wait3A_93] : memref<10240x128xf32, #tpu.memory_space<vmem_shared>> -> memref<10240x128xf32, #tpu.memory_space<vmem_shared>>
      tpu.wait_indirect_dma semaphore(%run_scoped3A : memref<!tpu.dma_semaphore, #tpu.memory_space<semaphore_mem>>) src(%dma_wait3A_91 : memref<16x128xf32, #tpu.memory_space<vmem>>) dst(%dma_wait3A_94 : memref<10240x128xf32, #tpu.memory_space<vmem_shared>>)
      tpu.yield
    }) : () -> ()
    %barrier3A_78 = arith.constant 0 : index
    tpu.barrier barrier_id(%barrier3A_78)
    %mul3A_79 = arith.constant 640 : i32
    %mul3A_80 = arith.muli %arg1, %mul3A_79 : i32
    %mul3A_81 = arith.constant 640 : i32
    %mul3A_82 = arith.muli %arg1, %mul3A_81 : i32
    "tpu.region"() ({
      %run_scoped3A = tpu.sem_alloc : memref<!tpu.dma_semaphore, #tpu.memory_space<semaphore_mem>>
      %dma_start3A_83 = arith.constant 0 : i32
      %dma_start3A_84 = tpu.memref_slice %arg5[%arg0, %mul3A_82, %dma_start3A_83] : memref<2x10240x128xf32, #tpu.memory_space<hbm>> -> memref<1x640x128xf32, #tpu.memory_space<hbm>>
      %dma_start3A_85 = tpu.memref_squeeze %dma_start3A_84 : memref<1x640x128xf32, #tpu.memory_space<hbm>> -> memref<640x128xf32, #tpu.memory_space<hbm>>
      %dma_start3A_86 = arith.constant 0 : i32
      %dma_start3A_87 = tpu.memref_slice %arg13[%mul3A_80, %dma_start3A_86] : memref<10240x128xf32, #tpu.memory_space<vmem_shared>> -> memref<640x128xf32, #tpu.memory_space<vmem_shared>>
      tpu.enqueue_dma source(%dma_start3A_87 : memref<640x128xf32, #tpu.memory_space<vmem_shared>>) target(%dma_start3A_85 : memref<640x128xf32, #tpu.memory_space<hbm>>) target_semaphore(%run_scoped3A : memref<!tpu.dma_semaphore, #tpu.memory_space<semaphore_mem>>)
      %dma_wait3A_88 = arith.constant 0 : i32
      %dma_wait3A_89 = tpu.memref_slice %arg5[%arg0, %mul3A_82, %dma_wait3A_88] : memref<2x10240x128xf32, #tpu.memory_space<hbm>> -> memref<1x640x128xf32, #tpu.memory_space<hbm>>
      %dma_wait3A_90 = tpu.memref_squeeze %dma_wait3A_89 : memref<1x640x128xf32, #tpu.memory_space<hbm>> -> memref<640x128xf32, #tpu.memory_space<hbm>>
      %dma_wait3A_91 = arith.constant 0 : i32
      %dma_wait3A_92 = tpu.memref_slice %arg13[%mul3A_80, %dma_wait3A_91] : memref<10240x128xf32, #tpu.memory_space<vmem_shared>> -> memref<640x128xf32, #tpu.memory_space<vmem_shared>>
      tpu.wait_dma2 semaphore(%run_scoped3A : memref<!tpu.dma_semaphore, #tpu.memory_space<semaphore_mem>>) src(%dma_wait3A_92 : memref<640x128xf32, #tpu.memory_space<vmem_shared>>) dst(%dma_wait3A_90 : memref<640x128xf32, #tpu.memory_space<hbm>>)
      tpu.yield
    }) : () -> ()
    return
  }
}

module attributes {stable_mosaic.version = 14 : i64} {
  func.func @body(%arg0: i32, %arg1: memref<2x2000x16xf32, #tpu.memory_space<vmem>>, %arg2: memref<2000x128xf32, #tpu.memory_space<vmem>>, %arg3: memref<128x128xf32, #tpu.memory_space<vmem>>, %arg4: memref<2000x128xf32, #tpu.memory_space<vmem>>) attributes {dimension_semantics = [#tpu.dimension_semantics<arbitrary>], iteration_bounds = array<i64: 5>, scalar_prefetch = 0 : i64, scratch_operands = 0 : i64, tpu.core_type = #tpu.core_type<tc>, window_params = [{transform_indices = @transform_0, window_bounds = array<i64: 2, 2000, 16>}, {transform_indices = @transform_1, window_bounds = array<i64: 2000, 128>}, {pipeline_mode = #tpu.pipeline_mode<synchronous>, transform_indices = @transform_2, window_bounds = array<i64: 128, 128>}, {transform_indices = @transform_3, window_bounds = array<i64: 2000, 128>}]} {
    %get3A = arith.constant 0 : index
    %get3A_0 = arith.constant 0 : index
    %get3A_1 = vector.load %arg2[%get3A, %get3A_0] : memref<2000x128xf32, #tpu.memory_space<vmem>>, vector<2000x128xf32>
    %get3A_2 = arith.constant 0 : index
    %get3A_3 = arith.constant 0 : index
    %get3A_4 = vector.load %arg3[%get3A_2, %get3A_3] : memref<128x128xf32, #tpu.memory_space<vmem>>, vector<128x128xf32>
    %dot_general3A = arith.constant dense<0.000000e+00> : vector<2000x128xf32>
    %dot_general3A_5 = tpu.matmul %get3A_1, %get3A_4, %dot_general3A {dimension_numbers = #tpu.dot_dimension_numbers<[1], [0], [0], [1], [0, 0, 1, 1], [], []>, transpose_lhs_hint = false} : vector<2000x128xf32>, vector<128x128xf32>, vector<2000x128xf32> -> vector<2000x128xf32>
    %get3A_6 = arith.constant 0 : index
    %get3A_7 = arith.constant 0 : index
    %get3A_8 = arith.constant 0 : index
    %get3A_9 = vector.load %arg1[%get3A_6, %get3A_7, %get3A_8] : memref<2x2000x16xf32, #tpu.memory_space<vmem>>, vector<1x2000x1xf32>
    %get3A_10 = vector.shape_cast %get3A_9 : vector<1x2000x1xf32> to vector<2000x1xf32>
    %get3A_11 = arith.constant 1 : index
    %get3A_12 = arith.constant 0 : index
    %get3A_13 = arith.constant 0 : index
    %get3A_14 = vector.load %arg1[%get3A_11, %get3A_12, %get3A_13] : memref<2x2000x16xf32, #tpu.memory_space<vmem>>, vector<1x2000x1xf32>
    %get3A_15 = vector.shape_cast %get3A_14 : vector<1x2000x1xf32> to vector<2000x1xf32>
    %add3A = arith.addf %get3A_10, %get3A_15 : vector<2000x1xf32>
    %add3A_16 = arith.constant 1.000000e+00 : f32
    %add3A_17 = vector.broadcast %add3A_16 : f32 to vector<2000x1xf32>
    %add3A_18 = arith.addf %add3A, %add3A_17 : vector<2000x1xf32>
    %rsqrt3A = math.rsqrt %add3A_18 : vector<2000x1xf32>
    %mul3A = vector.broadcast %rsqrt3A : vector<2000x1xf32> to vector<2000x128xf32>
    %mul3A_19 = arith.mulf %dot_general3A_5, %mul3A : vector<2000x128xf32>
    %swap3A = arith.constant 0 : index
    %swap3A_20 = arith.constant 0 : index
    %swap3A_21 = vector.load %arg4[%swap3A, %swap3A_20] : memref<2000x128xf32, #tpu.memory_space<vmem>>, vector<2000x128xf32>
    tpu.vector_store %arg4[%swap3A, %swap3A_20], %mul3A_19 {strides = array<i32>} : memref<2000x128xf32, #tpu.memory_space<vmem>>, vector<2000x128xf32>,
    return
  }
  func.func @transform_0(%arg0: i32) -> (i32, i32, i32) {
    %c0_i32 = arith.constant 0 : i32
    %c0_i32_0 = arith.constant 0 : i32
    %c0_i32_1 = arith.constant 0 : i32
    return %c0_i32, %arg0, %c0_i32_0 : i32, i32, i32
  }
  func.func @transform_1(%arg0: i32) -> (i32, i32) {
    %c0_i32 = arith.constant 0 : i32
    %c0_i32_0 = arith.constant 0 : i32
    return %arg0, %c0_i32 : i32, i32
  }
  func.func @transform_2(%arg0: i32) -> (i32, i32) {
    %c0_i32 = arith.constant 0 : i32
    %c0_i32_0 = arith.constant 0 : i32
    %c0_i32_1 = arith.constant 0 : i32
    return %c0_i32, %c0_i32_0 : i32, i32
  }
  func.func @transform_3(%arg0: i32) -> (i32, i32) {
    %c0_i32 = arith.constant 0 : i32
    %c0_i32_0 = arith.constant 0 : i32
    return %arg0, %c0_i32 : i32, i32
  }
}

module attributes {stable_mosaic.version = 14 : i64} {
  func.func @body(%arg0: i32, %arg1: memref<2x2000x16xf32, #tpu.memory_space<vmem>>, %arg2: memref<2x2000x128xf32, #tpu.memory_space<vmem>>, %arg3: memref<2000x128xf32, #tpu.memory_space<vmem>>, %arg4: memref<1x128xf32, #tpu.memory_space<vmem>>, %arg5: memref<128x128xf32, #tpu.memory_space<vmem>>, %arg6: memref<2000x128xf32, #tpu.memory_space<vmem>>) attributes {dimension_semantics = [#tpu.dimension_semantics<arbitrary>], iteration_bounds = array<i64: 5>, scalar_prefetch = 0 : i64, scratch_operands = 0 : i64, tpu.core_type = #tpu.core_type<tc>, window_params = [{transform_indices = @transform_0, window_bounds = array<i64: 2, 2000, 16>}, {transform_indices = @transform_1, window_bounds = array<i64: 2, 2000, 128>}, {transform_indices = @transform_2, window_bounds = array<i64: 2000, 128>}, {pipeline_mode = #tpu.pipeline_mode<synchronous>, transform_indices = @transform_3, window_bounds = array<i64: 1, 128>}, {pipeline_mode = #tpu.pipeline_mode<synchronous>, transform_indices = @transform_4, window_bounds = array<i64: 128, 128>}, {transform_indices = @transform_5, window_bounds = array<i64: 2000, 128>}]} {
    %get3A = arith.constant 0 : index
    %get3A_0 = arith.constant 0 : index
    %get3A_1 = arith.constant 0 : index
    %get3A_2 = vector.load %arg1[%get3A, %get3A_0, %get3A_1] : memref<2x2000x16xf32, #tpu.memory_space<vmem>>, vector<1x2000x1xf32>
    %get3A_3 = vector.shape_cast %get3A_2 : vector<1x2000x1xf32> to vector<2000x1xf32>
    %get3A_4 = arith.constant 1 : index
    %get3A_5 = arith.constant 0 : index
    %get3A_6 = arith.constant 0 : index
    %get3A_7 = vector.load %arg1[%get3A_4, %get3A_5, %get3A_6] : memref<2x2000x16xf32, #tpu.memory_space<vmem>>, vector<1x2000x1xf32>
    %get3A_8 = vector.shape_cast %get3A_7 : vector<1x2000x1xf32> to vector<2000x1xf32>
    %add3A = arith.addf %get3A_3, %get3A_8 : vector<2000x1xf32>
    %add3A_9 = arith.constant 1.000000e+00 : f32
    %add3A_10 = vector.broadcast %add3A_9 : f32 to vector<2000x1xf32>
    %add3A_11 = arith.addf %add3A, %add3A_10 : vector<2000x1xf32>
    %rsqrt3A = math.rsqrt %add3A_11 : vector<2000x1xf32>
    %get3A_12 = arith.constant 0 : index
    %get3A_13 = arith.constant 0 : index
    %get3A_14 = arith.constant 0 : index
    %get3A_15 = vector.load %arg2[%get3A_12, %get3A_13, %get3A_14] : memref<2x2000x128xf32, #tpu.memory_space<vmem>>, vector<1x2000x128xf32>
    %get3A_16 = vector.shape_cast %get3A_15 : vector<1x2000x128xf32> to vector<2000x128xf32>
    %get3A_17 = arith.constant 1 : index
    %get3A_18 = arith.constant 0 : index
    %get3A_19 = arith.constant 0 : index
    %get3A_20 = vector.load %arg2[%get3A_17, %get3A_18, %get3A_19] : memref<2x2000x128xf32, #tpu.memory_space<vmem>>, vector<1x2000x128xf32>
    %get3A_21 = vector.shape_cast %get3A_20 : vector<1x2000x128xf32> to vector<2000x128xf32>
    %add3A_22 = arith.addf %get3A_16, %get3A_21 : vector<2000x128xf32>
    %get3A_23 = arith.constant 0 : index
    %get3A_24 = arith.constant 0 : index
    %get3A_25 = vector.load %arg3[%get3A_23, %get3A_24] : memref<2000x128xf32, #tpu.memory_space<vmem>>, vector<2000x128xf32>
    %add3A_26 = arith.addf %add3A_22, %get3A_25 : vector<2000x128xf32>
    %mul3A = vector.broadcast %rsqrt3A : vector<2000x1xf32> to vector<2000x128xf32>
    %mul3A_27 = arith.mulf %add3A_26, %mul3A : vector<2000x128xf32>
    %get3A_28 = arith.constant 0 : index
    %get3A_29 = arith.constant 0 : index
    %get3A_30 = vector.load %arg4[%get3A_28, %get3A_29] : memref<1x128xf32, #tpu.memory_space<vmem>>, vector<1x128xf32>
    %add3A_31 = vector.broadcast %get3A_30 : vector<1x128xf32> to vector<2000x128xf32>
    %add3A_32 = arith.addf %mul3A_27, %add3A_31 : vector<2000x128xf32>
    %get3A_33 = arith.constant 0 : index
    %get3A_34 = arith.constant 0 : index
    %get3A_35 = vector.load %arg5[%get3A_33, %get3A_34] : memref<128x128xf32, #tpu.memory_space<vmem>>, vector<128x128xf32>
    %dot_general3A = arith.constant dense<0.000000e+00> : vector<2000x128xf32>
    %dot_general3A_36 = tpu.matmul %add3A_32, %get3A_35, %dot_general3A {dimension_numbers = #tpu.dot_dimension_numbers<[1], [0], [0], [1], [0, 0, 1, 1], [], []>, transpose_lhs_hint = false} : vector<2000x128xf32>, vector<128x128xf32>, vector<2000x128xf32> -> vector<2000x128xf32>
    %mul3A_37 = vector.broadcast %rsqrt3A : vector<2000x1xf32> to vector<2000x128xf32>
    %mul3A_38 = arith.mulf %dot_general3A_36, %mul3A_37 : vector<2000x128xf32>
    %swap3A = arith.constant 0 : index
    %swap3A_39 = arith.constant 0 : index
    %swap3A_40 = vector.load %arg6[%swap3A, %swap3A_39] : memref<2000x128xf32, #tpu.memory_space<vmem>>, vector<2000x128xf32>
    tpu.vector_store %arg6[%swap3A, %swap3A_39], %mul3A_38 {strides = array<i32>} : memref<2000x128xf32, #tpu.memory_space<vmem>>, vector<2000x128xf32>,
    return
  }
  func.func @transform_0(%arg0: i32) -> (i32, i32, i32) {
    %c0_i32 = arith.constant 0 : i32
    %c0_i32_0 = arith.constant 0 : i32
    %c0_i32_1 = arith.constant 0 : i32
    return %c0_i32, %arg0, %c0_i32_0 : i32, i32, i32
  }
  func.func @transform_1(%arg0: i32) -> (i32, i32, i32) {
    %c0_i32 = arith.constant 0 : i32
    %c0_i32_0 = arith.constant 0 : i32
    %c0_i32_1 = arith.constant 0 : i32
    return %c0_i32, %arg0, %c0_i32_0 : i32, i32, i32
  }
  func.func @transform_2(%arg0: i32) -> (i32, i32) {
    %c0_i32 = arith.constant 0 : i32
    %c0_i32_0 = arith.constant 0 : i32
    return %arg0, %c0_i32 : i32, i32
  }
  func.func @transform_3(%arg0: i32) -> (i32, i32) {
    %c0_i32 = arith.constant 0 : i32
    %c0_i32_0 = arith.constant 0 : i32
    %c0_i32_1 = arith.constant 0 : i32
    return %c0_i32, %c0_i32_0 : i32, i32
  }
  func.func @transform_4(%arg0: i32) -> (i32, i32) {
    %c0_i32 = arith.constant 0 : i32
    %c0_i32_0 = arith.constant 0 : i32
    %c0_i32_1 = arith.constant 0 : i32
    return %c0_i32, %c0_i32_0 : i32, i32
  }
  func.func @transform_5(%arg0: i32) -> (i32, i32) {
    %c0_i32 = arith.constant 0 : i32
    %c0_i32_0 = arith.constant 0 : i32
    return %arg0, %c0_i32 : i32, i32
  }
}

module attributes {stable_mosaic.version = 14 : i64} {
  func.func @body(%arg0: i32, %arg1: memref<2x2000x16xf32, #tpu.memory_space<vmem>>, %arg2: memref<2x2000x128xf32, #tpu.memory_space<vmem>>, %arg3: memref<2000x128xf32, #tpu.memory_space<vmem>>, %arg4: memref<1x128xf32, #tpu.memory_space<vmem>>, %arg5: memref<2000x128xf32, #tpu.memory_space<vmem>>) attributes {dimension_semantics = [#tpu.dimension_semantics<arbitrary>], iteration_bounds = array<i64: 5>, scalar_prefetch = 0 : i64, scratch_operands = 0 : i64, tpu.core_type = #tpu.core_type<tc>, window_params = [{transform_indices = @transform_0, window_bounds = array<i64: 2, 2000, 16>}, {transform_indices = @transform_1, window_bounds = array<i64: 2, 2000, 128>}, {transform_indices = @transform_2, window_bounds = array<i64: 2000, 128>}, {pipeline_mode = #tpu.pipeline_mode<synchronous>, transform_indices = @transform_3, window_bounds = array<i64: 1, 128>}, {transform_indices = @transform_4, window_bounds = array<i64: 2000, 128>}]} {
    %get3A = arith.constant 0 : index
    %get3A_0 = arith.constant 0 : index
    %get3A_1 = arith.constant 0 : index
    %get3A_2 = vector.load %arg1[%get3A, %get3A_0, %get3A_1] : memref<2x2000x16xf32, #tpu.memory_space<vmem>>, vector<1x2000x1xf32>
    %get3A_3 = vector.shape_cast %get3A_2 : vector<1x2000x1xf32> to vector<2000x1xf32>
    %get3A_4 = arith.constant 1 : index
    %get3A_5 = arith.constant 0 : index
    %get3A_6 = arith.constant 0 : index
    %get3A_7 = vector.load %arg1[%get3A_4, %get3A_5, %get3A_6] : memref<2x2000x16xf32, #tpu.memory_space<vmem>>, vector<1x2000x1xf32>
    %get3A_8 = vector.shape_cast %get3A_7 : vector<1x2000x1xf32> to vector<2000x1xf32>
    %add3A = arith.addf %get3A_3, %get3A_8 : vector<2000x1xf32>
    %add3A_9 = arith.constant 1.000000e+00 : f32
    %add3A_10 = vector.broadcast %add3A_9 : f32 to vector<2000x1xf32>
    %add3A_11 = arith.addf %add3A, %add3A_10 : vector<2000x1xf32>
    %rsqrt3A = math.rsqrt %add3A_11 : vector<2000x1xf32>
    %get3A_12 = arith.constant 0 : index
    %get3A_13 = arith.constant 0 : index
    %get3A_14 = arith.constant 0 : index
    %get3A_15 = vector.load %arg2[%get3A_12, %get3A_13, %get3A_14] : memref<2x2000x128xf32, #tpu.memory_space<vmem>>, vector<1x2000x128xf32>
    %get3A_16 = vector.shape_cast %get3A_15 : vector<1x2000x128xf32> to vector<2000x128xf32>
    %get3A_17 = arith.constant 1 : index
    %get3A_18 = arith.constant 0 : index
    %get3A_19 = arith.constant 0 : index
    %get3A_20 = vector.load %arg2[%get3A_17, %get3A_18, %get3A_19] : memref<2x2000x128xf32, #tpu.memory_space<vmem>>, vector<1x2000x128xf32>
    %get3A_21 = vector.shape_cast %get3A_20 : vector<1x2000x128xf32> to vector<2000x128xf32>
    %add3A_22 = arith.addf %get3A_16, %get3A_21 : vector<2000x128xf32>
    %get3A_23 = arith.constant 0 : index
    %get3A_24 = arith.constant 0 : index
    %get3A_25 = vector.load %arg3[%get3A_23, %get3A_24] : memref<2000x128xf32, #tpu.memory_space<vmem>>, vector<2000x128xf32>
    %add3A_26 = arith.addf %add3A_22, %get3A_25 : vector<2000x128xf32>
    %mul3A = vector.broadcast %rsqrt3A : vector<2000x1xf32> to vector<2000x128xf32>
    %mul3A_27 = arith.mulf %add3A_26, %mul3A : vector<2000x128xf32>
    %get3A_28 = arith.constant 0 : index
    %get3A_29 = arith.constant 0 : index
    %get3A_30 = vector.load %arg4[%get3A_28, %get3A_29] : memref<1x128xf32, #tpu.memory_space<vmem>>, vector<1x128xf32>
    %add3A_31 = vector.broadcast %get3A_30 : vector<1x128xf32> to vector<2000x128xf32>
    %add3A_32 = arith.addf %mul3A_27, %add3A_31 : vector<2000x128xf32>
    %swap3A = arith.constant 0 : index
    %swap3A_33 = arith.constant 0 : index
    %swap3A_34 = vector.load %arg5[%swap3A, %swap3A_33] : memref<2000x128xf32, #tpu.memory_space<vmem>>, vector<2000x128xf32>
    tpu.vector_store %arg5[%swap3A, %swap3A_33], %add3A_32 {strides = array<i32>} : memref<2000x128xf32, #tpu.memory_space<vmem>>, vector<2000x128xf32>,
    return
  }
  func.func @transform_0(%arg0: i32) -> (i32, i32, i32) {
    %c0_i32 = arith.constant 0 : i32
    %c0_i32_0 = arith.constant 0 : i32
    %c0_i32_1 = arith.constant 0 : i32
    return %c0_i32, %arg0, %c0_i32_0 : i32, i32, i32
  }
  func.func @transform_1(%arg0: i32) -> (i32, i32, i32) {
    %c0_i32 = arith.constant 0 : i32
    %c0_i32_0 = arith.constant 0 : i32
    %c0_i32_1 = arith.constant 0 : i32
    return %c0_i32, %arg0, %c0_i32_0 : i32, i32, i32
  }
  func.func @transform_2(%arg0: i32) -> (i32, i32) {
    %c0_i32 = arith.constant 0 : i32
    %c0_i32_0 = arith.constant 0 : i32
    return %arg0, %c0_i32 : i32, i32
  }
  func.func @transform_3(%arg0: i32) -> (i32, i32) {
    %c0_i32 = arith.constant 0 : i32
    %c0_i32_0 = arith.constant 0 : i32
    %c0_i32_1 = arith.constant 0 : i32
    return %c0_i32, %c0_i32_0 : i32, i32
  }
  func.func @transform_4(%arg0: i32) -> (i32, i32) {
    %c0_i32 = arith.constant 0 : i32
    %c0_i32_0 = arith.constant 0 : i32
    return %arg0, %c0_i32 : i32, i32
  }
}

</mosaic_0001>

<sc_bundles>
// kernel: kernel.11.cloned.1.call-start
scs
__scs_entry_jumppad:
0x0: {  	(pc) =	sbr.rel $0x88, $3  }
0x1: {  	(tag) =	ssettag $0x0;
	lr =	simm.s32 $0x1  }
0x2: {  	[smem:$0x3F9B] =	sst lr;
	_ =	strace $0xD0000000  }
0x3: {  	_ = 	snop  }
0x4: {  	_ = 	snop  }
0x5: {  	_ = 	snop  }
0x6: {  	_ = 	snop  }
0x7: {  	_ = 	snop  }
__scs_overlays_trampoline_lowered:
0x8: {  	[smem:$0x3FAA] =	sst s0  }
0x9: {  	[smem:$0x3FAB] =	sst s1  }
0xa: {  	[smem:$0x3FAC] =	sst s2  }
0xb: {  	[smem:$0x3FAD] =	sst s3  }
0xc: {  	[smem:$0x3FAE] =	sst s4  }
0xd: {  	[smem:$0x3FAF] =	sst s5  }
0xe: {  	[smem:$0x3FB0] =	sst s6  }
0xf: {  	[smem:$0x3FB1] =	sst s7  }
0x10: {  	[smem:$0x3FB2] =	sst s8  }
0x11: {  	[smem:$0x3FB3] =	sst s9;
	s0 =	simm.s32 @!p0 $0x0  }
0x12: {  	s1 =	sld [smem:$0x3F99];
	s0 =	simm.s32 @p0 $0x1  }
0x13: {  	[smem:$0x3FB4] =	sst s0;
	s0 =	simm.s32 @!p1 $0x0  }
0x14: {  	s2 =	sld [smem:$0x3F98];
	s0 =	simm.s32 @p1 $0x1  }
0x15: {  	[smem:$0x3FB5] =	sst s0;
	s0 =	simm.s32 @!p2 $0x0  }
0x16: {  	s3 =	sld [smem:$0x3FDB];
	s0 =	simm.s32 @p2 $0x1  }
0x17: {  	s4 =	simm.s32 $0x1BF5;
	[smem:$0x3FB7] =	sst s0  }
0x18: {  	s0 =	sld [smem:$0x3F9A];
	_ =	swait.ge [sflag:s4], $0x0  }
0x19: {  	s7 =	sld [smem:$0x3F9B]  }
0x1a: {  	s8 =	sadd.s32 $0xFFFFE003, lr  }
0x1b: {  	s9 =	sadd.s32 $0xFFFFFEF7, lr;
	s5 =	simm.s32 $0xFFFFFFFF;
	p2 =	slt.u32 s8, $0xFFFFF086  }
0x1c: {  	p1 =	slt.u32 s9, $0xF7A;
	s5 =	simm.s32 @!p2 $0x0  }
0x1d: {  	s5 =	simm.s32 @p1 $0x1;
	p0 =	seq.s32 s7, s2  }
0x1e: {  	s7 =	smul.u32 @!p0 $0xF7A, s2;
	p2 =	seq.s32 @!p0 s5, $0x0  }
0x1f: {  	s9 =	smul.u32 $0xF7A, s1;
	s8 =	simm.s32 @!p0 $0x1BF5;
	p2 =	por !p2, p0  }
0x20: {  	[sflag:s8] =	ssyncset.s32 @!p0 $0xFFFFF086;
	s6 =	sadd.s32 @!p0 s3, s7;
	s7 =	simm.s32 @!p0 $0x108  }
0x21: {  	s3 =	sadd.s32 s3, s9;
	s6 =	sadd.s32 @!p0 $0x88, s6;
	s7 =	simm.s32 @p2 $0x1082  }
0x22: {  	[simem:s7], [sflag:s8] =	dma.local @!p0 [hbm:s6], $0xF7A  }
0x23: {  	s9 =	sor.u32 $0xD0000000, s2;
	s6 =	simm.s32 $0x108;
	_ =	swait.ge @!p0 [sflag:s8], $0x0  }
0x24: {  	s3 =	sadd.s32 $0x88, s3;
	s6 =	simm.s32 @!p1 $0x1082;
	[sflag:s4] =	ssyncset.s32 $0xFFFFF086  }
0x25: {  	[simem:s6], [sflag:s4] =	dma.local [hbm:s3], $0xF7A  }
0x26: {  	[smem:$0x3F9B] =	sst s1;
	(tag) =	ssettag s2;
	_ =	strace s9  }
0x27: {  	s1 =	sld [smem:$0x3FAB]  }
0x28: {  	s2 =	sld [smem:$0x3FAC]  }
0x29: {  	s4 =	sld [smem:$0x3FAE]  }
0x2a: {  	p0 =	seq.s32 s5, $0x0;
	s5 =	sld [smem:$0x3FAF]  }
0x2b: {  	s6 =	sld [smem:$0x3FB0]  }
0x2c: {  	s7 =	sld [smem:$0x3FB1]  }
0x2d: {  	s3 =	simm.s32 $0x108;
	s8 =	sld [smem:$0x3FB2]  }
0x2e: {  	s3 =	simm.s32 @!p0 $0x1082;
	s9 =	sld [smem:$0x3FB3]  }
0x2f: {  	lr =	sadd.s32 s0, s3;
	s0 =	sld [smem:$0x3FAA]  }
0x30: {  	s3 =	sld [smem:$0x3FAD]  }
0x31: {  	[smem:$0x3FB6] =	sst s10  }
0x32: {  	s10 =	sld [smem:$0x3FB4];
	_ =	sdelay $0x3  }
0x33: {  	p0 =	seq.s32 s10, $0x1;
	s10 =	sld [smem:$0x3FB6];
	_ =	sdelay $0x3  }
0x34: {  	[smem:$0x3FB6] =	sst s10  }
0x35: {  	s10 =	sld [smem:$0x3FB5];
	_ =	sdelay $0x3  }
0x36: {  	p1 =	seq.s32 s10, $0x1;
	s10 =	sld [smem:$0x3FB6];
	_ =	sdelay $0x3  }
0x37: {  	[smem:$0x3FB6] =	sst s10  }
0x38: {  	s10 =	sld [smem:$0x3FB7]  }
0x39: {  	_ = 	snop;
	(pc) =	sbr.ind lr, $3  }
0x3a: {  	_ = 	snop  }
0x3b: {  	_ = 	snop  }
0x3c: {  	p2 =	seq.s32 s10, $0x1;
	s10 =	sld [smem:$0x3FB6]  }
0x3d: {  	_ =	shalt  }
0x3e: {  	_ =	shalt  }
0x3f: {  	_ =	shalt  }
0x40: {  	_ =	shalt  }
0x41: {  	_ =	shalt  }
0x42: {  	_ =	shalt  }
0x43: {  	_ =	shalt  }
0x44: {  	_ =	shalt  }
0x45: {  	_ =	shalt  }
0x46: {  	_ =	shalt  }
0x47: {  	_ =	shalt  }
0x48: {  	_ =	shalt  }
0x49: {  	_ =	shalt  }
0x4a: {  	_ =	shalt  }
0x4b: {  	_ =	shalt  }
0x4c: {  	_ =	shalt  }
0x4d: {  	_ =	shalt  }
0x4e: {  	_ =	shalt  }
0x4f: {  	_ =	shalt  }
0x50: {  	_ =	shalt  }
0x51: {  	_ =	shalt  }
0x52: {  	_ =	shalt  }
0x53: {  	_ =	shalt  }
0x54: {  	_ =	shalt  }
0x55: {  	_ =	shalt  }
0x56: {  	_ =	shalt  }
0x57: {  	_ =	shalt  }
0x58: {  	_ =	shalt  }
0x59: {  	_ =	shalt  }
0x5a: {  	_ =	shalt  }
0x5b: {  	_ =	shalt  }
0x5c: {  	_ =	shalt  }
0x5d: {  	_ =	shalt  }
0x5e: {  	_ =	shalt  }
0x5f: {  	_ =	shalt  }
0x60: {  	_ =	shalt  }
0x61: {  	_ =	shalt  }
0x62: {  	_ =	shalt  }
0x63: {  	_ =	shalt  }
0x64: {  	_ =	shalt  }
0x65: {  	_ =	shalt  }
0x66: {  	_ =	shalt  }
0x67: {  	_ =	shalt  }
0x68: {  	_ =	shalt  }
0x69: {  	_ =	shalt  }
0x6a: {  	_ =	shalt  }
0x6b: {  	_ =	shalt  }
0x6c: {  	_ =	shalt  }
0x6d: {  	_ =	shalt  }
0x6e: {  	_ =	shalt  }
0x6f: {  	_ =	shalt  }
0x70: {  	_ =	shalt  }
0x71: {  	_ =	shalt  }
0x72: {  	_ =	shalt  }
0x73: {  	_ =	shalt  }
0x74: {  	_ =	shalt  }
0x75: {  	_ =	shalt  }
0x76: {  	_ =	shalt  }
0x77: {  	_ =	shalt  }
0x78: {  	_ =	shalt  }
0x79: {  	_ =	shalt  }
0x7a: {  	_ =	shalt  }
0x7b: {  	_ =	shalt  }
0x7c: {  	_ =	shalt  }
0x7d: {  	_ =	shalt  }
0x7e: {  	_ =	shalt  }
0x7f: {  	_ =	shalt  }
0x80: {  	_ =	shalt  }
0x81: {  	_ =	shalt  }
0x82: {  	_ =	shalt  }
0x83: {  	_ =	shalt  }
0x84: {  	_ =	shalt  }
0x85: {  	_ =	shalt  }
0x86: {  	_ =	shalt  }
0x87: {  	_ =	shalt  }
.Lfunc_end0:
.L_simem_size_0:
called_computation.1_lowered:
.L_overlay_start_0:
0x88: {  	s2 =	sld [smem:$0x3FD9]  }
0x89: {  	s3 =	sld [smem:$0x3FFE];
	_ =	sdelay $0x1  }
0x8a: {  	s1 =	srdreg.scid  }
0x8b: {  	s0 =	sand.u32 $0x1, s1  }
0x8c: {  	s17 =	sshll.u32 s0, $0xA;
	s2 =	sadd.s32 s3, s2  }
0x8d: {  	s2 =	sadd.s32 s2, s17  }
0x8e: {  	[smem:$0x3FC2] =	sst s2  }
0x8f: {  	_ = 	snop  }
0x90: {  	s2 =	sld [smem:$0x3FD0];
	(tm) =	ssettm $0x1  }
0x91: {  	s18 =	sld [smem:$0x3FFB];
	_ =	sdelay $0x3  }
0x92: {  	_ =	strace s18  }
0x93: {  	s3 =	sld [smem:$0x3FFC];
	_ =	sdelay $0x3  }
0x94: {  	_ =	strace s3  }
0x95: {  	s3 =	sld [smem:$0x3FFD];
	_ =	sdelay $0x3  }
0x96: {  	_ =	strace s3  }
0x97: {  	_ =	strace $0x8FFFFFFF  }
0x98: {  	s19 =	sld [smem:$0x3FDB];
	_ =	sdelay $0x1  }
0x99: {  	s4 =	simm.s32 $_scs_section_size  }
0x9a: {  	s5 =	simm.s32 $_size__tile_overlayer_lowered;
	s6 =	simm.s32 $_tile_overlayer_lowered  }
0x9b: {  	s22 =	simm.s32 $0x1BFF;
	s21 =	sshll.u32 s6, $0x1;
	s3 =	sadd.s32 s4, s19  }
0x9c: {  	s7 =	simm.s32 $0x0;
	s20 =	sshll.u32 s5, $0x1;
	s5 =	sadd.s32 s21, s3  }
0x9d: {  	[timem:s7], [sflag:s22] =	dma.local [hbm:s5], s20  }
0x9e: {  	_ =	swait.ge [sflag:s22], s20  }
0x9f: {  	s4 =	ssub.s32 $0x0, s20;
	[sflag:s22] =	ssyncset.done $0x0  }
0xa0: {  	[sflag:s22] =	ssyncadd.s32 s4;
	_ =	sdelay $0x1  }
0xa1: {  	s23 =	simm.s32 $0x1B8B  }
0xa2: {  	_ =	swait.ge [sflag:s23], $0x1  }
0xa3: {  	[sflag:s23] =	ssyncset.done $0x0  }
0xa4: {  	s25 =	simm.s32 $0x1B8E;
	s24 =	sld [smem:$0x3FFE];
	[sflag:s23] =	ssyncadd.s32 $0xFFFFFFFF  }
0xa5: {  	s26 =	simm.s32 $execute0_lowered;
	[smem:$0x3FD2] =	sst s25  }
0xa6: {  	s5 =	sshll.u32 s26, $0x1;
	_ =	strace $0x80000049;
	[dreg:$0x1] =	wrdreg $0xFFFFFFFF  }
0xa7: {  	s28 =	simm.s32 $_size_execute0_lowered;
	s3 =	sadd.s32 s3, s5;
	[dreg:$0x0] =	wrdreg $0x0  }
0xa8: {  	s5 =	sshll.u32 s28, $0x1;
	[dreg:$0x2] =	wrdreg s3  }
0xa9: {  	[dreg:$0x3] =	wrdreg s5  }
0xaa: {  	[dreg:$0x4] =	wrdreg $0xC0  }
0xab: {  	_ =	task [dreg:s7], $0x5FFFF  }
0xac: {  	[dreg:$0x1] =	wrdreg $0xFFFFFFFF  }
0xad: {  	[dreg:$0x0] =	wrdreg $0x60  }
0xae: {  	[dreg:$0x2] =	wrdreg s2  }
0xaf: {  	[dreg:$0x3] =	wrdreg s24  }
0xb0: {  	[dreg:$0x4] =	wrdreg $0xB9000  }
0xb1: {  	[dreg:$0x5] =	wrdreg $0x9  }
0xb2: {  	_ =	task.clear_ibuf [dreg:s7], $0x6FFFF;
	_ =	strace $0x90000049  }
0xb3: {  	s29 =	simm.s32 $0x9;
	_ =	strace $0x8000004B  }
0xb4: {  	_ =	swait.ge [sflag:s29], $0x1  }
0xb5: {  	[sflag:s29] =	ssyncadd.s32 $0xFFFFFFFF  }
0xb6: {  	_ =	strace $0x9000004B  }
0xb7: {  	_ =	sfence  }
0xb8: {  	s30 =	sld [smem:$0x0];
	_ =	sdelay $0x2  }
0xb9: {  	s31 =	sshll.u32 s1, $0xD;
	s1 =	sshrl.u32 s1, $0x2  }
0xba: {  	s3 =	sand.u32 $0x4000, s31;
	s1 =	sadd.s32 s1, s30  }
0xbb: {  	s0 =	sor.u32 s3, s0;
	s1 =	sshll.u32 s1, $0x11  }
0xbc: {  	s0 =	sor.u32 s1, s0  }
0xbd: {  	s0 =	sadd.s32 $0x8F2B, s0  }
0xbe: {  	[sflag:s0] =	ssyncadd.remote.s32 $0x1  }
0xbf: {  	_ =	sfence.sel $0xFFFF  }
0xc0: {  	[dreg:$0x0] =	wrdreg $0xFFFFFFFF;
	(pc) =	sbr.abs _section_cstart, $3  }
0xc1: {  	[dreg:$0x1] =	wrdreg $0xFFFFFFFF  }
0xc2: {  	_ =	task.clear_ibuf [dreg:s7], $0x2FFFF;
	_ =	strace $0x9FFFFFFF  }
0xc3: {  	(tm) =	ssettm $0x7FFFFFFF  }
tec
execute0_lowered:
.L_overlay_start_1:
0x0: {  	(tag) =	ssettag $0x1  }
0x1: {  	s0 =	srdreg.scid;
	s1 =	rddreg [dreg:$0x0]  }
0x2: {  	s12 =	stileid.u32;
	s5 =	rddreg [dreg:$0x1]  }
0x3: {  	s3 =	rddreg [dreg:$0x2];
	s4 =	simm.s32 $0x0;
	s7 =	smul.u32 $0x14000, s12  }
0x4: {  	s0 =	sand.u32 $0x1, s0;
	s2 =	sshll.u32 s12, $0x1;
	s11 =	smul.u32 $0x50000, s12  }
0x5: {  	[smem:$0x7FF] =	sst s4;
	s2 =	sor.u32 s0, s2;
	s6 =	smul.u32 $0x140000, s0  }
0x6: {  	s9 =	sadd.s32 $0xC200, s5;
	s22 =	ssub.s32 $0x2, s0;
	s2 =	smul.u32 $0x2710, s2  }
0x7: {  	_ =	strace $0x8000004A;
	s10 =	sshrl.u32 s22, $0x1;
	s6 =	sadd.s32 s7, s6  }
0x8: {  	s7 =	ssub.s32 s22, s10;
	s2 =	sshrl.u32 s2, $0x3;
	s6 =	sshrl.u32 s6, $0x3  }
0x9: {  	s29 =	smax.u32 s7, $0x1;
	s8 =	sadd.s32 s2, s5;
	s6 =	sadd.s32 s6, s5  }
0xa: {  	s5 =	sadd.s32 s9, s2;
	[dreg:$0x7] =	wrdreg s29;
	s23 =	sadd.s32 $0x2400, s8  }
0xb: {  	s25 =	sshrl.u32 s11, $0x2;
	s24 =	sadd.s32 $0x4E0, s5;
	[dreg:$0x4] =	wrdreg s23  }
0xc: {  	s8 =	sadd.s32 s25, s3;
	s26 =	sadd.s32 $0x16000, s6;
	[dreg:$0x5] =	wrdreg s24  }
0xd: {  	[dreg:$0x6] =	wrdreg s26;
	s30 =	sadd.s32 $0x1000, s8  }
0xe: {  	s6 =	sadd.s32 $0x2000, s8;
	[dreg:$0x8] =	wrdreg s30  }
0xf: {  	s10 =	sadd.s32 $0x3000, s8;
	[dreg:$0x9] =	wrdreg s6  }
0x10: {  	s11 =	sadd.s32 $0x4000, s8;
	[dreg:$0xa] =	wrdreg s10  }
0x11: {  	s7 =	smul.u32 $0x4E20, s12;
	s12 =	sadd.s32 $0x5000, s8;
	[dreg:$0xb] =	wrdreg s11  }
0x12: {  	s13 =	sadd.s32 $0x6000, s8;
	[dreg:$0xc] =	wrdreg s12  }
0x13: {  	s14 =	sadd.s32 $0x7000, s8;
	[dreg:$0xd] =	wrdreg s13  }
0x14: {  	s15 =	sadd.s32 $0x8000, s8;
	[dreg:$0xe] =	wrdreg s14  }
0x15: {  	s16 =	sadd.s32 $0x9000, s8;
	[dreg:$0xf] =	wrdreg s15  }
0x16: {  	s31 =	simm.s32 $0x2880;
	s17 =	sadd.s32 $0xA000, s8;
	[dreg:$0x10] =	wrdreg s16  }
0x17: {  	s0 =	smul.u32 $0x2710, s0;
	s19 =	sadd.s32 $0xB000, s8;
	[dreg:$0x11] =	wrdreg s17  }
0x18: {  	s28 =	simm.s32 $0x0;
	s20 =	sadd.s32 $0xC000, s8;
	[dreg:$0x12] =	wrdreg s19  }
0x19: {  	s0 =	sadd.s32 s0, s7;
	s21 =	sadd.s32 $0xD000, s8;
	[dreg:$0x13] =	wrdreg s20  }
0x1a: {  	s7 =	sadd.s32 $0x4D0, s5;
	s22 =	sadd.s32 $0xE000, s8;
	[dreg:$0x14] =	wrdreg s21  }
0x1b: {  	s18 =	sadd.s32 $0x180, s0;
	s25 =	sadd.s32 $0xF000, s8;
	[dreg:$0x15] =	wrdreg s22  }
0x1c: {  	s0 =	sadd.s32 $0x200, s0;
	s26 =	sadd.s32 $0x10000, s8;
	[dreg:$0x16] =	wrdreg s25  }
0x1d: {  	s29 =	sadd.s32 $0x11000, s8;
	s2 =	sshrl.u32 s18, $0x3;
	[dreg:$0x17] =	wrdreg s26  }
0x1e: {  	s0 =	sshrl.u32 s0, $0x3;
	[dreg:$0x18] =	wrdreg s29;
	s30 =	sadd.s32 $0x12000, s8  }
0x1f: {  	s6 =	sadd.s32 $0x20, s5;
	s10 =	simm.s32 $0xA900;
	s11 =	simm.s32 $0x3  }
0x20: {  	s12 =	simm.s32 $0x7;
	s13 =	simm.s32 $0x1;
	s14 =	simm.s32 $0x2780  }
0x21: {  	s15 =	simm.s32 $0x80;
	s16 =	simm.s32 $0x2900;
	s17 =	simm.s32 $0x2800  }
0x22: {  	s18 =	simm.s32 $0x6900;
	s19 =	simm.s32 $0x5;
	s20 =	simm.s32 $0x2  }
0x23: {  	s21 =	simm.s32 $0x4;
	s22 =	simm.s32 $0x6;
	s25 =	simm.s32 $0x10  }
0x24: {  	s26 =	simm.s32 $0x8;
	s23 =	sadd.s32 s2, s9;
	s24 =	sadd.s32 s0, s9  }
0x25: {  	v0 =	vimm.f32 $0.0e+00;
	[dreg:$0x19] =	wrdreg s30;
	s2 =	sadd.s32 $0x13000, s8;
	s0 =	sadd.s32 $0x10, s5  }
.LBB2_1:
0x26: {  	s9 =	rddreg [dreg:$0x4]  }
0x27: {  	[tilespmem:s4], [sflag:$0x7] =	stream.linear.gather [hbm4b:s9+s4], $0x2710, $0x38;
	[tilespmem:$0x1F900] =	vst v63  }
0x28: {  	s29 =	simm.s32 $0x0;
	s30 =	simm.s32 $0x200;
	s9 =	rddreg [dreg:$0x5]  }
0x29: {  	[tilespmem:s31], [sflag:$0x1] =	stream.linear.gather [hbm4b:s9+s4], $0x10, $0x38;
	[tilespmem:$0x1F900] =	vst v63  }
.LBB2_2:
0x2a: {  	p0 =	sne.s32 s30, $0x3E00;
	[tilespmem:s29+$0xA970] =	vst v0  }
0x2b: {  	[tilespmem:s29+$0xA900] =	vst v0  }
0x2c: {  	[tilespmem:s29+$0xA910] =	vst v0  }
.Ltmp0:
0x2d: {  	[tilespmem:s29+$0xA920] =	vst v0;
	(pc) =	sbr.rel @p0 .LBB2_2-.Ltmp0, $4  }
0x2e: {  	[tilespmem:s29+$0xA930] =	vst v0  }
0x2f: {  	[tilespmem:s29+$0xA940] =	vst v0  }
0x30: {  	[tilespmem:s29+$0xA950] =	vst v0  }
0x31: {  	[tilespmem:s29+$0xA960] =	vst v0;
	s29 =	sshra.s32 s30, $0x2;
	s30 =	sadd.s32 $0x200, s30  }
0x32: {  	[tilespmem:s29+$0xA970] =	vst v0  }
0x33: {  	[tilespmem:s29+$0xA900] =	vst v0  }
0x34: {  	[tilespmem:s29+$0xA910] =	vst v0  }
0x35: {  	[tilespmem:s29+$0xA920] =	vst v0  }
0x36: {  	[tilespmem:s29+$0xA930] =	vst v0  }
0x37: {  	[tilespmem:s29+$0xA940] =	vst v0  }
0x38: {  	[tilespmem:s29+$0xA950] =	vst v0  }
0x39: {  	[tilespmem:s29+$0xA960] =	vst v0  }
0x3a: {  	[spmem:s8] =	stream.linear.scatter [tilespmem:s10], [sflag:$0x3], $0x1000, $0x38;
	[tilespmem:$0x1F900] =	vst v63  }
0x3b: {  	s9 =	rddreg [dreg:$0x8]  }
0x3c: {  	[spmem:s9] =	stream.linear.scatter [tilespmem:s10], [sflag:$0x3], $0x1000, $0x38;
	[tilespmem:$0x1F900] =	vst v63  }
0x3d: {  	s31 =	rddreg [dreg:$0x9]  }
0x3e: {  	[spmem:s31] =	stream.linear.scatter [tilespmem:s10], [sflag:$0x3], $0x1000, $0x38;
	[tilespmem:$0x1F900] =	vst v63  }
0x3f: {  	s31 =	rddreg [dreg:$0xa]  }
0x40: {  	[spmem:s31] =	stream.linear.scatter [tilespmem:s10], [sflag:$0x3], $0x1000, $0x38;
	[tilespmem:$0x1F900] =	vst v63  }
0x41: {  	s31 =	rddreg [dreg:$0xb]  }
0x42: {  	[spmem:s31] =	stream.linear.scatter [tilespmem:s10], [sflag:$0x3], $0x1000, $0x38;
	[tilespmem:$0x1F900] =	vst v63  }
0x43: {  	s31 =	rddreg [dreg:$0xc]  }
0x44: {  	[spmem:s31] =	stream.linear.scatter [tilespmem:s10], [sflag:$0x3], $0x1000, $0x38;
	[tilespmem:$0x1F900] =	vst v63  }
0x45: {  	s31 =	rddreg [dreg:$0xd]  }
0x46: {  	[spmem:s31] =	stream.linear.scatter [tilespmem:s10], [sflag:$0x3], $0x1000, $0x38;
	[tilespmem:$0x1F900] =	vst v63  }
0x47: {  	s31 =	rddreg [dreg:$0xe]  }
0x48: {  	[spmem:s31] =	stream.linear.scatter [tilespmem:s10], [sflag:$0x3], $0x1000, $0x38;
	[tilespmem:$0x1F900] =	vst v63  }
0x49: {  	s31 =	rddreg [dreg:$0xf]  }
0x4a: {  	[spmem:s31] =	stream.linear.scatter [tilespmem:s10], [sflag:$0x3], $0x1000, $0x38;
	[tilespmem:$0x1F900] =	vst v63  }
0x4b: {  	s31 =	rddreg [dreg:$0x10]  }
0x4c: {  	[spmem:s31] =	stream.linear.scatter [tilespmem:s10], [sflag:$0x3], $0x1000, $0x38;
	[tilespmem:$0x1F900] =	vst v63  }
0x4d: {  	s31 =	rddreg [dreg:$0x11]  }
0x4e: {  	[spmem:s31] =	stream.linear.scatter [tilespmem:s10], [sflag:$0x3], $0x1000, $0x38;
	[tilespmem:$0x1F900] =	vst v63  }
0x4f: {  	s31 =	rddreg [dreg:$0x12]  }
0x50: {  	[spmem:s31] =	stream.linear.scatter [tilespmem:s10], [sflag:$0x3], $0x1000, $0x38;
	[tilespmem:$0x1F900] =	vst v63  }
0x51: {  	s31 =	rddreg [dreg:$0x13]  }
0x52: {  	[spmem:s31] =	stream.linear.scatter [tilespmem:s10], [sflag:$0x3], $0x1000, $0x38;
	[tilespmem:$0x1F900] =	vst v63  }
0x53: {  	s31 =	rddreg [dreg:$0x14]  }
0x54: {  	[spmem:s31] =	stream.linear.scatter [tilespmem:s10], [sflag:$0x3], $0x1000, $0x38;
	[tilespmem:$0x1F900] =	vst v63  }
0x55: {  	s31 =	rddreg [dreg:$0x15]  }
0x56: {  	[spmem:s31] =	stream.linear.scatter [tilespmem:s10], [sflag:$0x3], $0x1000, $0x38;
	[tilespmem:$0x1F900] =	vst v63  }
0x57: {  	s31 =	rddreg [dreg:$0x16]  }
0x58: {  	[spmem:s31] =	stream.linear.scatter [tilespmem:s10], [sflag:$0x3], $0x1000, $0x38;
	[tilespmem:$0x1F900] =	vst v63  }
0x59: {  	s31 =	rddreg [dreg:$0x17]  }
0x5a: {  	[spmem:s31] =	stream.linear.scatter [tilespmem:s10], [sflag:$0x3], $0x1000, $0x38;
	[tilespmem:$0x1F900] =	vst v63  }
0x5b: {  	s31 =	rddreg [dreg:$0x18]  }
0x5c: {  	[spmem:s31] =	stream.linear.scatter [tilespmem:s10], [sflag:$0x3], $0x1000, $0x38;
	[tilespmem:$0x1F900] =	vst v63  }
0x5d: {  	s31 =	rddreg [dreg:$0x19]  }
0x5e: {  	[spmem:s31] =	stream.linear.scatter [tilespmem:s10], [sflag:$0x3], $0x1000, $0x38;
	[tilespmem:$0x1F900] =	vst v63  }
0x5f: {  	_ = 	snop  }
0x60: {  	[spmem:s2] =	stream.linear.scatter [tilespmem:s10], [sflag:$0x3], $0x1000, $0x38;
	[tilespmem:$0x1F900] =	vst v63  }
0x61: {  	_ =	swait.ge [sflag:s11], $0x1000  }
0x62: {  	[sflag:s11] =	ssyncset.done $0x0  }
0x63: {  	[sflag:s11] =	ssyncadd.s32 $0xFFFFF000  }
0x64: {  	_ =	swait.ge [sflag:s11], $0x1000  }
0x65: {  	[sflag:s11] =	ssyncset.done $0x0  }
0x66: {  	[sflag:s11] =	ssyncadd.s32 $0xFFFFF000  }
0x67: {  	_ =	swait.ge [sflag:s11], $0x1000  }
0x68: {  	[sflag:s11] =	ssyncset.done $0x0  }
0x69: {  	[sflag:s11] =	ssyncadd.s32 $0xFFFFF000  }
0x6a: {  	_ =	swait.ge [sflag:s11], $0x1000  }
0x6b: {  	[sflag:s11] =	ssyncset.done $0x0  }
0x6c: {  	[sflag:s11] =	ssyncadd.s32 $0xFFFFF000  }
0x6d: {  	_ =	swait.ge [sflag:s11], $0x1000  }
0x6e: {  	[sflag:s11] =	ssyncset.done $0x0  }
0x6f: {  	[sflag:s11] =	ssyncadd.s32 $0xFFFFF000  }
0x70: {  	_ =	swait.ge [sflag:s11], $0x1000  }
0x71: {  	[sflag:s11] =	ssyncset.done $0x0  }
0x72: {  	[sflag:s11] =	ssyncadd.s32 $0xFFFFF000  }
0x73: {  	_ =	swait.ge [sflag:s11], $0x1000  }
0x74: {  	[sflag:s11] =	ssyncset.done $0x0  }
0x75: {  	[sflag:s11] =	ssyncadd.s32 $0xFFFFF000  }
0x76: {  	_ =	swait.ge [sflag:s11], $0x1000  }
0x77: {  	[sflag:s11] =	ssyncset.done $0x0  }
0x78: {  	[sflag:s11] =	ssyncadd.s32 $0xFFFFF000  }
0x79: {  	_ =	swait.ge [sflag:s11], $0x1000  }
0x7a: {  	[sflag:s11] =	ssyncset.done $0x0  }
0x7b: {  	[sflag:s11] =	ssyncadd.s32 $0xFFFFF000  }
0x7c: {  	_ =	swait.ge [sflag:s11], $0x1000  }
0x7d: {  	[sflag:s11] =	ssyncset.done $0x0  }
0x7e: {  	[sflag:s11] =	ssyncadd.s32 $0xFFFFF000  }
0x7f: {  	_ =	swait.ge [sflag:s11], $0x1000  }
0x80: {  	[sflag:s11] =	ssyncset.done $0x0  }
0x81: {  	[sflag:s11] =	ssyncadd.s32 $0xFFFFF000  }
0x82: {  	_ =	swait.ge [sflag:s11], $0x1000  }
0x83: {  	[sflag:s11] =	ssyncset.done $0x0  }
0x84: {  	[sflag:s11] =	ssyncadd.s32 $0xFFFFF000  }
0x85: {  	_ =	swait.ge [sflag:s11], $0x1000  }
0x86: {  	[sflag:s11] =	ssyncset.done $0x0  }
0x87: {  	[sflag:s11] =	ssyncadd.s32 $0xFFFFF000  }
0x88: {  	_ =	swait.ge [sflag:s11], $0x1000  }
0x89: {  	[sflag:s11] =	ssyncset.done $0x0  }
0x8a: {  	[sflag:s11] =	ssyncadd.s32 $0xFFFFF000  }
0x8b: {  	_ =	swait.ge [sflag:s11], $0x1000  }
0x8c: {  	[sflag:s11] =	ssyncset.done $0x0  }
0x8d: {  	[sflag:s11] =	ssyncadd.s32 $0xFFFFF000  }
0x8e: {  	_ =	swait.ge [sflag:s11], $0x1000  }
0x8f: {  	[sflag:s11] =	ssyncset.done $0x0  }
0x90: {  	[sflag:s11] =	ssyncadd.s32 $0xFFFFF000  }
0x91: {  	_ =	swait.ge [sflag:s11], $0x1000  }
0x92: {  	[sflag:s11] =	ssyncset.done $0x0  }
0x93: {  	[sflag:s11] =	ssyncadd.s32 $0xFFFFF000  }
0x94: {  	_ =	swait.ge [sflag:s11], $0x1000  }
0x95: {  	[sflag:s11] =	ssyncset.done $0x0  }
0x96: {  	[sflag:s11] =	ssyncadd.s32 $0xFFFFF000  }
0x97: {  	_ =	swait.ge [sflag:s11], $0x1000  }
0x98: {  	[sflag:s11] =	ssyncset.done $0x0  }
0x99: {  	[sflag:s11] =	ssyncadd.s32 $0xFFFFF000  }
0x9a: {  	_ =	swait.ge [sflag:s11], $0x1000  }
0x9b: {  	[sflag:s11] =	ssyncset.done $0x0  }
0x9c: {  	[sflag:s11] =	ssyncadd.s32 $0xFFFFF000  }
0x9d: {  	_ =	swait.ge [sflag:s12], $0x2710  }
0x9e: {  	[sflag:s12] =	ssyncset.done $0x0  }
0x9f: {  	[sflag:s12] =	ssyncadd.s32 $0xFFFFD8F0  }
0xa0: {  	_ =	swait.ge [sflag:s13], $0x10  }
0xa1: {  	[sflag:s13] =	ssyncset.done $0x0  }
0xa2: {  	[sflag:s13] =	ssyncadd.s32 $0xFFFFFFF0  }
0xa3: {  	s29 =	simm.s32 $0x0;
	[bflag:$0x0] =	sbarrier.arrive $0xFFFF  }
0xa4: {  	[tilespmem:s14], [sflag:$0x1] =	stream.linear.gather [hbm4b:s5+s29], $0x80, $0x38;
	[tilespmem:$0x1F900] =	vst v63  }
0xa5: {  	_ = 	snop  }
0xa6: {  	[tilespmem:s16], [sflag:$0x3] =	stream.indirect.gather [hbm4b:s1+s15], $0x80, s29, s15, $0xb8;
	[tilespmem:$0x1F900] =	vst v63  }
0xa7: {  	_ = 	snop  }
0xa8: {  	[tilespmem:s17], [sflag:$0x2] =	stream.linear.gather [hbm4b:s0+s29], $0x80, $0x38;
	[tilespmem:$0x1F900] =	vst v63  }
0xa9: {  	_ = 	snop  }
0xaa: {  	[tilespmem:s18], [sflag:$0x4] =	stream.indirect.gather [hbm4b:s1+s15], $0x80, s15, s15, $0xb8;
	[tilespmem:$0x1F900] =	vst v63  }
0xab: {  	_ =	swait.ge [sflag:s13], $0x80  }
0xac: {  	[sflag:s13] =	ssyncset.done $0x0  }
0xad: {  	[sflag:s13] =	ssyncadd.s32 $0xFFFFFF80  }
0xae: {  	_ =	swait.ge [sflag:s11], $0x4000  }
0xaf: {  	[sflag:s11] =	ssyncset.done $0x0  }
0xb0: {  	[sflag:s11] =	ssyncadd.s32 $0xFFFFC000  }
0xb1: {  	[spmem:s3] =	stream.indirect.scatter.add.f32 [tilespmem:s16], [sflag:$0x5], $0x80, s14, s15, $0xb8;
	[tilespmem:$0x1F900] =	vst v63  }
0xb2: {  	_ =	swait.ge [sflag:s19], $0x4000  }
0xb3: {  	[sflag:s19] =	ssyncset.done $0x0  }
0xb4: {  	[sflag:s19] =	ssyncadd.s32 $0xFFFFC000  }
0xb5: {  	[tilespmem:s14], [sflag:$0x1] =	stream.linear.gather [hbm4b:s6+s29], $0x80, $0x38;
	[tilespmem:$0x1F900] =	vst v63  }
0xb6: {  	s31 =	simm.s32 $0x100  }
0xb7: {  	[tilespmem:s16], [sflag:$0x3] =	stream.indirect.gather [hbm4b:s1+s15], $0x80, s31, s15, $0xb8;
	[tilespmem:$0x1F900] =	vst v63  }
0xb8: {  	_ =	swait.ge [sflag:s20], $0x80  }
0xb9: {  	[sflag:s20] =	ssyncset.done $0x0  }
0xba: {  	[sflag:s20] =	ssyncadd.s32 $0xFFFFFF80  }
0xbb: {  	_ =	swait.ge [sflag:s21], $0x4000  }
0xbc: {  	[sflag:s21] =	ssyncset.done $0x0  }
0xbd: {  	[sflag:s21] =	ssyncadd.s32 $0xFFFFC000  }
0xbe: {  	[spmem:s3] =	stream.indirect.scatter.add.f32 [tilespmem:s18], [sflag:$0x6], $0x80, s17, s15, $0xb8;
	[tilespmem:$0x1F900] =	vst v63  }
0xbf: {  	_ =	swait.ge [sflag:s22], $0x4000  }
0xc0: {  	[sflag:s22] =	ssyncset.done $0x0  }
0xc1: {  	s29 =	sadd.s32 $0x0, s23;
	[sflag:s22] =	ssyncadd.s32 $0xFFFFC000  }
0xc2: {  	[tilespmem:s17], [sflag:$0x2] =	stream.linear.gather [hbm4b:s29+s4], $0x80, $0x38;
	[tilespmem:$0x1F900] =	vst v63  }
0xc3: {  	s29 =	simm.s32 $0x180  }
0xc4: {  	[tilespmem:s18], [sflag:$0x4] =	stream.indirect.gather [hbm4b:s1+s15], $0x80, s29, s15, $0xb8;
	[tilespmem:$0x1F900] =	vst v63  }
0xc5: {  	_ =	swait.ge [sflag:s13], $0x80  }
0xc6: {  	[sflag:s13] =	ssyncset.done $0x0  }
0xc7: {  	[sflag:s13] =	ssyncadd.s32 $0xFFFFFF80  }
0xc8: {  	_ =	swait.ge [sflag:s11], $0x4000  }
0xc9: {  	[sflag:s11] =	ssyncset.done $0x0  }
0xca: {  	[sflag:s11] =	ssyncadd.s32 $0xFFFFC000  }
0xcb: {  	[spmem:s3] =	stream.indirect.scatter.add.f32 [tilespmem:s16], [sflag:$0x5], $0x80, s14, s15, $0xb8;
	[tilespmem:$0x1F900] =	vst v63  }
0xcc: {  	_ =	swait.ge [sflag:s19], $0x4000  }
0xcd: {  	[sflag:s19] =	ssyncset.done $0x0  }
0xce: {  	s29 =	sadd.s32 $0x0, s24;
	[sflag:s19] =	ssyncadd.s32 $0xFFFFC000  }
0xcf: {  	[tilespmem:s14], [sflag:$0x1] =	stream.linear.gather [hbm4b:s29+s4], $0x80, $0x38;
	[tilespmem:$0x1F900] =	vst v63  }
0xd0: {  	s29 =	simm.s32 $0x200  }
0xd1: {  	[tilespmem:s16], [sflag:$0x3] =	stream.indirect.gather [hbm4b:s1+s15], $0x80, s29, s15, $0xb8;
	[tilespmem:$0x1F900] =	vst v63  }
0xd2: {  	_ =	swait.ge [sflag:s20], $0x80  }
0xd3: {  	[sflag:s20] =	ssyncset.done $0x0  }
0xd4: {  	[sflag:s20] =	ssyncadd.s32 $0xFFFFFF80  }
0xd5: {  	_ =	swait.ge [sflag:s21], $0x4000  }
0xd6: {  	[sflag:s21] =	ssyncset.done $0x0  }
0xd7: {  	s30 =	simm.s32 $0x280;
	s29 =	simm.s32 $0x20;
	[sflag:s21] =	ssyncadd.s32 $0xFFFFC000  }
.LBB2_4:
0xd8: {  	[spmem:s3] =	stream.indirect.scatter.add.f32 [tilespmem:s18], [sflag:$0x6], $0x80, s17, s15, $0xb8;
	[tilespmem:$0x1F900] =	vst v63  }
0xd9: {  	s9 =	smov.u32 s29  }
0xda: {  	p0 =	sne.s32 s29, $0x480;
	s29 =	sadd.s32 $0x20, s29;
	_ =	swait.ge [sflag:s22], $0x4000  }
0xdb: {  	[sflag:s22] =	ssyncset.done $0x0  }
0xdc: {  	s31 =	sadd.s32 s9, s23;
	[sflag:s22] =	ssyncadd.s32 $0xFFFFC000  }
0xdd: {  	[tilespmem:s17], [sflag:$0x2] =	stream.linear.gather [hbm4b:s31+s4], $0x80, $0x38;
	[tilespmem:$0x1F900] =	vst v63  }
0xde: {  	_ = 	snop  }
0xdf: {  	[tilespmem:s18], [sflag:$0x4] =	stream.indirect.gather [hbm4b:s1+s15], $0x80, s30, s15, $0xb8;
	[tilespmem:$0x1F900] =	vst v63  }
0xe0: {  	_ =	swait.ge [sflag:s13], $0x80  }
0xe1: {  	[sflag:s13] =	ssyncset.done $0x0  }
0xe2: {  	[sflag:s13] =	ssyncadd.s32 $0xFFFFFF80  }
0xe3: {  	_ =	swait.ge [sflag:s11], $0x4000  }
0xe4: {  	[sflag:s11] =	ssyncset.done $0x0  }
0xe5: {  	[sflag:s11] =	ssyncadd.s32 $0xFFFFC000  }
0xe6: {  	[spmem:s3] =	stream.indirect.scatter.add.f32 [tilespmem:s16], [sflag:$0x5], $0x80, s14, s15, $0xb8;
	[tilespmem:$0x1F900] =	vst v63  }
0xe7: {  	_ =	swait.ge [sflag:s19], $0x4000  }
0xe8: {  	[sflag:s19] =	ssyncset.done $0x0  }
0xe9: {  	s9 =	sadd.s32 s9, s24;
	[sflag:s19] =	ssyncadd.s32 $0xFFFFC000  }
0xea: {  	[tilespmem:s14], [sflag:$0x1] =	stream.linear.gather [hbm4b:s9+s4], $0x80, $0x38;
	[tilespmem:$0x1F900] =	vst v63  }
0xeb: {  	s9 =	sadd.s32 $0x80, s30  }
0xec: {  	[tilespmem:s16], [sflag:$0x3] =	stream.indirect.gather [hbm4b:s1+s15], $0x80, s9, s15, $0xb8;
	[tilespmem:$0x1F900] =	vst v63  }
0xed: {  	_ =	swait.ge [sflag:s20], $0x80  }
.Ltmp1:
0xee: {  	[sflag:s20] =	ssyncset.done $0x0;
	(pc) =	sbr.rel @p0 .LBB2_4-.Ltmp1, $4  }
0xef: {  	[sflag:s20] =	ssyncadd.s32 $0xFFFFFF80  }
0xf0: {  	_ =	swait.ge [sflag:s21], $0x4000  }
0xf1: {  	[sflag:s21] =	ssyncset.done $0x0  }
0xf2: {  	s30 =	sadd.s32 $0x100, s30;
	[sflag:s21] =	ssyncadd.s32 $0xFFFFC000  }
0xf3: {  	[spmem:s3] =	stream.indirect.scatter.add.f32 [tilespmem:s18], [sflag:$0x6], $0x80, s17, s15, $0xb8;
	[tilespmem:$0x1F900] =	vst v63  }
0xf4: {  	_ =	swait.ge [sflag:s22], $0x4000  }
0xf5: {  	[sflag:s22] =	ssyncset.done $0x0  }
0xf6: {  	[sflag:s22] =	ssyncadd.s32 $0xFFFFC000  }
0xf7: {  	[tilespmem:s17], [sflag:$0x2] =	stream.linear.gather [hbm4b:s7+s4], $0x80, $0x38;
	[tilespmem:$0x1F900] =	vst v63  }
0xf8: {  	s9 =	simm.s32 $0x2680  }
0xf9: {  	[tilespmem:s18], [sflag:$0x4] =	stream.indirect.gather [hbm4b:s1+s15], $0x80, s9, s15, $0xb8;
	[tilespmem:$0x1F900] =	vst v63  }
0xfa: {  	_ =	swait.ge [sflag:s13], $0x80  }
0xfb: {  	[sflag:s13] =	ssyncset.done $0x0  }
0xfc: {  	[sflag:s13] =	ssyncadd.s32 $0xFFFFFF80  }
0xfd: {  	_ =	swait.ge [sflag:s11], $0x4000  }
0xfe: {  	[sflag:s11] =	ssyncset.done $0x0  }
0xff: {  	[sflag:s11] =	ssyncadd.s32 $0xFFFFC000  }
0x100: {  	[spmem:s3] =	stream.indirect.scatter.add.f32 [tilespmem:s16], [sflag:$0x5], $0x80, s14, s15, $0xb8;
	[tilespmem:$0x1F900] =	vst v63  }
0x101: {  	_ =	swait.ge [sflag:s20], $0x80  }
0x102: {  	[sflag:s20] =	ssyncset.done $0x0  }
0x103: {  	[sflag:s20] =	ssyncadd.s32 $0xFFFFFF80  }
0x104: {  	_ =	swait.ge [sflag:s21], $0x4000  }
0x105: {  	[sflag:s21] =	ssyncset.done $0x0  }
0x106: {  	[sflag:s21] =	ssyncadd.s32 $0xFFFFC000  }
0x107: {  	[spmem:s3] =	stream.indirect.scatter.add.f32 [tilespmem:s18], [sflag:$0x6], $0x80, s17, s15, $0xb8;
	[tilespmem:$0x1F900] =	vst v63  }
0x108: {  	_ =	swait.ge [sflag:s19], $0x4000  }
0x109: {  	[sflag:s19] =	ssyncset.done $0x0  }
0x10a: {  	[sflag:s19] =	ssyncadd.s32 $0xFFFFC000  }
0x10b: {  	_ =	swait.ge [sflag:s22], $0x4000  }
0x10c: {  	[sflag:s22] =	ssyncset.done $0x0  }
0x10d: {  	s30 =	simm.s32 $0x2700;
	[sflag:s22] =	ssyncadd.s32 $0xFFFFC000  }
0x10e: {  	[tilespmem:s16], [sflag:$0x7] =	stream.indirect.gather [hbm4b:s1+s25], $0x80, s30, s25, $0xb8;
	[tilespmem:$0x1F900] =	vst v63  }
0x10f: {  	_ =	swait.ge [sflag:s12], $0x800  }
0x110: {  	[sflag:s12] =	ssyncset.done $0x0  }
0x111: {  	s31 =	simm.s32 $0x2880;
	[sflag:s12] =	ssyncadd.s32 $0xFFFFF800  }
0x112: {  	[spmem:s3] =	stream.indirect.scatter.add.f32 [tilespmem:s16], [sflag:$0x8], $0x80, s31, s25, $0xb8;
	[tilespmem:$0x1F900] =	vst v63  }
0x113: {  	_ =	swait.ge [sflag:s26], $0x800  }
0x114: {  	[sflag:s26] =	ssyncset.done $0x0  }
0x115: {  	s29 =	stileid.u32;
	[sflag:s26] =	ssyncadd.s32 $0xFFFFF800  }
0x116: {  	s9 =	sshll.u32 s29, $0x6;
	[bflag:$0x0] =	sbarrier.arrive $0xFFFF  }
0x117: {  	s29 =	sshrl.u32 s8, $0x3;
	s9 =	sor.u32 $0x1C08, s9;
	s30 =	rddreg [dreg:$0x6]  }
0x118: {  	[hbm:s30], [sflag:s9] =	dma.local [spmem:s29], $0x2800  }
0x119: {  	_ =	swait.ge [sflag:s26], $0x2800  }
0x11a: {  	s28 =	sadd.s32 $0x1, s28;
	s30 =	rddreg [dreg:$0x7]  }
0x11b: {  	p0 =	sne.s32 s28, s30  }
.Ltmp2:
0x11c: {  	_ = 	snop;
	(pc) =	sbr.rel @p0 .LBB2_1-.Ltmp2, $3  }
0x11d: {  	_ =	sdelay $0x1  }
0x11e: {  	[sflag:s26] =	ssyncset.done $0x0  }
0x11f: {  	[sflag:s26] =	ssyncadd.s32 $0xFFFFD800  }
0x120: {  	_ =	sfence.sel $0x180000  }
0x121: {  	[bflag:$0x0] =	sbarrier.arrive $0xFFFF  }
0x122: {  	_ =	strace $0x9000004A  }
0x123: {  	s0 =	stileid.u32;
	[bflag:$0x2] =	sbarrier.arrive $0xFFFF  }
0x124: {  	p0 =	sne.s32 s0, $0x0;
	s0 =	rddreg [dreg:$0x3]  }
0x125: {  	s0 =	sadd.s32 @!p0 $0x100000, s0  }
0x126: {  	[sflag:s0] =	ssyncadd.tile.s32 @!p0 $0x1;
	_ =	shalt  }
.Lfunc_end2:
_tile_overlayer_lowered:
.L_overlay_start_2:
0x127: {  	(tag) =	ssettag $0x2  }
0x128: {  	s0 =	rddreg [dreg:$0x0];
	s2 =	stileid.u32  }
0x129: {  	s1 =	rddreg [dreg:$0x1];
	p0 =	sne.s32 s2, $0x0  }
0x12a: {  	s3 =	rddreg [dreg:$0x2];
	[bflag:$0x3] =	sbarrier.arrive $0xFFFF;
	s2 =	simm.s32 @!p0 $0x1C08  }
0x12b: {  	[timem:s3], [sflag:s2] =	dma.local @!p0 [hbm:s0], s1  }
0x12c: {  	s0 =	simm.s32 @!p0 $0x8  }
0x12d: {  	_ =	swait.ge @!p0 [sflag:s0], s1  }
0x12e: {  	s1 =	ssub.s32 @!p0 $0x0, s1;
	[sflag:s0] =	ssyncset.done @!p0 $0x0  }
0x12f: {  	[sflag:s0] =	ssyncadd.s32 @!p0 s1  }
0x130: {  	[bflag:$0x3] =	sbarrier.arrive $0xFFFF  }
0x131: {  	_ =	shalt  }

// kernel: kernel.14.cloned.1.call-start
scs
__scs_entry_jumppad:
0x0: {  	(pc) =	sbr.rel $0x88, $3  }
0x1: {  	(tag) =	ssettag $0x0;
	lr =	simm.s32 $0x1  }
0x2: {  	[smem:$0x3F9B] =	sst lr;
	_ =	strace $0xD0000000  }
0x3: {  	_ = 	snop  }
0x4: {  	_ = 	snop  }
0x5: {  	_ = 	snop  }
0x6: {  	_ = 	snop  }
0x7: {  	_ = 	snop  }
__scs_overlays_trampoline_lowered:
0x8: {  	[smem:$0x3FAA] =	sst s0  }
0x9: {  	[smem:$0x3FAB] =	sst s1  }
0xa: {  	[smem:$0x3FAC] =	sst s2  }
0xb: {  	[smem:$0x3FAD] =	sst s3  }
0xc: {  	[smem:$0x3FAE] =	sst s4  }
0xd: {  	[smem:$0x3FAF] =	sst s5  }
0xe: {  	[smem:$0x3FB0] =	sst s6  }
0xf: {  	[smem:$0x3FB1] =	sst s7  }
0x10: {  	[smem:$0x3FB2] =	sst s8  }
0x11: {  	[smem:$0x3FB3] =	sst s9;
	s0 =	simm.s32 @!p0 $0x0  }
0x12: {  	s1 =	sld [smem:$0x3F99];
	s0 =	simm.s32 @p0 $0x1  }
0x13: {  	[smem:$0x3FB4] =	sst s0;
	s0 =	simm.s32 @!p1 $0x0  }
0x14: {  	s2 =	sld [smem:$0x3F98];
	s0 =	simm.s32 @p1 $0x1  }
0x15: {  	[smem:$0x3FB5] =	sst s0;
	s0 =	simm.s32 @!p2 $0x0  }
0x16: {  	s3 =	sld [smem:$0x3FDB];
	s0 =	simm.s32 @p2 $0x1  }
0x17: {  	s4 =	simm.s32 $0x1BF5;
	[smem:$0x3FB7] =	sst s0  }
0x18: {  	s0 =	sld [smem:$0x3F9A];
	_ =	swait.ge [sflag:s4], $0x0  }
0x19: {  	s7 =	sld [smem:$0x3F9B]  }
0x1a: {  	s8 =	sadd.s32 $0xFFFFE003, lr  }
0x1b: {  	s9 =	sadd.s32 $0xFFFFFEF7, lr;
	s5 =	simm.s32 $0xFFFFFFFF;
	p2 =	slt.u32 s8, $0xFFFFF086  }
0x1c: {  	p1 =	slt.u32 s9, $0xF7A;
	s5 =	simm.s32 @!p2 $0x0  }
0x1d: {  	s5 =	simm.s32 @p1 $0x1;
	p0 =	seq.s32 s7, s2  }
0x1e: {  	s7 =	smul.u32 @!p0 $0xF7A, s2;
	p2 =	seq.s32 @!p0 s5, $0x0  }
0x1f: {  	s9 =	smul.u32 $0xF7A, s1;
	s8 =	simm.s32 @!p0 $0x1BF5;
	p2 =	por !p2, p0  }
0x20: {  	[sflag:s8] =	ssyncset.s32 @!p0 $0xFFFFF086;
	s6 =	sadd.s32 @!p0 s3, s7;
	s7 =	simm.s32 @!p0 $0x108  }
0x21: {  	s3 =	sadd.s32 s3, s9;
	s6 =	sadd.s32 @!p0 $0x88, s6;
	s7 =	simm.s32 @p2 $0x1082  }
0x22: {  	[simem:s7], [sflag:s8] =	dma.local @!p0 [hbm:s6], $0xF7A  }
0x23: {  	s9 =	sor.u32 $0xD0000000, s2;
	s6 =	simm.s32 $0x108;
	_ =	swait.ge @!p0 [sflag:s8], $0x0  }
0x24: {  	s3 =	sadd.s32 $0x88, s3;
	s6 =	simm.s32 @!p1 $0x1082;
	[sflag:s4] =	ssyncset.s32 $0xFFFFF086  }
0x25: {  	[simem:s6], [sflag:s4] =	dma.local [hbm:s3], $0xF7A  }
0x26: {  	[smem:$0x3F9B] =	sst s1;
	(tag) =	ssettag s2;
	_ =	strace s9  }
0x27: {  	s1 =	sld [smem:$0x3FAB]  }
0x28: {  	s2 =	sld [smem:$0x3FAC]  }
0x29: {  	s4 =	sld [smem:$0x3FAE]  }
0x2a: {  	p0 =	seq.s32 s5, $0x0;
	s5 =	sld [smem:$0x3FAF]  }
0x2b: {  	s6 =	sld [smem:$0x3FB0]  }
0x2c: {  	s7 =	sld [smem:$0x3FB1]  }
0x2d: {  	s3 =	simm.s32 $0x108;
	s8 =	sld [smem:$0x3FB2]  }
0x2e: {  	s3 =	simm.s32 @!p0 $0x1082;
	s9 =	sld [smem:$0x3FB3]  }
0x2f: {  	lr =	sadd.s32 s0, s3;
	s0 =	sld [smem:$0x3FAA]  }
0x30: {  	s3 =	sld [smem:$0x3FAD]  }
0x31: {  	[smem:$0x3FB6] =	sst s10  }
0x32: {  	s10 =	sld [smem:$0x3FB4];
	_ =	sdelay $0x3  }
0x33: {  	p0 =	seq.s32 s10, $0x1;
	s10 =	sld [smem:$0x3FB6];
	_ =	sdelay $0x3  }
0x34: {  	[smem:$0x3FB6] =	sst s10  }
0x35: {  	s10 =	sld [smem:$0x3FB5];
	_ =	sdelay $0x3  }
0x36: {  	p1 =	seq.s32 s10, $0x1;
	s10 =	sld [smem:$0x3FB6];
	_ =	sdelay $0x3  }
0x37: {  	[smem:$0x3FB6] =	sst s10  }
0x38: {  	s10 =	sld [smem:$0x3FB7]  }
0x39: {  	_ = 	snop;
	(pc) =	sbr.ind lr, $3  }
0x3a: {  	_ = 	snop  }
0x3b: {  	_ = 	snop  }
0x3c: {  	p2 =	seq.s32 s10, $0x1;
	s10 =	sld [smem:$0x3FB6]  }
0x3d: {  	_ =	shalt  }
0x3e: {  	_ =	shalt  }
0x3f: {  	_ =	shalt  }
0x40: {  	_ =	shalt  }
0x41: {  	_ =	shalt  }
0x42: {  	_ =	shalt  }
0x43: {  	_ =	shalt  }
0x44: {  	_ =	shalt  }
0x45: {  	_ =	shalt  }
0x46: {  	_ =	shalt  }
0x47: {  	_ =	shalt  }
0x48: {  	_ =	shalt  }
0x49: {  	_ =	shalt  }
0x4a: {  	_ =	shalt  }
0x4b: {  	_ =	shalt  }
0x4c: {  	_ =	shalt  }
0x4d: {  	_ =	shalt  }
0x4e: {  	_ =	shalt  }
0x4f: {  	_ =	shalt  }
0x50: {  	_ =	shalt  }
0x51: {  	_ =	shalt  }
0x52: {  	_ =	shalt  }
0x53: {  	_ =	shalt  }
0x54: {  	_ =	shalt  }
0x55: {  	_ =	shalt  }
0x56: {  	_ =	shalt  }
0x57: {  	_ =	shalt  }
0x58: {  	_ =	shalt  }
0x59: {  	_ =	shalt  }
0x5a: {  	_ =	shalt  }
0x5b: {  	_ =	shalt  }
0x5c: {  	_ =	shalt  }
0x5d: {  	_ =	shalt  }
0x5e: {  	_ =	shalt  }
0x5f: {  	_ =	shalt  }
0x60: {  	_ =	shalt  }
0x61: {  	_ =	shalt  }
0x62: {  	_ =	shalt  }
0x63: {  	_ =	shalt  }
0x64: {  	_ =	shalt  }
0x65: {  	_ =	shalt  }
0x66: {  	_ =	shalt  }
0x67: {  	_ =	shalt  }
0x68: {  	_ =	shalt  }
0x69: {  	_ =	shalt  }
0x6a: {  	_ =	shalt  }
0x6b: {  	_ =	shalt  }
0x6c: {  	_ =	shalt  }
0x6d: {  	_ =	shalt  }
0x6e: {  	_ =	shalt  }
0x6f: {  	_ =	shalt  }
0x70: {  	_ =	shalt  }
0x71: {  	_ =	shalt  }
0x72: {  	_ =	shalt  }
0x73: {  	_ =	shalt  }
0x74: {  	_ =	shalt  }
0x75: {  	_ =	shalt  }
0x76: {  	_ =	shalt  }
0x77: {  	_ =	shalt  }
0x78: {  	_ =	shalt  }
0x79: {  	_ =	shalt  }
0x7a: {  	_ =	shalt  }
0x7b: {  	_ =	shalt  }
0x7c: {  	_ =	shalt  }
0x7d: {  	_ =	shalt  }
0x7e: {  	_ =	shalt  }
0x7f: {  	_ =	shalt  }
0x80: {  	_ =	shalt  }
0x81: {  	_ =	shalt  }
0x82: {  	_ =	shalt  }
0x83: {  	_ =	shalt  }
0x84: {  	_ =	shalt  }
0x85: {  	_ =	shalt  }
0x86: {  	_ =	shalt  }
0x87: {  	_ =	shalt  }
.Lfunc_end0:
.L_simem_size_0:
called_computation.2_lowered:
.L_overlay_start_0:
0x88: {  	s2 =	sld [smem:$0x3FD9]  }
0x89: {  	s3 =	sld [smem:$0x3FFE];
	_ =	sdelay $0x1  }
0x8a: {  	s1 =	srdreg.scid  }
0x8b: {  	s0 =	sand.u32 $0x1, s1  }
0x8c: {  	s17 =	sshll.u32 s0, $0xA;
	s2 =	sadd.s32 s3, s2  }
0x8d: {  	s2 =	sadd.s32 s2, s17  }
0x8e: {  	[smem:$0x3FC2] =	sst s2  }
0x8f: {  	_ = 	snop  }
0x90: {  	s2 =	sld [smem:$0x3FD0];
	(tm) =	ssettm $0x1  }
0x91: {  	s18 =	sld [smem:$0x3FFB];
	_ =	sdelay $0x3  }
0x92: {  	_ =	strace s18  }
0x93: {  	s3 =	sld [smem:$0x3FFC];
	_ =	sdelay $0x3  }
0x94: {  	_ =	strace s3  }
0x95: {  	s3 =	sld [smem:$0x3FFD];
	_ =	sdelay $0x3  }
0x96: {  	_ =	strace s3  }
0x97: {  	_ =	strace $0x8FFFFFFF  }
0x98: {  	s19 =	sld [smem:$0x3FDB];
	_ =	sdelay $0x1  }
0x99: {  	s4 =	simm.s32 $_scs_section_size  }
0x9a: {  	s5 =	simm.s32 $_size__tile_overlayer_lowered;
	s6 =	simm.s32 $_tile_overlayer_lowered  }
0x9b: {  	s22 =	simm.s32 $0x1BFF;
	s21 =	sshll.u32 s6, $0x1;
	s3 =	sadd.s32 s4, s19  }
0x9c: {  	s7 =	simm.s32 $0x0;
	s20 =	sshll.u32 s5, $0x1;
	s5 =	sadd.s32 s21, s3  }
0x9d: {  	[timem:s7], [sflag:s22] =	dma.local [hbm:s5], s20  }
0x9e: {  	_ =	swait.ge [sflag:s22], s20  }
0x9f: {  	s4 =	ssub.s32 $0x0, s20;
	[sflag:s22] =	ssyncset.done $0x0  }
0xa0: {  	[sflag:s22] =	ssyncadd.s32 s4;
	_ =	sdelay $0x1  }
0xa1: {  	s23 =	simm.s32 $0x1B8B  }
0xa2: {  	_ =	swait.ge [sflag:s23], $0x1  }
0xa3: {  	[sflag:s23] =	ssyncset.done $0x0  }
0xa4: {  	s25 =	simm.s32 $0x1B8E;
	s24 =	sld [smem:$0x3FFE];
	[sflag:s23] =	ssyncadd.s32 $0xFFFFFFFF  }
0xa5: {  	s26 =	simm.s32 $execute0_lowered;
	[smem:$0x3FD2] =	sst s25  }
0xa6: {  	s5 =	sshll.u32 s26, $0x1;
	_ =	strace $0x8000004C;
	[dreg:$0x1] =	wrdreg $0xFFFFFFFF  }
0xa7: {  	s28 =	simm.s32 $_size_execute0_lowered;
	s3 =	sadd.s32 s3, s5;
	[dreg:$0x0] =	wrdreg $0x0  }
0xa8: {  	s5 =	sshll.u32 s28, $0x1;
	[dreg:$0x2] =	wrdreg s3  }
0xa9: {  	[dreg:$0x3] =	wrdreg s5  }
0xaa: {  	[dreg:$0x4] =	wrdreg $0xC0  }
0xab: {  	_ =	task [dreg:s7], $0x5FFFF  }
0xac: {  	[dreg:$0x1] =	wrdreg $0xFFFFFFFF  }
0xad: {  	[dreg:$0x0] =	wrdreg $0x60  }
0xae: {  	[dreg:$0x2] =	wrdreg s2  }
0xaf: {  	[dreg:$0x3] =	wrdreg s24  }
0xb0: {  	[dreg:$0x4] =	wrdreg $0xB9000  }
0xb1: {  	[dreg:$0x5] =	wrdreg $0x9  }
0xb2: {  	_ =	task.clear_ibuf [dreg:s7], $0x6FFFF;
	_ =	strace $0x9000004C  }
0xb3: {  	s29 =	simm.s32 $0x9;
	_ =	strace $0x8000004E  }
0xb4: {  	_ =	swait.ge [sflag:s29], $0x1  }
0xb5: {  	[sflag:s29] =	ssyncadd.s32 $0xFFFFFFFF  }
0xb6: {  	_ =	strace $0x9000004E  }
0xb7: {  	_ =	sfence  }
0xb8: {  	s30 =	sld [smem:$0x0];
	_ =	sdelay $0x2  }
0xb9: {  	s31 =	sshll.u32 s1, $0xD;
	s1 =	sshrl.u32 s1, $0x2  }
0xba: {  	s3 =	sand.u32 $0x4000, s31;
	s1 =	sadd.s32 s1, s30  }
0xbb: {  	s0 =	sor.u32 s3, s0;
	s1 =	sshll.u32 s1, $0x11  }
0xbc: {  	s0 =	sor.u32 s1, s0  }
0xbd: {  	s0 =	sadd.s32 $0x8F2B, s0  }
0xbe: {  	[sflag:s0] =	ssyncadd.remote.s32 $0x1  }
0xbf: {  	_ =	sfence.sel $0xFFFF  }
0xc0: {  	[dreg:$0x0] =	wrdreg $0xFFFFFFFF;
	(pc) =	sbr.abs _section_cstart, $3  }
0xc1: {  	[dreg:$0x1] =	wrdreg $0xFFFFFFFF  }
0xc2: {  	_ =	task.clear_ibuf [dreg:s7], $0x2FFFF;
	_ =	strace $0x9FFFFFFF  }
0xc3: {  	(tm) =	ssettm $0x7FFFFFFF  }
tec
execute0_lowered:
.L_overlay_start_1:
0x0: {  	(tag) =	ssettag $0x1  }
0x1: {  	s0 =	srdreg.scid;
	s1 =	rddreg [dreg:$0x0]  }
0x2: {  	s12 =	stileid.u32;
	s5 =	rddreg [dreg:$0x1]  }
0x3: {  	s3 =	rddreg [dreg:$0x2];
	s4 =	simm.s32 $0x0;
	s7 =	smul.u32 $0x14000, s12  }
0x4: {  	s0 =	sand.u32 $0x1, s0;
	s2 =	sshll.u32 s12, $0x1;
	s11 =	smul.u32 $0x50000, s12  }
0x5: {  	[smem:$0x7FF] =	sst s4;
	s2 =	sor.u32 s0, s2;
	s6 =	smul.u32 $0x140000, s0  }
0x6: {  	s9 =	sadd.s32 $0xC200, s5;
	s22 =	ssub.s32 $0x2, s0;
	s2 =	smul.u32 $0x2710, s2  }
0x7: {  	_ =	strace $0x8000004D;
	s10 =	sshrl.u32 s22, $0x1;
	s6 =	sadd.s32 s7, s6  }
0x8: {  	s7 =	ssub.s32 s22, s10;
	s2 =	sshrl.u32 s2, $0x3;
	s6 =	sshrl.u32 s6, $0x3  }
0x9: {  	s29 =	smax.u32 s7, $0x1;
	s8 =	sadd.s32 s2, s5;
	s6 =	sadd.s32 s6, s5  }
0xa: {  	s5 =	sadd.s32 s9, s2;
	[dreg:$0x7] =	wrdreg s29;
	s23 =	sadd.s32 $0x2400, s8  }
0xb: {  	s25 =	sshrl.u32 s11, $0x2;
	s24 =	sadd.s32 $0x4E0, s5;
	[dreg:$0x4] =	wrdreg s23  }
0xc: {  	s8 =	sadd.s32 s25, s3;
	s26 =	sadd.s32 $0x16000, s6;
	[dreg:$0x5] =	wrdreg s24  }
0xd: {  	[dreg:$0x6] =	wrdreg s26;
	s30 =	sadd.s32 $0x1000, s8  }
0xe: {  	s6 =	sadd.s32 $0x2000, s8;
	[dreg:$0x8] =	wrdreg s30  }
0xf: {  	s10 =	sadd.s32 $0x3000, s8;
	[dreg:$0x9] =	wrdreg s6  }
0x10: {  	s11 =	sadd.s32 $0x4000, s8;
	[dreg:$0xa] =	wrdreg s10  }
0x11: {  	s7 =	smul.u32 $0x4E20, s12;
	s12 =	sadd.s32 $0x5000, s8;
	[dreg:$0xb] =	wrdreg s11  }
0x12: {  	s13 =	sadd.s32 $0x6000, s8;
	[dreg:$0xc] =	wrdreg s12  }
0x13: {  	s14 =	sadd.s32 $0x7000, s8;
	[dreg:$0xd] =	wrdreg s13  }
0x14: {  	s15 =	sadd.s32 $0x8000, s8;
	[dreg:$0xe] =	wrdreg s14  }
0x15: {  	s16 =	sadd.s32 $0x9000, s8;
	[dreg:$0xf] =	wrdreg s15  }
0x16: {  	s31 =	simm.s32 $0x2880;
	s17 =	sadd.s32 $0xA000, s8;
	[dreg:$0x10] =	wrdreg s16  }
0x17: {  	s0 =	smul.u32 $0x2710, s0;
	s19 =	sadd.s32 $0xB000, s8;
	[dreg:$0x11] =	wrdreg s17  }
0x18: {  	s28 =	simm.s32 $0x0;
	s20 =	sadd.s32 $0xC000, s8;
	[dreg:$0x12] =	wrdreg s19  }
0x19: {  	s0 =	sadd.s32 s0, s7;
	s21 =	sadd.s32 $0xD000, s8;
	[dreg:$0x13] =	wrdreg s20  }
0x1a: {  	s7 =	sadd.s32 $0x4D0, s5;
	s22 =	sadd.s32 $0xE000, s8;
	[dreg:$0x14] =	wrdreg s21  }
0x1b: {  	s18 =	sadd.s32 $0x180, s0;
	s25 =	sadd.s32 $0xF000, s8;
	[dreg:$0x15] =	wrdreg s22  }
0x1c: {  	s0 =	sadd.s32 $0x200, s0;
	s26 =	sadd.s32 $0x10000, s8;
	[dreg:$0x16] =	wrdreg s25  }
0x1d: {  	s29 =	sadd.s32 $0x11000, s8;
	s2 =	sshrl.u32 s18, $0x3;
	[dreg:$0x17] =	wrdreg s26  }
0x1e: {  	s0 =	sshrl.u32 s0, $0x3;
	[dreg:$0x18] =	wrdreg s29;
	s30 =	sadd.s32 $0x12000, s8  }
0x1f: {  	s6 =	sadd.s32 $0x20, s5;
	s10 =	simm.s32 $0xA900;
	s11 =	simm.s32 $0x3  }
0x20: {  	s12 =	simm.s32 $0x7;
	s13 =	simm.s32 $0x1;
	s14 =	simm.s32 $0x2780  }
0x21: {  	s15 =	simm.s32 $0x80;
	s16 =	simm.s32 $0x2900;
	s17 =	simm.s32 $0x2800  }
0x22: {  	s18 =	simm.s32 $0x6900;
	s19 =	simm.s32 $0x5;
	s20 =	simm.s32 $0x2  }
0x23: {  	s21 =	simm.s32 $0x4;
	s22 =	simm.s32 $0x6;
	s25 =	simm.s32 $0x10  }
0x24: {  	s26 =	simm.s32 $0x8;
	s23 =	sadd.s32 s2, s9;
	s24 =	sadd.s32 s0, s9  }
0x25: {  	v0 =	vimm.f32 $0.0e+00;
	[dreg:$0x19] =	wrdreg s30;
	s2 =	sadd.s32 $0x13000, s8;
	s0 =	sadd.s32 $0x10, s5  }
.LBB2_1:
0x26: {  	s9 =	rddreg [dreg:$0x4]  }
0x27: {  	[tilespmem:s4], [sflag:$0x7] =	stream.linear.gather [hbm4b:s9+s4], $0x2710, $0x38;
	[tilespmem:$0x1F900] =	vst v63  }
0x28: {  	s29 =	simm.s32 $0x0;
	s30 =	simm.s32 $0x200;
	s9 =	rddreg [dreg:$0x5]  }
0x29: {  	[tilespmem:s31], [sflag:$0x1] =	stream.linear.gather [hbm4b:s9+s4], $0x10, $0x38;
	[tilespmem:$0x1F900] =	vst v63  }
.LBB2_2:
0x2a: {  	p0 =	sne.s32 s30, $0x3E00;
	[tilespmem:s29+$0xA970] =	vst v0  }
0x2b: {  	[tilespmem:s29+$0xA900] =	vst v0  }
0x2c: {  	[tilespmem:s29+$0xA910] =	vst v0  }
.Ltmp0:
0x2d: {  	[tilespmem:s29+$0xA920] =	vst v0;
	(pc) =	sbr.rel @p0 .LBB2_2-.Ltmp0, $4  }
0x2e: {  	[tilespmem:s29+$0xA930] =	vst v0  }
0x2f: {  	[tilespmem:s29+$0xA940] =	vst v0  }
0x30: {  	[tilespmem:s29+$0xA950] =	vst v0  }
0x31: {  	[tilespmem:s29+$0xA960] =	vst v0;
	s29 =	sshra.s32 s30, $0x2;
	s30 =	sadd.s32 $0x200, s30  }
0x32: {  	[tilespmem:s29+$0xA970] =	vst v0  }
0x33: {  	[tilespmem:s29+$0xA900] =	vst v0  }
0x34: {  	[tilespmem:s29+$0xA910] =	vst v0  }
0x35: {  	[tilespmem:s29+$0xA920] =	vst v0  }
0x36: {  	[tilespmem:s29+$0xA930] =	vst v0  }
0x37: {  	[tilespmem:s29+$0xA940] =	vst v0  }
0x38: {  	[tilespmem:s29+$0xA950] =	vst v0  }
0x39: {  	[tilespmem:s29+$0xA960] =	vst v0  }
0x3a: {  	[spmem:s8] =	stream.linear.scatter [tilespmem:s10], [sflag:$0x3], $0x1000, $0x38;
	[tilespmem:$0x1F900] =	vst v63  }
0x3b: {  	s9 =	rddreg [dreg:$0x8]  }
0x3c: {  	[spmem:s9] =	stream.linear.scatter [tilespmem:s10], [sflag:$0x3], $0x1000, $0x38;
	[tilespmem:$0x1F900] =	vst v63  }
0x3d: {  	s31 =	rddreg [dreg:$0x9]  }
0x3e: {  	[spmem:s31] =	stream.linear.scatter [tilespmem:s10], [sflag:$0x3], $0x1000, $0x38;
	[tilespmem:$0x1F900] =	vst v63  }
0x3f: {  	s31 =	rddreg [dreg:$0xa]  }
0x40: {  	[spmem:s31] =	stream.linear.scatter [tilespmem:s10], [sflag:$0x3], $0x1000, $0x38;
	[tilespmem:$0x1F900] =	vst v63  }
0x41: {  	s31 =	rddreg [dreg:$0xb]  }
0x42: {  	[spmem:s31] =	stream.linear.scatter [tilespmem:s10], [sflag:$0x3], $0x1000, $0x38;
	[tilespmem:$0x1F900] =	vst v63  }
0x43: {  	s31 =	rddreg [dreg:$0xc]  }
0x44: {  	[spmem:s31] =	stream.linear.scatter [tilespmem:s10], [sflag:$0x3], $0x1000, $0x38;
	[tilespmem:$0x1F900] =	vst v63  }
0x45: {  	s31 =	rddreg [dreg:$0xd]  }
0x46: {  	[spmem:s31] =	stream.linear.scatter [tilespmem:s10], [sflag:$0x3], $0x1000, $0x38;
	[tilespmem:$0x1F900] =	vst v63  }
0x47: {  	s31 =	rddreg [dreg:$0xe]  }
0x48: {  	[spmem:s31] =	stream.linear.scatter [tilespmem:s10], [sflag:$0x3], $0x1000, $0x38;
	[tilespmem:$0x1F900] =	vst v63  }
0x49: {  	s31 =	rddreg [dreg:$0xf]  }
0x4a: {  	[spmem:s31] =	stream.linear.scatter [tilespmem:s10], [sflag:$0x3], $0x1000, $0x38;
	[tilespmem:$0x1F900] =	vst v63  }
0x4b: {  	s31 =	rddreg [dreg:$0x10]  }
0x4c: {  	[spmem:s31] =	stream.linear.scatter [tilespmem:s10], [sflag:$0x3], $0x1000, $0x38;
	[tilespmem:$0x1F900] =	vst v63  }
0x4d: {  	s31 =	rddreg [dreg:$0x11]  }
0x4e: {  	[spmem:s31] =	stream.linear.scatter [tilespmem:s10], [sflag:$0x3], $0x1000, $0x38;
	[tilespmem:$0x1F900] =	vst v63  }
0x4f: {  	s31 =	rddreg [dreg:$0x12]  }
0x50: {  	[spmem:s31] =	stream.linear.scatter [tilespmem:s10], [sflag:$0x3], $0x1000, $0x38;
	[tilespmem:$0x1F900] =	vst v63  }
0x51: {  	s31 =	rddreg [dreg:$0x13]  }
0x52: {  	[spmem:s31] =	stream.linear.scatter [tilespmem:s10], [sflag:$0x3], $0x1000, $0x38;
	[tilespmem:$0x1F900] =	vst v63  }
0x53: {  	s31 =	rddreg [dreg:$0x14]  }
0x54: {  	[spmem:s31] =	stream.linear.scatter [tilespmem:s10], [sflag:$0x3], $0x1000, $0x38;
	[tilespmem:$0x1F900] =	vst v63  }
0x55: {  	s31 =	rddreg [dreg:$0x15]  }
0x56: {  	[spmem:s31] =	stream.linear.scatter [tilespmem:s10], [sflag:$0x3], $0x1000, $0x38;
	[tilespmem:$0x1F900] =	vst v63  }
0x57: {  	s31 =	rddreg [dreg:$0x16]  }
0x58: {  	[spmem:s31] =	stream.linear.scatter [tilespmem:s10], [sflag:$0x3], $0x1000, $0x38;
	[tilespmem:$0x1F900] =	vst v63  }
0x59: {  	s31 =	rddreg [dreg:$0x17]  }
0x5a: {  	[spmem:s31] =	stream.linear.scatter [tilespmem:s10], [sflag:$0x3], $0x1000, $0x38;
	[tilespmem:$0x1F900] =	vst v63  }
0x5b: {  	s31 =	rddreg [dreg:$0x18]  }
0x5c: {  	[spmem:s31] =	stream.linear.scatter [tilespmem:s10], [sflag:$0x3], $0x1000, $0x38;
	[tilespmem:$0x1F900] =	vst v63  }
0x5d: {  	s31 =	rddreg [dreg:$0x19]  }
0x5e: {  	[spmem:s31] =	stream.linear.scatter [tilespmem:s10], [sflag:$0x3], $0x1000, $0x38;
	[tilespmem:$0x1F900] =	vst v63  }
0x5f: {  	_ = 	snop  }
0x60: {  	[spmem:s2] =	stream.linear.scatter [tilespmem:s10], [sflag:$0x3], $0x1000, $0x38;
	[tilespmem:$0x1F900] =	vst v63  }
0x61: {  	_ =	swait.ge [sflag:s11], $0x1000  }
0x62: {  	[sflag:s11] =	ssyncset.done $0x0  }
0x63: {  	[sflag:s11] =	ssyncadd.s32 $0xFFFFF000  }
0x64: {  	_ =	swait.ge [sflag:s11], $0x1000  }
0x65: {  	[sflag:s11] =	ssyncset.done $0x0  }
0x66: {  	[sflag:s11] =	ssyncadd.s32 $0xFFFFF000  }
0x67: {  	_ =	swait.ge [sflag:s11], $0x1000  }
0x68: {  	[sflag:s11] =	ssyncset.done $0x0  }
0x69: {  	[sflag:s11] =	ssyncadd.s32 $0xFFFFF000  }
0x6a: {  	_ =	swait.ge [sflag:s11], $0x1000  }
0x6b: {  	[sflag:s11] =	ssyncset.done $0x0  }
0x6c: {  	[sflag:s11] =	ssyncadd.s32 $0xFFFFF000  }
0x6d: {  	_ =	swait.ge [sflag:s11], $0x1000  }
0x6e: {  	[sflag:s11] =	ssyncset.done $0x0  }
0x6f: {  	[sflag:s11] =	ssyncadd.s32 $0xFFFFF000  }
0x70: {  	_ =	swait.ge [sflag:s11], $0x1000  }
0x71: {  	[sflag:s11] =	ssyncset.done $0x0  }
0x72: {  	[sflag:s11] =	ssyncadd.s32 $0xFFFFF000  }
0x73: {  	_ =	swait.ge [sflag:s11], $0x1000  }
0x74: {  	[sflag:s11] =	ssyncset.done $0x0  }
0x75: {  	[sflag:s11] =	ssyncadd.s32 $0xFFFFF000  }
0x76: {  	_ =	swait.ge [sflag:s11], $0x1000  }
0x77: {  	[sflag:s11] =	ssyncset.done $0x0  }
0x78: {  	[sflag:s11] =	ssyncadd.s32 $0xFFFFF000  }
0x79: {  	_ =	swait.ge [sflag:s11], $0x1000  }
0x7a: {  	[sflag:s11] =	ssyncset.done $0x0  }
0x7b: {  	[sflag:s11] =	ssyncadd.s32 $0xFFFFF000  }
0x7c: {  	_ =	swait.ge [sflag:s11], $0x1000  }
0x7d: {  	[sflag:s11] =	ssyncset.done $0x0  }
0x7e: {  	[sflag:s11] =	ssyncadd.s32 $0xFFFFF000  }
0x7f: {  	_ =	swait.ge [sflag:s11], $0x1000  }
0x80: {  	[sflag:s11] =	ssyncset.done $0x0  }
0x81: {  	[sflag:s11] =	ssyncadd.s32 $0xFFFFF000  }
0x82: {  	_ =	swait.ge [sflag:s11], $0x1000  }
0x83: {  	[sflag:s11] =	ssyncset.done $0x0  }
0x84: {  	[sflag:s11] =	ssyncadd.s32 $0xFFFFF000  }
0x85: {  	_ =	swait.ge [sflag:s11], $0x1000  }
0x86: {  	[sflag:s11] =	ssyncset.done $0x0  }
0x87: {  	[sflag:s11] =	ssyncadd.s32 $0xFFFFF000  }
0x88: {  	_ =	swait.ge [sflag:s11], $0x1000  }
0x89: {  	[sflag:s11] =	ssyncset.done $0x0  }
0x8a: {  	[sflag:s11] =	ssyncadd.s32 $0xFFFFF000  }
0x8b: {  	_ =	swait.ge [sflag:s11], $0x1000  }
0x8c: {  	[sflag:s11] =	ssyncset.done $0x0  }
0x8d: {  	[sflag:s11] =	ssyncadd.s32 $0xFFFFF000  }
0x8e: {  	_ =	swait.ge [sflag:s11], $0x1000  }
0x8f: {  	[sflag:s11] =	ssyncset.done $0x0  }
0x90: {  	[sflag:s11] =	ssyncadd.s32 $0xFFFFF000  }
0x91: {  	_ =	swait.ge [sflag:s11], $0x1000  }
0x92: {  	[sflag:s11] =	ssyncset.done $0x0  }
0x93: {  	[sflag:s11] =	ssyncadd.s32 $0xFFFFF000  }
0x94: {  	_ =	swait.ge [sflag:s11], $0x1000  }
0x95: {  	[sflag:s11] =	ssyncset.done $0x0  }
0x96: {  	[sflag:s11] =	ssyncadd.s32 $0xFFFFF000  }
0x97: {  	_ =	swait.ge [sflag:s11], $0x1000  }
0x98: {  	[sflag:s11] =	ssyncset.done $0x0  }
0x99: {  	[sflag:s11] =	ssyncadd.s32 $0xFFFFF000  }
0x9a: {  	_ =	swait.ge [sflag:s11], $0x1000  }
0x9b: {  	[sflag:s11] =	ssyncset.done $0x0  }
0x9c: {  	[sflag:s11] =	ssyncadd.s32 $0xFFFFF000  }
0x9d: {  	_ =	swait.ge [sflag:s12], $0x2710  }
0x9e: {  	[sflag:s12] =	ssyncset.done $0x0  }
0x9f: {  	[sflag:s12] =	ssyncadd.s32 $0xFFFFD8F0  }
0xa0: {  	_ =	swait.ge [sflag:s13], $0x10  }
0xa1: {  	[sflag:s13] =	ssyncset.done $0x0  }
0xa2: {  	[sflag:s13] =	ssyncadd.s32 $0xFFFFFFF0  }
0xa3: {  	s29 =	simm.s32 $0x0;
	[bflag:$0x0] =	sbarrier.arrive $0xFFFF  }
0xa4: {  	[tilespmem:s14], [sflag:$0x1] =	stream.linear.gather [hbm4b:s5+s29], $0x80, $0x38;
	[tilespmem:$0x1F900] =	vst v63  }
0xa5: {  	_ = 	snop  }
0xa6: {  	[tilespmem:s16], [sflag:$0x3] =	stream.indirect.gather [hbm4b:s1+s15], $0x80, s29, s15, $0xb8;
	[tilespmem:$0x1F900] =	vst v63  }
0xa7: {  	_ = 	snop  }
0xa8: {  	[tilespmem:s17], [sflag:$0x2] =	stream.linear.gather [hbm4b:s0+s29], $0x80, $0x38;
	[tilespmem:$0x1F900] =	vst v63  }
0xa9: {  	_ = 	snop  }
0xaa: {  	[tilespmem:s18], [sflag:$0x4] =	stream.indirect.gather [hbm4b:s1+s15], $0x80, s15, s15, $0xb8;
	[tilespmem:$0x1F900] =	vst v63  }
0xab: {  	_ =	swait.ge [sflag:s13], $0x80  }
0xac: {  	[sflag:s13] =	ssyncset.done $0x0  }
0xad: {  	[sflag:s13] =	ssyncadd.s32 $0xFFFFFF80  }
0xae: {  	_ =	swait.ge [sflag:s11], $0x4000  }
0xaf: {  	[sflag:s11] =	ssyncset.done $0x0  }
0xb0: {  	[sflag:s11] =	ssyncadd.s32 $0xFFFFC000  }
0xb1: {  	[spmem:s3] =	stream.indirect.scatter.add.f32 [tilespmem:s16], [sflag:$0x5], $0x80, s14, s15, $0xb8;
	[tilespmem:$0x1F900] =	vst v63  }
0xb2: {  	_ =	swait.ge [sflag:s19], $0x4000  }
0xb3: {  	[sflag:s19] =	ssyncset.done $0x0  }
0xb4: {  	[sflag:s19] =	ssyncadd.s32 $0xFFFFC000  }
0xb5: {  	[tilespmem:s14], [sflag:$0x1] =	stream.linear.gather [hbm4b:s6+s29], $0x80, $0x38;
	[tilespmem:$0x1F900] =	vst v63  }
0xb6: {  	s31 =	simm.s32 $0x100  }
0xb7: {  	[tilespmem:s16], [sflag:$0x3] =	stream.indirect.gather [hbm4b:s1+s15], $0x80, s31, s15, $0xb8;
	[tilespmem:$0x1F900] =	vst v63  }
0xb8: {  	_ =	swait.ge [sflag:s20], $0x80  }
0xb9: {  	[sflag:s20] =	ssyncset.done $0x0  }
0xba: {  	[sflag:s20] =	ssyncadd.s32 $0xFFFFFF80  }
0xbb: {  	_ =	swait.ge [sflag:s21], $0x4000  }
0xbc: {  	[sflag:s21] =	ssyncset.done $0x0  }
0xbd: {  	[sflag:s21] =	ssyncadd.s32 $0xFFFFC000  }
0xbe: {  	[spmem:s3] =	stream.indirect.scatter.add.f32 [tilespmem:s18], [sflag:$0x6], $0x80, s17, s15, $0xb8;
	[tilespmem:$0x1F900] =	vst v63  }
0xbf: {  	_ =	swait.ge [sflag:s22], $0x4000  }
0xc0: {  	[sflag:s22] =	ssyncset.done $0x0  }
0xc1: {  	s29 =	sadd.s32 $0x0, s23;
	[sflag:s22] =	ssyncadd.s32 $0xFFFFC000  }
0xc2: {  	[tilespmem:s17], [sflag:$0x2] =	stream.linear.gather [hbm4b:s29+s4], $0x80, $0x38;
	[tilespmem:$0x1F900] =	vst v63  }
0xc3: {  	s29 =	simm.s32 $0x180  }
0xc4: {  	[tilespmem:s18], [sflag:$0x4] =	stream.indirect.gather [hbm4b:s1+s15], $0x80, s29, s15, $0xb8;
	[tilespmem:$0x1F900] =	vst v63  }
0xc5: {  	_ =	swait.ge [sflag:s13], $0x80  }
0xc6: {  	[sflag:s13] =	ssyncset.done $0x0  }
0xc7: {  	[sflag:s13] =	ssyncadd.s32 $0xFFFFFF80  }
0xc8: {  	_ =	swait.ge [sflag:s11], $0x4000  }
0xc9: {  	[sflag:s11] =	ssyncset.done $0x0  }
0xca: {  	[sflag:s11] =	ssyncadd.s32 $0xFFFFC000  }
0xcb: {  	[spmem:s3] =	stream.indirect.scatter.add.f32 [tilespmem:s16], [sflag:$0x5], $0x80, s14, s15, $0xb8;
	[tilespmem:$0x1F900] =	vst v63  }
0xcc: {  	_ =	swait.ge [sflag:s19], $0x4000  }
0xcd: {  	[sflag:s19] =	ssyncset.done $0x0  }
0xce: {  	s29 =	sadd.s32 $0x0, s24;
	[sflag:s19] =	ssyncadd.s32 $0xFFFFC000  }
0xcf: {  	[tilespmem:s14], [sflag:$0x1] =	stream.linear.gather [hbm4b:s29+s4], $0x80, $0x38;
	[tilespmem:$0x1F900] =	vst v63  }
0xd0: {  	s29 =	simm.s32 $0x200  }
0xd1: {  	[tilespmem:s16], [sflag:$0x3] =	stream.indirect.gather [hbm4b:s1+s15], $0x80, s29, s15, $0xb8;
	[tilespmem:$0x1F900] =	vst v63  }
0xd2: {  	_ =	swait.ge [sflag:s20], $0x80  }
0xd3: {  	[sflag:s20] =	ssyncset.done $0x0  }
0xd4: {  	[sflag:s20] =	ssyncadd.s32 $0xFFFFFF80  }
0xd5: {  	_ =	swait.ge [sflag:s21], $0x4000  }
0xd6: {  	[sflag:s21] =	ssyncset.done $0x0  }
0xd7: {  	s30 =	simm.s32 $0x280;
	s29 =	simm.s32 $0x20;
	[sflag:s21] =	ssyncadd.s32 $0xFFFFC000  }
.LBB2_4:
0xd8: {  	[spmem:s3] =	stream.indirect.scatter.add.f32 [tilespmem:s18], [sflag:$0x6], $0x80, s17, s15, $0xb8;
	[tilespmem:$0x1F900] =	vst v63  }
0xd9: {  	s9 =	smov.u32 s29  }
0xda: {  	p0 =	sne.s32 s29, $0x480;
	s29 =	sadd.s32 $0x20, s29;
	_ =	swait.ge [sflag:s22], $0x4000  }
0xdb: {  	[sflag:s22] =	ssyncset.done $0x0  }
0xdc: {  	s31 =	sadd.s32 s9, s23;
	[sflag:s22] =	ssyncadd.s32 $0xFFFFC000  }
0xdd: {  	[tilespmem:s17], [sflag:$0x2] =	stream.linear.gather [hbm4b:s31+s4], $0x80, $0x38;
	[tilespmem:$0x1F900] =	vst v63  }
0xde: {  	_ = 	snop  }
0xdf: {  	[tilespmem:s18], [sflag:$0x4] =	stream.indirect.gather [hbm4b:s1+s15], $0x80, s30, s15, $0xb8;
	[tilespmem:$0x1F900] =	vst v63  }
0xe0: {  	_ =	swait.ge [sflag:s13], $0x80  }
0xe1: {  	[sflag:s13] =	ssyncset.done $0x0  }
0xe2: {  	[sflag:s13] =	ssyncadd.s32 $0xFFFFFF80  }
0xe3: {  	_ =	swait.ge [sflag:s11], $0x4000  }
0xe4: {  	[sflag:s11] =	ssyncset.done $0x0  }
0xe5: {  	[sflag:s11] =	ssyncadd.s32 $0xFFFFC000  }
0xe6: {  	[spmem:s3] =	stream.indirect.scatter.add.f32 [tilespmem:s16], [sflag:$0x5], $0x80, s14, s15, $0xb8;
	[tilespmem:$0x1F900] =	vst v63  }
0xe7: {  	_ =	swait.ge [sflag:s19], $0x4000  }
0xe8: {  	[sflag:s19] =	ssyncset.done $0x0  }
0xe9: {  	s9 =	sadd.s32 s9, s24;
	[sflag:s19] =	ssyncadd.s32 $0xFFFFC000  }
0xea: {  	[tilespmem:s14], [sflag:$0x1] =	stream.linear.gather [hbm4b:s9+s4], $0x80, $0x38;
	[tilespmem:$0x1F900] =	vst v63  }
0xeb: {  	s9 =	sadd.s32 $0x80, s30  }
0xec: {  	[tilespmem:s16], [sflag:$0x3] =	stream.indirect.gather [hbm4b:s1+s15], $0x80, s9, s15, $0xb8;
	[tilespmem:$0x1F900] =	vst v63  }
0xed: {  	_ =	swait.ge [sflag:s20], $0x80  }
.Ltmp1:
0xee: {  	[sflag:s20] =	ssyncset.done $0x0;
	(pc) =	sbr.rel @p0 .LBB2_4-.Ltmp1, $4  }
0xef: {  	[sflag:s20] =	ssyncadd.s32 $0xFFFFFF80  }
0xf0: {  	_ =	swait.ge [sflag:s21], $0x4000  }
0xf1: {  	[sflag:s21] =	ssyncset.done $0x0  }
0xf2: {  	s30 =	sadd.s32 $0x100, s30;
	[sflag:s21] =	ssyncadd.s32 $0xFFFFC000  }
0xf3: {  	[spmem:s3] =	stream.indirect.scatter.add.f32 [tilespmem:s18], [sflag:$0x6], $0x80, s17, s15, $0xb8;
	[tilespmem:$0x1F900] =	vst v63  }
0xf4: {  	_ =	swait.ge [sflag:s22], $0x4000  }
0xf5: {  	[sflag:s22] =	ssyncset.done $0x0  }
0xf6: {  	[sflag:s22] =	ssyncadd.s32 $0xFFFFC000  }
0xf7: {  	[tilespmem:s17], [sflag:$0x2] =	stream.linear.gather [hbm4b:s7+s4], $0x80, $0x38;
	[tilespmem:$0x1F900] =	vst v63  }
0xf8: {  	s9 =	simm.s32 $0x2680  }
0xf9: {  	[tilespmem:s18], [sflag:$0x4] =	stream.indirect.gather [hbm4b:s1+s15], $0x80, s9, s15, $0xb8;
	[tilespmem:$0x1F900] =	vst v63  }
0xfa: {  	_ =	swait.ge [sflag:s13], $0x80  }
0xfb: {  	[sflag:s13] =	ssyncset.done $0x0  }
0xfc: {  	[sflag:s13] =	ssyncadd.s32 $0xFFFFFF80  }
0xfd: {  	_ =	swait.ge [sflag:s11], $0x4000  }
0xfe: {  	[sflag:s11] =	ssyncset.done $0x0  }
0xff: {  	[sflag:s11] =	ssyncadd.s32 $0xFFFFC000  }
0x100: {  	[spmem:s3] =	stream.indirect.scatter.add.f32 [tilespmem:s16], [sflag:$0x5], $0x80, s14, s15, $0xb8;
	[tilespmem:$0x1F900] =	vst v63  }
0x101: {  	_ =	swait.ge [sflag:s20], $0x80  }
0x102: {  	[sflag:s20] =	ssyncset.done $0x0  }
0x103: {  	[sflag:s20] =	ssyncadd.s32 $0xFFFFFF80  }
0x104: {  	_ =	swait.ge [sflag:s21], $0x4000  }
0x105: {  	[sflag:s21] =	ssyncset.done $0x0  }
0x106: {  	[sflag:s21] =	ssyncadd.s32 $0xFFFFC000  }
0x107: {  	[spmem:s3] =	stream.indirect.scatter.add.f32 [tilespmem:s18], [sflag:$0x6], $0x80, s17, s15, $0xb8;
	[tilespmem:$0x1F900] =	vst v63  }
0x108: {  	_ =	swait.ge [sflag:s19], $0x4000  }
0x109: {  	[sflag:s19] =	ssyncset.done $0x0  }
0x10a: {  	[sflag:s19] =	ssyncadd.s32 $0xFFFFC000  }
0x10b: {  	_ =	swait.ge [sflag:s22], $0x4000  }
0x10c: {  	[sflag:s22] =	ssyncset.done $0x0  }
0x10d: {  	s30 =	simm.s32 $0x2700;
	[sflag:s22] =	ssyncadd.s32 $0xFFFFC000  }
0x10e: {  	[tilespmem:s16], [sflag:$0x7] =	stream.indirect.gather [hbm4b:s1+s25], $0x80, s30, s25, $0xb8;
	[tilespmem:$0x1F900] =	vst v63  }
0x10f: {  	_ =	swait.ge [sflag:s12], $0x800  }
0x110: {  	[sflag:s12] =	ssyncset.done $0x0  }
0x111: {  	s31 =	simm.s32 $0x2880;
	[sflag:s12] =	ssyncadd.s32 $0xFFFFF800  }
0x112: {  	[spmem:s3] =	stream.indirect.scatter.add.f32 [tilespmem:s16], [sflag:$0x8], $0x80, s31, s25, $0xb8;
	[tilespmem:$0x1F900] =	vst v63  }
0x113: {  	_ =	swait.ge [sflag:s26], $0x800  }
0x114: {  	[sflag:s26] =	ssyncset.done $0x0  }
0x115: {  	s29 =	stileid.u32;
	[sflag:s26] =	ssyncadd.s32 $0xFFFFF800  }
0x116: {  	s9 =	sshll.u32 s29, $0x6;
	[bflag:$0x0] =	sbarrier.arrive $0xFFFF  }
0x117: {  	s29 =	sshrl.u32 s8, $0x3;
	s9 =	sor.u32 $0x1C08, s9;
	s30 =	rddreg [dreg:$0x6]  }
0x118: {  	[hbm:s30], [sflag:s9] =	dma.local [spmem:s29], $0x2800  }
0x119: {  	_ =	swait.ge [sflag:s26], $0x2800  }
0x11a: {  	s28 =	sadd.s32 $0x1, s28;
	s30 =	rddreg [dreg:$0x7]  }
0x11b: {  	p0 =	sne.s32 s28, s30  }
.Ltmp2:
0x11c: {  	_ = 	snop;
	(pc) =	sbr.rel @p0 .LBB2_1-.Ltmp2, $3  }
0x11d: {  	_ =	sdelay $0x1  }
0x11e: {  	[sflag:s26] =	ssyncset.done $0x0  }
0x11f: {  	[sflag:s26] =	ssyncadd.s32 $0xFFFFD800  }
0x120: {  	_ =	sfence.sel $0x180000  }
0x121: {  	[bflag:$0x0] =	sbarrier.arrive $0xFFFF  }
0x122: {  	_ =	strace $0x9000004D  }
0x123: {  	s0 =	stileid.u32;
	[bflag:$0x2] =	sbarrier.arrive $0xFFFF  }
0x124: {  	p0 =	sne.s32 s0, $0x0;
	s0 =	rddreg [dreg:$0x3]  }
0x125: {  	s0 =	sadd.s32 @!p0 $0x100000, s0  }
0x126: {  	[sflag:s0] =	ssyncadd.tile.s32 @!p0 $0x1;
	_ =	shalt  }
.Lfunc_end2:
_tile_overlayer_lowered:
.L_overlay_start_2:
0x127: {  	(tag) =	ssettag $0x2  }
0x128: {  	s0 =	rddreg [dreg:$0x0];
	s2 =	stileid.u32  }
0x129: {  	s1 =	rddreg [dreg:$0x1];
	p0 =	sne.s32 s2, $0x0  }
0x12a: {  	s3 =	rddreg [dreg:$0x2];
	[bflag:$0x3] =	sbarrier.arrive $0xFFFF;
	s2 =	simm.s32 @!p0 $0x1C08  }
0x12b: {  	[timem:s3], [sflag:s2] =	dma.local @!p0 [hbm:s0], s1  }
0x12c: {  	s0 =	simm.s32 @!p0 $0x8  }
0x12d: {  	_ =	swait.ge @!p0 [sflag:s0], s1  }
0x12e: {  	s1 =	ssub.s32 @!p0 $0x0, s1;
	[sflag:s0] =	ssyncset.done @!p0 $0x0  }
0x12f: {  	[sflag:s0] =	ssyncadd.s32 @!p0 s1  }
0x130: {  	[bflag:$0x3] =	sbarrier.arrive $0xFFFF  }
0x131: {  	_ =	shalt  }

// kernel: kernel.8.cloned.1.call-start
scs
__scs_entry_jumppad:
0x0: {  	(pc) =	sbr.rel $0x88, $3  }
0x1: {  	(tag) =	ssettag $0x0;
	lr =	simm.s32 $0x1  }
0x2: {  	[smem:$0x3F9B] =	sst lr;
	_ =	strace $0xD0000000  }
0x3: {  	_ = 	snop  }
0x4: {  	_ = 	snop  }
0x5: {  	_ = 	snop  }
0x6: {  	_ = 	snop  }
0x7: {  	_ = 	snop  }
__scs_overlays_trampoline_lowered:
0x8: {  	[smem:$0x3FAA] =	sst s0  }
0x9: {  	[smem:$0x3FAB] =	sst s1  }
0xa: {  	[smem:$0x3FAC] =	sst s2  }
0xb: {  	[smem:$0x3FAD] =	sst s3  }
0xc: {  	[smem:$0x3FAE] =	sst s4  }
0xd: {  	[smem:$0x3FAF] =	sst s5  }
0xe: {  	[smem:$0x3FB0] =	sst s6  }
0xf: {  	[smem:$0x3FB1] =	sst s7  }
0x10: {  	[smem:$0x3FB2] =	sst s8  }
0x11: {  	[smem:$0x3FB3] =	sst s9;
	s0 =	simm.s32 @!p0 $0x0  }
0x12: {  	s1 =	sld [smem:$0x3F99];
	s0 =	simm.s32 @p0 $0x1  }
0x13: {  	[smem:$0x3FB4] =	sst s0;
	s0 =	simm.s32 @!p1 $0x0  }
0x14: {  	s2 =	sld [smem:$0x3F98];
	s0 =	simm.s32 @p1 $0x1  }
0x15: {  	[smem:$0x3FB5] =	sst s0;
	s0 =	simm.s32 @!p2 $0x0  }
0x16: {  	s3 =	sld [smem:$0x3FDB];
	s0 =	simm.s32 @p2 $0x1  }
0x17: {  	s4 =	simm.s32 $0x1BF5;
	[smem:$0x3FB7] =	sst s0  }
0x18: {  	s0 =	sld [smem:$0x3F9A];
	_ =	swait.ge [sflag:s4], $0x0  }
0x19: {  	s7 =	sld [smem:$0x3F9B]  }
0x1a: {  	s8 =	sadd.s32 $0xFFFFE003, lr  }
0x1b: {  	s9 =	sadd.s32 $0xFFFFFEF7, lr;
	s5 =	simm.s32 $0xFFFFFFFF;
	p2 =	slt.u32 s8, $0xFFFFF086  }
0x1c: {  	p1 =	slt.u32 s9, $0xF7A;
	s5 =	simm.s32 @!p2 $0x0  }
0x1d: {  	s5 =	simm.s32 @p1 $0x1;
	p0 =	seq.s32 s7, s2  }
0x1e: {  	s7 =	smul.u32 @!p0 $0xF7A, s2;
	p2 =	seq.s32 @!p0 s5, $0x0  }
0x1f: {  	s9 =	smul.u32 $0xF7A, s1;
	s8 =	simm.s32 @!p0 $0x1BF5;
	p2 =	por !p2, p0  }
0x20: {  	[sflag:s8] =	ssyncset.s32 @!p0 $0xFFFFF086;
	s6 =	sadd.s32 @!p0 s3, s7;
	s7 =	simm.s32 @!p0 $0x108  }
0x21: {  	s3 =	sadd.s32 s3, s9;
	s6 =	sadd.s32 @!p0 $0x88, s6;
	s7 =	simm.s32 @p2 $0x1082  }
0x22: {  	[simem:s7], [sflag:s8] =	dma.local @!p0 [hbm:s6], $0xF7A  }
0x23: {  	s9 =	sor.u32 $0xD0000000, s2;
	s6 =	simm.s32 $0x108;
	_ =	swait.ge @!p0 [sflag:s8], $0x0  }
0x24: {  	s3 =	sadd.s32 $0x88, s3;
	s6 =	simm.s32 @!p1 $0x1082;
	[sflag:s4] =	ssyncset.s32 $0xFFFFF086  }
0x25: {  	[simem:s6], [sflag:s4] =	dma.local [hbm:s3], $0xF7A  }
0x26: {  	[smem:$0x3F9B] =	sst s1;
	(tag) =	ssettag s2;
	_ =	strace s9  }
0x27: {  	s1 =	sld [smem:$0x3FAB]  }
0x28: {  	s2 =	sld [smem:$0x3FAC]  }
0x29: {  	s4 =	sld [smem:$0x3FAE]  }
0x2a: {  	p0 =	seq.s32 s5, $0x0;
	s5 =	sld [smem:$0x3FAF]  }
0x2b: {  	s6 =	sld [smem:$0x3FB0]  }
0x2c: {  	s7 =	sld [smem:$0x3FB1]  }
0x2d: {  	s3 =	simm.s32 $0x108;
	s8 =	sld [smem:$0x3FB2]  }
0x2e: {  	s3 =	simm.s32 @!p0 $0x1082;
	s9 =	sld [smem:$0x3FB3]  }
0x2f: {  	lr =	sadd.s32 s0, s3;
	s0 =	sld [smem:$0x3FAA]  }
0x30: {  	s3 =	sld [smem:$0x3FAD]  }
0x31: {  	[smem:$0x3FB6] =	sst s10  }
0x32: {  	s10 =	sld [smem:$0x3FB4];
	_ =	sdelay $0x3  }
0x33: {  	p0 =	seq.s32 s10, $0x1;
	s10 =	sld [smem:$0x3FB6];
	_ =	sdelay $0x3  }
0x34: {  	[smem:$0x3FB6] =	sst s10  }
0x35: {  	s10 =	sld [smem:$0x3FB5];
	_ =	sdelay $0x3  }
0x36: {  	p1 =	seq.s32 s10, $0x1;
	s10 =	sld [smem:$0x3FB6];
	_ =	sdelay $0x3  }
0x37: {  	[smem:$0x3FB6] =	sst s10  }
0x38: {  	s10 =	sld [smem:$0x3FB7]  }
0x39: {  	_ = 	snop;
	(pc) =	sbr.ind lr, $3  }
0x3a: {  	_ = 	snop  }
0x3b: {  	_ = 	snop  }
0x3c: {  	p2 =	seq.s32 s10, $0x1;
	s10 =	sld [smem:$0x3FB6]  }
0x3d: {  	_ =	shalt  }
0x3e: {  	_ =	shalt  }
0x3f: {  	_ =	shalt  }
0x40: {  	_ =	shalt  }
0x41: {  	_ =	shalt  }
0x42: {  	_ =	shalt  }
0x43: {  	_ =	shalt  }
0x44: {  	_ =	shalt  }
0x45: {  	_ =	shalt  }
0x46: {  	_ =	shalt  }
0x47: {  	_ =	shalt  }
0x48: {  	_ =	shalt  }
0x49: {  	_ =	shalt  }
0x4a: {  	_ =	shalt  }
0x4b: {  	_ =	shalt  }
0x4c: {  	_ =	shalt  }
0x4d: {  	_ =	shalt  }
0x4e: {  	_ =	shalt  }
0x4f: {  	_ =	shalt  }
0x50: {  	_ =	shalt  }
0x51: {  	_ =	shalt  }
0x52: {  	_ =	shalt  }
0x53: {  	_ =	shalt  }
0x54: {  	_ =	shalt  }
0x55: {  	_ =	shalt  }
0x56: {  	_ =	shalt  }
0x57: {  	_ =	shalt  }
0x58: {  	_ =	shalt  }
0x59: {  	_ =	shalt  }
0x5a: {  	_ =	shalt  }
0x5b: {  	_ =	shalt  }
0x5c: {  	_ =	shalt  }
0x5d: {  	_ =	shalt  }
0x5e: {  	_ =	shalt  }
0x5f: {  	_ =	shalt  }
0x60: {  	_ =	shalt  }
0x61: {  	_ =	shalt  }
0x62: {  	_ =	shalt  }
0x63: {  	_ =	shalt  }
0x64: {  	_ =	shalt  }
0x65: {  	_ =	shalt  }
0x66: {  	_ =	shalt  }
0x67: {  	_ =	shalt  }
0x68: {  	_ =	shalt  }
0x69: {  	_ =	shalt  }
0x6a: {  	_ =	shalt  }
0x6b: {  	_ =	shalt  }
0x6c: {  	_ =	shalt  }
0x6d: {  	_ =	shalt  }
0x6e: {  	_ =	shalt  }
0x6f: {  	_ =	shalt  }
0x70: {  	_ =	shalt  }
0x71: {  	_ =	shalt  }
0x72: {  	_ =	shalt  }
0x73: {  	_ =	shalt  }
0x74: {  	_ =	shalt  }
0x75: {  	_ =	shalt  }
0x76: {  	_ =	shalt  }
0x77: {  	_ =	shalt  }
0x78: {  	_ =	shalt  }
0x79: {  	_ =	shalt  }
0x7a: {  	_ =	shalt  }
0x7b: {  	_ =	shalt  }
0x7c: {  	_ =	shalt  }
0x7d: {  	_ =	shalt  }
0x7e: {  	_ =	shalt  }
0x7f: {  	_ =	shalt  }
0x80: {  	_ =	shalt  }
0x81: {  	_ =	shalt  }
0x82: {  	_ =	shalt  }
0x83: {  	_ =	shalt  }
0x84: {  	_ =	shalt  }
0x85: {  	_ =	shalt  }
0x86: {  	_ =	shalt  }
0x87: {  	_ =	shalt  }
.Lfunc_end0:
.L_simem_size_0:
called_computation_lowered:
.L_overlay_start_0:
0x88: {  	s2 =	sld [smem:$0x3FD9]  }
0x89: {  	s3 =	sld [smem:$0x3FFE];
	_ =	sdelay $0x1  }
0x8a: {  	s1 =	srdreg.scid  }
0x8b: {  	s0 =	sand.u32 $0x1, s1  }
0x8c: {  	s16 =	sshll.u32 s0, $0xA;
	s2 =	sadd.s32 s3, s2  }
0x8d: {  	s2 =	sadd.s32 s2, s16  }
0x8e: {  	[smem:$0x3FC2] =	sst s2  }
0x8f: {  	_ = 	snop  }
0x90: {  	(tm) =	ssettm $0x1  }
0x91: {  	s17 =	sld [smem:$0x3FFB];
	_ =	sdelay $0x3  }
0x92: {  	_ =	strace s17  }
0x93: {  	s2 =	sld [smem:$0x3FFC];
	_ =	sdelay $0x3  }
0x94: {  	_ =	strace s2  }
0x95: {  	s2 =	sld [smem:$0x3FFD];
	_ =	sdelay $0x3  }
0x96: {  	_ =	strace s2  }
0x97: {  	_ =	strace $0x8FFFFFFF  }
0x98: {  	s18 =	sld [smem:$0x3FDB];
	_ =	sdelay $0x1  }
0x99: {  	s19 =	simm.s32 $_scs_section_size  }
0x9a: {  	s4 =	simm.s32 $_size__tile_overlayer_lowered;
	s5 =	simm.s32 $_tile_overlayer_lowered  }
0x9b: {  	s22 =	simm.s32 $0x1BFF;
	s21 =	sshll.u32 s5, $0x1;
	s2 =	sadd.s32 s19, s18  }
0x9c: {  	s6 =	simm.s32 $0x0;
	s20 =	sshll.u32 s4, $0x1;
	s4 =	sadd.s32 s21, s2  }
0x9d: {  	[timem:s6], [sflag:s22] =	dma.local [hbm:s4], s20  }
0x9e: {  	_ =	swait.ge [sflag:s22], s20  }
0x9f: {  	s3 =	ssub.s32 $0x0, s20;
	[sflag:s22] =	ssyncset.done $0x0  }
0xa0: {  	[sflag:s22] =	ssyncadd.s32 s3;
	_ =	sdelay $0x1  }
0xa1: {  	s23 =	simm.s32 $0x1B8B  }
0xa2: {  	_ =	swait.ge [sflag:s23], $0x1  }
0xa3: {  	[sflag:s23] =	ssyncset.done $0x0  }
0xa4: {  	s25 =	simm.s32 $0x1B8E;
	s24 =	sld [smem:$0x3FFE];
	[sflag:s23] =	ssyncadd.s32 $0xFFFFFFFF  }
0xa5: {  	s26 =	simm.s32 $execute0_lowered;
	[smem:$0x3FD2] =	sst s25  }
0xa6: {  	s4 =	sshll.u32 s26, $0x1;
	_ =	strace $0x80000046;
	[dreg:$0x1] =	wrdreg $0xFFFFFFFF  }
0xa7: {  	s28 =	simm.s32 $_size_execute0_lowered;
	s2 =	sadd.s32 s2, s4;
	[dreg:$0x0] =	wrdreg $0x0  }
0xa8: {  	s4 =	sshll.u32 s28, $0x1;
	[dreg:$0x2] =	wrdreg s2  }
0xa9: {  	[dreg:$0x3] =	wrdreg s4  }
0xaa: {  	[dreg:$0x4] =	wrdreg $0xC0  }
0xab: {  	_ =	task [dreg:s6], $0x5FFFF  }
0xac: {  	[dreg:$0x1] =	wrdreg $0xFFFFFFFF  }
0xad: {  	[dreg:$0x0] =	wrdreg $0x60  }
0xae: {  	[dreg:$0x2] =	wrdreg s24  }
0xaf: {  	[dreg:$0x3] =	wrdreg $0x82800  }
0xb0: {  	[dreg:$0x4] =	wrdreg $0x9  }
0xb1: {  	_ =	task.clear_ibuf [dreg:s6], $0x5FFFF;
	_ =	strace $0x90000046  }
0xb2: {  	s29 =	simm.s32 $0x9;
	_ =	strace $0x80000048  }
0xb3: {  	_ =	swait.ge [sflag:s29], $0x1  }
0xb4: {  	[sflag:s29] =	ssyncadd.s32 $0xFFFFFFFF  }
0xb5: {  	_ =	strace $0x90000048  }
0xb6: {  	_ =	sfence  }
0xb7: {  	s30 =	sld [smem:$0x0];
	_ =	sdelay $0x2  }
0xb8: {  	s31 =	sshll.u32 s1, $0xD;
	s1 =	sshrl.u32 s1, $0x2  }
0xb9: {  	s3 =	sand.u32 $0x4000, s31;
	s1 =	sadd.s32 s1, s30  }
0xba: {  	s0 =	sor.u32 s3, s0;
	s1 =	sshll.u32 s1, $0x11  }
0xbb: {  	s0 =	sor.u32 s1, s0  }
0xbc: {  	s0 =	sadd.s32 $0x8F2B, s0  }
0xbd: {  	[sflag:s0] =	ssyncadd.remote.s32 $0x1  }
0xbe: {  	_ =	sfence.sel $0xFFFF  }
0xbf: {  	[dreg:$0x0] =	wrdreg $0xFFFFFFFF;
	(pc) =	sbr.abs _section_cstart, $3  }
0xc0: {  	[dreg:$0x1] =	wrdreg $0xFFFFFFFF  }
0xc1: {  	_ =	task.clear_ibuf [dreg:s6], $0x2FFFF;
	_ =	strace $0x9FFFFFFF  }
0xc2: {  	(tm) =	ssettm $0x7FFFFFFF  }
0xc3: {  	_ =	shalt  }
tec
execute0_lowered:
.L_overlay_start_1:
0x0: {  	(tag) =	ssettag $0x1  }
0x1: {  	s0 =	rddreg [dreg:$0x0]  }
0x2: {  	s1 =	rddreg [dreg:$0x1]  }
0x3: {  	s2 =	srdreg.scid;
	s10 =	stileid.u32  }
0x4: {  	s3 =	simm.s32 $0x0;
	s28 =	simm.s32 $0x8;
	s6 =	smul.u32 $0x14000, s10  }
0x5: {  	s29 =	simm.s32 $0x9;
	s31 =	simm.s32 $0x0;
	s9 =	smul.u32 $0x50000, s10  }
0x6: {  	s2 =	sand.u32 $0x1, s2;
	[smem:$0x7FF] =	sst s3;
	s14 =	smul.u32 $0x4E20, s10  }
0x7: {  	s7 =	sshll.u32 s10, $0x1;
	s4 =	sadd.s32 $0xC200, s0;
	s5 =	smul.u32 $0x140000, s2  }
0x8: {  	s7 =	sor.u32 s2, s7;
	s11 =	ssub.s32 $0x2, s2;
	s2 =	smul.u32 $0x2710, s2  }
0x9: {  	_ =	strace $0x80000047;
	s7 =	smul.u32 $0x2710, s7;
	s8 =	sshrl.u32 s11, $0x1  }
0xa: {  	s13 =	sshrl.u32 s9, $0x2;
	s5 =	sadd.s32 s6, s5;
	s6 =	ssub.s32 s11, s8  }
0xb: {  	s20 =	sadd.s32 s2, s14;
	s5 =	sshrl.u32 s5, $0x3;
	s12 =	sshrl.u32 s7, $0x3  }
0xc: {  	s7 =	sadd.s32 s13, s1;
	s18 =	smax.u32 s6, $0x1;
	s23 =	sadd.s32 $0x300, s20  }
0xd: {  	s24 =	sadd.s32 $0x280, s20;
	s8 =	sadd.s32 $0x180, s20;
	s0 =	sadd.s32 s5, s0  }
0xe: {  	s5 =	sadd.s32 s4, s12;
	[dreg:$0xa] =	wrdreg s18;
	s19 =	sadd.s32 $0x4000, s7  }
0xf: {  	s21 =	sadd.s32 $0x8000, s7;
	s22 =	sadd.s32 $0xC000, s7;
	[dreg:$0xb] =	wrdreg s19  }
0x10: {  	s2 =	sshrl.u32 s23, $0x3;
	s6 =	sshrl.u32 s24, $0x3;
	[dreg:$0xc] =	wrdreg s21  }
0x11: {  	s26 =	sshrl.u32 s8, $0x3;
	s15 =	sadd.s32 $0x4E0, s5;
	[dreg:$0xd] =	wrdreg s22  }
0x12: {  	s18 =	simm.s32 $0x4280;
	s16 =	sadd.s32 $0x10, s5;
	[dreg:$0x6] =	wrdreg s15  }
0x13: {  	s23 =	simm.s32 $0x280;
	s17 =	sadd.s32 $0x20, s5;
	[dreg:$0x7] =	wrdreg s16  }
0x14: {  	s24 =	simm.s32 $0x5;
	s0 =	sadd.s32 $0x16000, s0;
	[dreg:$0x8] =	wrdreg s17  }
0x15: {  	s2 =	sadd.s32 s2, s4;
	s25 =	sadd.s32 s6, s4;
	[dreg:$0x9] =	wrdreg s0  }
0x16: {  	s30 =	sadd.s32 s26, s4;
	s19 =	simm.s32 $0xA;
	[dreg:$0x5] =	wrdreg s2  }
0x17: {  	s22 =	simm.s32 $0x1;
	s26 =	simm.s32 $0x7;
	[dreg:$0x4] =	wrdreg s25  }
0x18: {  	s15 =	sadd.s32 $0x10000, s7;
	s16 =	sadd.s32 $0x200, s20;
	[dreg:$0x3] =	wrdreg s30  }
0x19: {  	v0 =	vimm.f32 $1.000000000e+00;
	v1 =	vimm.f32 $0.0e+00;
	s17 =	simm.s32 $0x200;
	s20 =	simm.s32 $0x80;
	s25 =	simm.s32 $0x6  }
.LBB2_1:
0x1a: {  	s0 =	rddreg [dreg:$0x6]  }
0x1b: {  	[tilespmem:s17], [sflag:$0x9] =	stream.linear.gather [hbm4b:s0+s3], $0x10, $0x38;
	[tilespmem:$0xAA80] =	vst v63  }
0x1c: {  	s0 =	simm.s32 $0x0  }
.LBB2_2:
0x1d: {  	p0 =	sne.s32 s0, $0xFE00  }
.Ltmp0:
0x1e: {  	_ = 	snop;
	(pc) =	sbr.rel @p0 .LBB2_2-.Ltmp0, $3  }
0x1f: {  	_ =	sdelay $0x1  }
0x20: {  	s2 =	sshra.s32 s0, $0x2  }
0x21: {  	s0 =	sadd.s32 $0x200, s0;
	[tilespmem:s2+$0x280] =	vst v0  }
0x22: {  	s0 =	simm.s32 $0x200;
	s2 =	simm.s32 $0x0  }
.LBB2_4:
0x23: {  	p0 =	sne.s32 s0, $0xFE00;
	[tilespmem:s2+$0x4280] =	vst v1;
	s2 =	smov.u32 s0;
	s0 =	sadd.s32 $0x200, s0  }
.Ltmp1:
0x24: {  	(pc) =	sbr.rel @p0 .LBB2_4-.Ltmp1, $2  }
0x25: {  	_ =	sdelay $0x2  }
0x26: {  	s2 =	sshra.s32 s2, $0x2  }
0x27: {  	[tilespmem:s2+$0x4280] =	vst v1  }
0x28: {  	[spmem:s7] =	stream.linear.scatter [tilespmem:s18], [sflag:$0xA], $0x4000, $0x38;
	[tilespmem:$0xAA80] =	vst v63  }
0x29: {  	_ =	swait.ge [sflag:s19], $0x4000  }
0x2a: {  	[sflag:s19] =	ssyncset.done $0x0  }
0x2b: {  	s0 =	rddreg [dreg:$0xb];
	[sflag:s19] =	ssyncadd.s32 $0xFFFFC000  }
0x2c: {  	[spmem:s0] =	stream.linear.scatter [tilespmem:s18], [sflag:$0xA], $0x4000, $0x38;
	[tilespmem:$0xAA80] =	vst v63  }
0x2d: {  	_ =	swait.ge [sflag:s19], $0x4000  }
0x2e: {  	[sflag:s19] =	ssyncset.done $0x0  }
0x2f: {  	s11 =	rddreg [dreg:$0xc];
	[sflag:s19] =	ssyncadd.s32 $0xFFFFC000  }
0x30: {  	[spmem:s11] =	stream.linear.scatter [tilespmem:s18], [sflag:$0xA], $0x4000, $0x38;
	[tilespmem:$0xAA80] =	vst v63  }
0x31: {  	_ =	swait.ge [sflag:s19], $0x4000  }
0x32: {  	[sflag:s19] =	ssyncset.done $0x0  }
0x33: {  	s12 =	rddreg [dreg:$0xd];
	[sflag:s19] =	ssyncadd.s32 $0xFFFFC000  }
0x34: {  	[spmem:s12] =	stream.linear.scatter [tilespmem:s18], [sflag:$0xA], $0x4000, $0x38;
	[tilespmem:$0xAA80] =	vst v63  }
0x35: {  	_ =	swait.ge [sflag:s19], $0x4000  }
0x36: {  	[sflag:s19] =	ssyncset.done $0x0  }
0x37: {  	[sflag:s19] =	ssyncadd.s32 $0xFFFFC000  }
0x38: {  	[spmem:s15] =	stream.linear.scatter [tilespmem:s18], [sflag:$0xA], $0x4000, $0x38;
	[tilespmem:$0xAA80] =	vst v63  }
0x39: {  	_ =	swait.ge [sflag:s19], $0x4000  }
0x3a: {  	[sflag:s19] =	ssyncset.done $0x0  }
0x3b: {  	p2 =	por $0x0, $0x0;
	[sflag:s19] =	ssyncadd.s32 $0xFFFFC000  }
0x3c: {  	s13 =	simm.s32 $0x0;
	p0 =	por @!p2 $0x1, $0x1;
	[bflag:$0x0] =	sbarrier.arrive $0xFFFF  }
0x3d: {  	[tilespmem:s13], [sflag:$0x1] =	stream.linear.gather [hbm4b:s5+s13], $0x80, $0x38;
	[tilespmem:$0xAA80] =	vst v63  }
0x3e: {  	p1 =	por p0, p2;
	s14 =	rddreg [dreg:$0x7]  }
0x3f: {  	[tilespmem:s20], [sflag:$0x2] =	stream.linear.gather [hbm4b:s14+s13], $0x80, $0x38;
	[tilespmem:$0xAA80] =	vst v63  }
0x40: {  	s6 =	simm.s32 $0x100;
	s0 =	simm.s32 @!p1 $0x8;
	s21 =	rddreg [dreg:$0x8]  }
0x41: {  	[tilespmem:s6], [sflag:$0x3] =	stream.linear.gather [hbm4b:s21+s13], $0x80, $0x38;
	[tilespmem:$0xAA80] =	vst v63  }
0x42: {  	p0 =	por p2, p2;
	_ =	swait.ge @!p1 [sflag:s0], $0x800  }
0x43: {  	s21 =	simm.s32 @!p0 $0x180;
	s2 =	rddreg [dreg:$0x3];
	[sflag:s0] =	ssyncset.done @!p1 $0x0  }
0x44: {  	[sflag:s0] =	ssyncadd.s32 @!p1 $0xFFFFF800;
	s0 =	simm.s32 @!p0 $0x0;
	s2 =	sadd.s32 @!p0 $0x0, s2  }
0x45: {  	[tilespmem:s21], [sflag:$0x4] =	stream.linear.gather @!p0 [hbm4b:s2+s0], $0x80, $0x38;
	[tilespmem:$0xAA80] =	vst v63  }
0x46: {  	_ =	swait.ge [sflag:s22], $0x80  }
0x47: {  	p1 =	por $0x1, $0x1;
	[sflag:s22] =	ssyncset.done $0x0  }
0x48: {  	s0 =	simm.s32 @p1 $0x5;
	[sflag:s22] =	ssyncadd.s32 $0xFFFFFF80  }
0x49: {  	[spmem:s1] =	stream.indirect.scatter.add.f32 [tilespmem:s23], [sflag:$0x5], $0x10, s3, s20, $0xb8;
	[tilespmem:$0xAA80] =	vst v63  }
0x4a: {  	_ =	swait.ge @p1 [sflag:s0], $0x800  }
0x4b: {  	s2 =	sshrl.u32 @p1 s16, $0x3;
	s6 =	simm.s32 @p1 $0x0;
	[sflag:s0] =	ssyncset.done @p1 $0x0  }
0x4c: {  	s2 =	sadd.s32 @p1 s4, s2;
	[sflag:s0] =	ssyncadd.s32 @p1 $0xFFFFF800;
	s0 =	simm.s32 @p1 $0x2  }
0x4d: {  	[tilespmem:s6], [sflag:$0x1] =	stream.linear.gather @p1 [hbm4b:s2+s6], $0x80, $0x38;
	[tilespmem:$0xAA80] =	vst v63  }
0x4e: {  	p3 =	por @p1 $0x0, $0x0;
	_ =	swait.ge @p1 [sflag:s0], $0x80  }
0x4f: {  	s8 =	simm.s32 @p1 $0x280;
	p4 =	por p3, !p1;
	[sflag:s0] =	ssyncset.done @p1 $0x0  }
0x50: {  	s2 =	simm.s32 @p1 $0x80;
	[sflag:s0] =	ssyncadd.s32 @p1 $0xFFFFFF80;
	s0 =	simm.s32 @p1 $0x6  }
0x51: {  	[spmem:s1] =	stream.indirect.scatter.add.f32 @p1 [tilespmem:s8], [sflag:$0x6], $0x10, s2, s2, $0xb8;
	[tilespmem:$0xAA80] =	vst v63  }
0x52: {  	s30 =	sadd.s32 $0x200, s16;
	p5 =	por @!p4 $0x0, $0x0;
	_ =	swait.ge @p1 [sflag:s0], $0x800  }
0x53: {  	p3 =	por @p1 p5, p3;
	s8 =	rddreg [dreg:$0x4];
	[sflag:s0] =	ssyncset.done @p1 $0x0  }
0x54: {  	[sflag:s0] =	ssyncadd.s32 @p1 $0xFFFFF800;
	s0 =	sadd.s32 @p1 $0x0, s8;
	s8 =	simm.s32 @!p4 $0x3  }
0x55: {  	[tilespmem:s2], [sflag:$0x2] =	stream.linear.gather @p1 [hbm4b:s0+s6], $0x80, $0x38;
	[tilespmem:$0xAA80] =	vst v63  }
0x56: {  	s13 =	simm.s32 @!p0 $0x280;
	p3 =	por p3, !p1;
	_ =	swait.ge @!p4 [sflag:s8], $0x80  }
0x57: {  	s9 =	simm.s32 @!p3 $0x7;
	s0 =	simm.s32 @!p4 $0x100;
	[sflag:s8] =	ssyncset.done @!p4 $0x0  }
0x58: {  	s2 =	simm.s32 @!p4 $0x80;
	s6 =	simm.s32 @!p4 $0x280;
	[sflag:s8] =	ssyncadd.s32 @!p4 $0xFFFFFF80  }
0x59: {  	[spmem:s1] =	stream.indirect.scatter.add.f32 @!p4 [tilespmem:s6], [sflag:$0x7], $0x10, s0, s2, $0xb8;
	[tilespmem:$0xAA80] =	vst v63  }
0x5a: {  	s11 =	simm.s32 @!p1 $0x2;
	s12 =	simm.s32 @!p1 $0x80;
	_ =	swait.ge @!p3 [sflag:s9], $0x800  }
0x5b: {  	s10 =	simm.s32 @!p3 $0x100;
	s2 =	rddreg [dreg:$0x5];
	[sflag:s9] =	ssyncset.done @!p3 $0x0  }
0x5c: {  	[sflag:s9] =	ssyncadd.s32 @!p3 $0xFFFFF800;
	s9 =	simm.s32 @!p3 $0x0;
	s2 =	sadd.s32 @!p3 $0x0, s2  }
0x5d: {  	[tilespmem:s10], [sflag:$0x3] =	stream.linear.gather @!p3 [hbm4b:s2+s9], $0x80, $0x38;
	[tilespmem:$0xAA80] =	vst v63  }
0x5e: {  	s8 =	simm.s32 $0x80;
	s0 =	simm.s32 $0x40;
	_ =	swait.ge @!p1 [sflag:s11], $0x80  }
0x5f: {  	s6 =	simm.s32 @!p2 $0x80;
	s2 =	simm.s32 $0x1;
	[sflag:s11] =	ssyncset.done @!p1 $0x0  }
0x60: {  	s10 =	simm.s32 @!p1 $0x280;
	p3 =	por $0x0, $0x0;
	[sflag:s11] =	ssyncadd.s32 @!p1 $0xFFFFFF80  }
0x61: {  	[spmem:s1] =	stream.indirect.scatter.add.f32 @!p1 [tilespmem:s10], [sflag:$0x6], $0x10, s12, s12, $0xb8;
	[tilespmem:$0xAA80] =	vst v63  }
0x62: {  	s9 =	simm.s32 $0x7;
	s12 =	simm.s32 @!p0 $0x4;
	p1 =	por @!p3 $0x0, $0x0  }
0x63: {  	s10 =	simm.s32 @!p3 $0x80;
	p2 =	por p1, p3;
	_ =	swait.ge @!p0 [sflag:s12], $0x80  }
.LBB2_6:
0x64: {  	[sflag:s12] =	ssyncset.done @!p0 $0x0  }
0x65: {  	s14 =	simm.s32 @!p2 $0x8;
	s11 =	smov.u32 s0;
	[sflag:s12] =	ssyncadd.s32 @!p0 $0xFFFFFF80  }
0x66: {  	[spmem:s1] =	stream.indirect.scatter.add.f32 @!p0 [tilespmem:s13], [sflag:$0x8], $0x10, s21, s6, $0xb8;
	[tilespmem:$0xAA80] =	vst v63  }
0x67: {  	s6 =	smov.u32 s10;
	p0 =	por p3, p3;
	_ =	swait.ge @!p2 [sflag:s14], $0x800  }
0x68: {  	s12 =	simm.s32 @!p0 $0x0;
	[sflag:s14] =	ssyncset.done @!p2 $0x0;
	s10 =	rddreg [dreg:$0x3]  }
0x69: {  	s21 =	simm.s32 @!p0 $0x180;
	[sflag:s14] =	ssyncadd.s32 @!p2 $0xFFFFF800;
	s10 =	sadd.s32 @!p0 s11, s10  }
0x6a: {  	[tilespmem:s21], [sflag:$0x4] =	stream.linear.gather @!p0 [hbm4b:s10+s12], $0x80, $0x38;
	[tilespmem:$0xAA80] =	vst v63  }
0x6b: {  	_ =	swait.ge [sflag:s22], $0x80  }
0x6c: {  	p2 =	sne.s32 s11, $0x4C0;
	[sflag:s22] =	ssyncset.done $0x0  }
0x6d: {  	s10 =	simm.s32 @p2 $0x5;
	[sflag:s22] =	ssyncadd.s32 $0xFFFFFF80  }
0x6e: {  	[spmem:s1] =	stream.indirect.scatter.add.f32 [tilespmem:s23], [sflag:$0x5], $0x10, s3, s20, $0xb8;
	[tilespmem:$0xAA80] =	vst v63  }
0x6f: {  	_ =	swait.ge @p2 [sflag:s10], $0x800  }
0x70: {  	s12 =	sshrl.u32 @p2 s30, $0x3;
	s13 =	simm.s32 @p2 $0x0;
	[sflag:s10] =	ssyncset.done @p2 $0x0  }
0x71: {  	s12 =	sadd.s32 @p2 s4, s12;
	[sflag:s10] =	ssyncadd.s32 @p2 $0xFFFFF800;
	s10 =	simm.s32 @p2 $0x2  }
0x72: {  	[tilespmem:s13], [sflag:$0x1] =	stream.linear.gather @p2 [hbm4b:s12+s13], $0x80, $0x38;
	[tilespmem:$0xAA80] =	vst v63  }
0x73: {  	s0 =	smov.u32 s8;
	p3 =	sgt.u32 @p2 s2, $0x12;
	_ =	swait.ge @p2 [sflag:s10], $0x80  }
0x74: {  	s14 =	simm.s32 @p2 $0x280;
	p4 =	por p3, !p2;
	[sflag:s10] =	ssyncset.done @p2 $0x0  }
0x75: {  	s12 =	simm.s32 @p2 $0x80;
	[sflag:s10] =	ssyncadd.s32 @p2 $0xFFFFFF80;
	s10 =	simm.s32 @p2 $0x6  }
0x76: {  	[spmem:s1] =	stream.indirect.scatter.add.f32 @p2 [tilespmem:s14], [sflag:$0x6], $0x10, s12, s12, $0xb8;
	[tilespmem:$0xAA80] =	vst v63  }
0x77: {  	s8 =	sadd.s32 $0x40, s8;
	p5 =	seq.s32 @!p4 s11, $0x480;
	_ =	swait.ge @p2 [sflag:s10], $0x800  }
0x78: {  	p3 =	por @p2 p5, p3;
	[sflag:s10] =	ssyncset.done @p2 $0x0;
	s14 =	rddreg [dreg:$0x4]  }
0x79: {  	[sflag:s10] =	ssyncadd.s32 @p2 $0xFFFFF800;
	s10 =	sadd.s32 @p2 s11, s14;
	s14 =	simm.s32 @!p4 $0x3  }
0x7a: {  	[tilespmem:s12], [sflag:$0x2] =	stream.linear.gather @p2 [hbm4b:s10+s13], $0x80, $0x38;
	[tilespmem:$0xAA80] =	vst v63  }
0x7b: {  	s9 =	sadd.s32 $0x4, s9;
	p3 =	por p3, !p2;
	_ =	swait.ge @!p4 [sflag:s14], $0x80  }
0x7c: {  	s10 =	simm.s32 @!p4 $0x100;
	s12 =	simm.s32 @!p4 $0x80;
	[sflag:s14] =	ssyncset.done @!p4 $0x0  }
0x7d: {  	s13 =	simm.s32 @!p4 $0x280;
	[sflag:s14] =	ssyncadd.s32 @!p4 $0xFFFFFF80;
	s14 =	simm.s32 @!p3 $0x7  }
0x7e: {  	[spmem:s1] =	stream.indirect.scatter.add.f32 @!p4 [tilespmem:s13], [sflag:$0x7], $0x10, s10, s12, $0xb8;
	[tilespmem:$0xAA80] =	vst v63  }
0x7f: {  	p1 =	sne.s32 s8, $0x500;
	s30 =	sadd.s32 $0x200, s30;
	_ =	swait.ge @!p3 [sflag:s14], $0x800  }
0x80: {  	s2 =	sadd.s32 $0x1, s2;
	s12 =	simm.s32 @!p3 $0x0;
	[sflag:s14] =	ssyncset.done @!p3 $0x0  }
0x81: {  	s13 =	simm.s32 @!p3 $0x100;
	s10 =	rddreg [dreg:$0x5];
	[sflag:s14] =	ssyncadd.s32 @!p3 $0xFFFFF800  }
0x82: {  	s10 =	sadd.s32 @!p3 s11, s10;
	s11 =	simm.s32 @!p2 $0x2;
	s14 =	simm.s32 @!p2 $0x280  }
0x83: {  	[tilespmem:s13], [sflag:$0x3] =	stream.linear.gather @!p3 [hbm4b:s10+s12], $0x80, $0x38;
	[tilespmem:$0xAA80] =	vst v63  }
.Ltmp2:
0x84: {  	s13 =	simm.s32 @!p2 $0x80;
	_ =	swait.ge @!p2 [sflag:s11], $0x80;
	(pc) =	sbr.rel @p1 .LBB2_6-.Ltmp2, $4  }
0x85: {  	p3 =	sgt.u32 s9, $0x4D;
	s12 =	simm.s32 @!p0 $0x4;
	[sflag:s11] =	ssyncset.done @!p2 $0x0  }
0x86: {  	p4 =	seq.s32 @!p3 s0, $0x0;
	s10 =	simm.s32 @!p3 $0x80;
	[sflag:s11] =	ssyncadd.s32 @!p2 $0xFFFFFF80  }
0x87: {  	[spmem:s1] =	stream.indirect.scatter.add.f32 @!p2 [tilespmem:s14], [sflag:$0x6], $0x10, s13, s13, $0xb8;
	[tilespmem:$0xAA80] =	vst v63  }
0x88: {  	p2 =	por p4, p3;
	s13 =	simm.s32 @!p0 $0x280;
	_ =	swait.ge @!p0 [sflag:s12], $0x80  }
0x89: {  	[sflag:s12] =	ssyncset.done @!p0 $0x0  }
0x8a: {  	s8 =	simm.s32 @!p2 $0x8;
	[sflag:s12] =	ssyncadd.s32 @!p0 $0xFFFFFF80  }
0x8b: {  	[spmem:s1] =	stream.indirect.scatter.add.f32 @!p0 [tilespmem:s13], [sflag:$0x8], $0x10, s21, s6, $0xb8;
	[tilespmem:$0xAA80] =	vst v63  }
0x8c: {  	p0 =	por p3, p3;
	_ =	swait.ge @!p2 [sflag:s8], $0x800  }
0x8d: {  	s6 =	simm.s32 @!p0 $0x180;
	s9 =	rddreg [dreg:$0x3];
	[sflag:s8] =	ssyncset.done @!p2 $0x0  }
0x8e: {  	[sflag:s8] =	ssyncadd.s32 @!p2 $0xFFFFF800;
	s8 =	simm.s32 @!p0 $0x0;
	s9 =	sadd.s32 @!p0 s0, s9  }
0x8f: {  	[tilespmem:s6], [sflag:$0x4] =	stream.linear.gather @!p0 [hbm4b:s9+s8], $0x80, $0x38;
	[tilespmem:$0xAA80] =	vst v63  }
0x90: {  	_ =	swait.ge [sflag:s22], $0x80  }
0x91: {  	p1 =	sne.s32 s0, $0x4C0;
	[sflag:s22] =	ssyncset.done $0x0  }
0x92: {  	s8 =	simm.s32 @p1 $0x5;
	[sflag:s22] =	ssyncadd.s32 $0xFFFFFF80  }
0x93: {  	[spmem:s1] =	stream.indirect.scatter.add.f32 [tilespmem:s23], [sflag:$0x5], $0x10, s3, s20, $0xb8;
	[tilespmem:$0xAA80] =	vst v63  }
0x94: {  	_ =	swait.ge @p1 [sflag:s8], $0x800  }
0x95: {  	s11 =	simm.s32 @p1 $0x0;
	s9 =	sshrl.u32 @p1 s30, $0x3;
	[sflag:s8] =	ssyncset.done @p1 $0x0  }
0x96: {  	s9 =	sadd.s32 @p1 s4, s9;
	[sflag:s8] =	ssyncadd.s32 @p1 $0xFFFFF800;
	s8 =	simm.s32 @p1 $0x2  }
0x97: {  	[tilespmem:s11], [sflag:$0x1] =	stream.linear.gather @p1 [hbm4b:s9+s11], $0x80, $0x38;
	[tilespmem:$0xAA80] =	vst v63  }
0x98: {  	_ =	swait.ge @p1 [sflag:s8], $0x80  }
0x99: {  	s12 =	simm.s32 @p1 $0x280;
	[sflag:s8] =	ssyncset.done @p1 $0x0  }
0x9a: {  	s9 =	simm.s32 @p1 $0x80;
	[sflag:s8] =	ssyncadd.s32 @p1 $0xFFFFFF80;
	s8 =	simm.s32 @p1 $0x6  }
0x9b: {  	[spmem:s1] =	stream.indirect.scatter.add.f32 @p1 [tilespmem:s12], [sflag:$0x6], $0x10, s9, s9, $0xb8;
	[tilespmem:$0xAA80] =	vst v63  }
0x9c: {  	_ =	swait.ge @p1 [sflag:s8], $0x800  }
0x9d: {  	p2 =	sgt.u32 @p1 s2, $0x12;
	s12 =	rddreg [dreg:$0x4];
	[sflag:s8] =	ssyncset.done @p1 $0x0  }
0x9e: {  	p3 =	por p2, !p1;
	[sflag:s8] =	ssyncadd.s32 @p1 $0xFFFFF800;
	s2 =	sadd.s32 @p1 s0, s12  }
0x9f: {  	[tilespmem:s9], [sflag:$0x2] =	stream.linear.gather @p1 [hbm4b:s2+s11], $0x80, $0x38;
	[tilespmem:$0xAA80] =	vst v63  }
0xa0: {  	s2 =	simm.s32 @!p3 $0x3  }
0xa1: {  	_ =	swait.ge @!p3 [sflag:s2], $0x80  }
0xa2: {  	s8 =	simm.s32 @!p3 $0x100;
	[sflag:s2] =	ssyncset.done @!p3 $0x0  }
0xa3: {  	s9 =	simm.s32 @!p3 $0x80;
	[sflag:s2] =	ssyncadd.s32 @!p3 $0xFFFFFF80;
	s2 =	simm.s32 @!p3 $0x280  }
0xa4: {  	[spmem:s1] =	stream.indirect.scatter.add.f32 @!p3 [tilespmem:s2], [sflag:$0x7], $0x10, s8, s9, $0xb8;
	[tilespmem:$0xAA80] =	vst v63  }
0xa5: {  	p3 =	seq.s32 @!p3 s0, $0x480  }
0xa6: {  	p2 =	por @p1 p3, p2  }
0xa7: {  	p2 =	por p2, !p1  }
0xa8: {  	s2 =	simm.s32 @!p2 $0x7  }
0xa9: {  	_ =	swait.ge @!p2 [sflag:s2], $0x800  }
0xaa: {  	[sflag:s2] =	ssyncset.done @!p2 $0x0  }
0xab: {  	s8 =	rddreg [dreg:$0x5];
	[sflag:s2] =	ssyncadd.s32 @!p2 $0xFFFFF800  }
0xac: {  	s2 =	simm.s32 @!p2 $0x0;
	s0 =	sadd.s32 @!p2 s0, s8;
	s8 =	simm.s32 @!p2 $0x100  }
0xad: {  	[tilespmem:s8], [sflag:$0x3] =	stream.linear.gather @!p2 [hbm4b:s0+s2], $0x80, $0x38;
	[tilespmem:$0xAA80] =	vst v63  }
0xae: {  	s0 =	simm.s32 @!p1 $0x2  }
0xaf: {  	_ =	swait.ge @!p1 [sflag:s0], $0x80  }
0xb0: {  	[sflag:s0] =	ssyncset.done @!p1 $0x0  }
0xb1: {  	s2 =	simm.s32 @!p1 $0x280;
	[sflag:s0] =	ssyncadd.s32 @!p1 $0xFFFFFF80;
	s0 =	simm.s32 @!p1 $0x80  }
0xb2: {  	[spmem:s1] =	stream.indirect.scatter.add.f32 @!p1 [tilespmem:s2], [sflag:$0x6], $0x10, s0, s0, $0xb8;
	[tilespmem:$0xAA80] =	vst v63  }
0xb3: {  	s0 =	simm.s32 @!p0 $0x4  }
0xb4: {  	_ =	swait.ge @!p0 [sflag:s0], $0x80  }
0xb5: {  	[sflag:s0] =	ssyncset.done @!p0 $0x0  }
0xb6: {  	[sflag:s0] =	ssyncadd.s32 @!p0 $0xFFFFFF80;
	s0 =	simm.s32 @!p0 $0x280  }
0xb7: {  	[spmem:s1] =	stream.indirect.scatter.add.f32 @!p0 [tilespmem:s0], [sflag:$0x8], $0x10, s6, s10, $0xb8;
	[tilespmem:$0xAA80] =	vst v63  }
0xb8: {  	_ =	swait.ge [sflag:s24], $0x800  }
0xb9: {  	[sflag:s24] =	ssyncset.done $0x0  }
0xba: {  	[sflag:s24] =	ssyncadd.s32 $0xFFFFF800  }
0xbb: {  	_ =	swait.ge [sflag:s25], $0x800  }
0xbc: {  	[sflag:s25] =	ssyncset.done $0x0  }
0xbd: {  	[sflag:s25] =	ssyncadd.s32 $0xFFFFF800  }
0xbe: {  	_ =	swait.ge [sflag:s26], $0x800  }
0xbf: {  	[sflag:s26] =	ssyncset.done $0x0  }
0xc0: {  	[sflag:s26] =	ssyncadd.s32 $0xFFFFF800  }
0xc1: {  	_ =	swait.ge [sflag:s28], $0x800  }
0xc2: {  	[sflag:s28] =	ssyncset.done $0x0  }
0xc3: {  	[sflag:s28] =	ssyncadd.s32 $0xFFFFF800  }
0xc4: {  	_ =	swait.ge [sflag:s29], $0x10  }
0xc5: {  	[sflag:s29] =	ssyncset.done $0x0  }
0xc6: {  	s12 =	simm.s32 $0x10;
	[sflag:s29] =	ssyncadd.s32 $0xFFFFFFF0  }
0xc7: {  	[spmem:s1] =	stream.indirect.scatter.add.f32 [tilespmem:s23], [sflag:$0xA], $0x10, s17, s12, $0xb8;
	[tilespmem:$0xAA80] =	vst v63  }
0xc8: {  	_ =	swait.ge [sflag:s19], $0x100  }
0xc9: {  	[sflag:s19] =	ssyncset.done $0x0  }
0xca: {  	s13 =	stileid.u32;
	[sflag:s19] =	ssyncadd.s32 $0xFFFFFF00  }
0xcb: {  	s0 =	sshll.u32 s13, $0x6;
	[bflag:$0x0] =	sbarrier.arrive $0xFFFF  }
0xcc: {  	s14 =	sshrl.u32 s7, $0x3;
	s0 =	sor.u32 $0x1C0A, s0;
	s21 =	rddreg [dreg:$0x9]  }
0xcd: {  	[hbm:s21], [sflag:s0] =	dma.local [spmem:s14], $0x2800  }
0xce: {  	_ =	swait.ge [sflag:s19], $0x2800  }
0xcf: {  	s31 =	sadd.s32 $0x1, s31;
	s30 =	rddreg [dreg:$0xa]  }
0xd0: {  	p0 =	sne.s32 s31, s30  }
.Ltmp3:
0xd1: {  	_ = 	snop;
	(pc) =	sbr.rel @p0 .LBB2_1-.Ltmp3, $3  }
0xd2: {  	_ =	sdelay $0x1  }
0xd3: {  	[sflag:s19] =	ssyncset.done $0x0  }
0xd4: {  	[sflag:s19] =	ssyncadd.s32 $0xFFFFD800  }
0xd5: {  	_ =	sfence.sel $0x180000  }
0xd6: {  	[bflag:$0x0] =	sbarrier.arrive $0xFFFF  }
0xd7: {  	_ =	strace $0x90000047  }
0xd8: {  	s0 =	stileid.u32;
	[bflag:$0x2] =	sbarrier.arrive $0xFFFF  }
0xd9: {  	p0 =	sne.s32 s0, $0x0;
	s0 =	rddreg [dreg:$0x2]  }
0xda: {  	s0 =	sadd.s32 @!p0 $0x100000, s0  }
0xdb: {  	[sflag:s0] =	ssyncadd.tile.s32 @!p0 $0x1;
	_ =	shalt  }
.Lfunc_end2:
_tile_overlayer_lowered:
.L_overlay_start_2:
0xdc: {  	(tag) =	ssettag $0x2  }
0xdd: {  	s0 =	rddreg [dreg:$0x0];
	s2 =	stileid.u32  }
0xde: {  	s1 =	rddreg [dreg:$0x1];
	p0 =	sne.s32 s2, $0x0  }
0xdf: {  	s3 =	rddreg [dreg:$0x2];
	[bflag:$0x3] =	sbarrier.arrive $0xFFFF;
	s2 =	simm.s32 @!p0 $0x1C0A  }
0xe0: {  	[timem:s3], [sflag:s2] =	dma.local @!p0 [hbm:s0], s1  }
0xe1: {  	s0 =	simm.s32 @!p0 $0xA  }
0xe2: {  	_ =	swait.ge @!p0 [sflag:s0], s1  }
0xe3: {  	s1 =	ssub.s32 @!p0 $0x0, s1;
	[sflag:s0] =	ssyncset.done @!p0 $0x0  }
0xe4: {  	[sflag:s0] =	ssyncadd.s32 @!p0 s1  }
0xe5: {  	[bflag:$0x3] =	sbarrier.arrive $0xFFFF  }
0xe6: {  	_ =	shalt  }

</sc_bundles>
